<compile_context>
chip_gen: v7x
topology: tpu7x:2x2x1
jax: 0.10.2.dev20260603
libtpu: 0.0.44.dev20260713+nightly
codegen_flags: <defaults>
</compile_context>

<pallas_src>
import functools

import jax
import jax.numpy as jnp
import numpy as np
from jax import lax
from jax.experimental import pallas as pl
from jax.experimental.pallas import tpu as pltpu
from jax.experimental.pallas import tpu_sc as plsc

N_NODES = 10000
N_EDGES = 160000
MUL = 32

NW = 32
NBUF = 4
CHUNK = 128
CHUNKS = 40
EP = NW * CHUNKS * CHUNK
SN = 10112
STRIPE = SN // 16

ISQ3 = float(1.0 / np.sqrt(3.0))
A0 = float(np.sqrt(1.0 / 64.0))
A1 = float(np.sqrt(3.0 / 64.0))

@functools.cache
def _mesh():
    return plsc.VectorSubcoreMesh(core_axis_name="c", subcore_axis_name="s",
                                  num_cores=2, num_subcores=16)

_PERM = np.concatenate([np.arange(32)] + [32 + 3 * np.arange(32) + m for m in range(3)])



def _gather_body(nap_hbm, idx_hbm, out_hbm, idx_vm, rows_v, sem0, sem1):
    c = lax.axis_index("c")
    s = lax.axis_index("s")
    wid = s * 2 + c
    sems = (sem0, sem1)

    pltpu.sync_copy(idx_hbm.at[wid], idx_vm)

    def body(g, carry):
        j0 = NBUF * g
        gd = [pltpu.async_copy(nap_hbm.at[idx_vm.at[j0 + b]], rows_v.at[b],
                               sems[0]) for b in range(NBUF)]
        for d in gd:
            d.wait()
        wd = [pltpu.async_copy(
            rows_v.at[b],
            out_hbm.at[pl.ds((wid * CHUNKS + j0 + b) * CHUNK, CHUNK)],
            sems[1]) for b in range(NBUF)]
        for d in wd:
            d.wait()
        return carry

    lax.fori_loop(0, CHUNKS // NBUF, body, 0)


@functools.cache
def _sc_gather():
    return pl.kernel(
        _gather_body,
        out_type=jax.ShapeDtypeStruct((EP, 128), jnp.float32),
        mesh=_mesh(),
        scratch_types=[
            pltpu.VMEM((CHUNKS, CHUNK), jnp.int32),
            pltpu.VMEM((NBUF, CHUNK, 128), jnp.float32),
            pltpu.SemaphoreType.DMA,
            pltpu.SemaphoreType.DMA,
        ],
    )



def _scatter_sums_body(tp_hbm, src_hbm, zs_hbm, sums_out,
                       i0, i1, r0, r1, acc_sh, sem_i, sem_r):
    c = lax.axis_index("c")
    s = lax.axis_index("s")
    wid = s * 2 + c
    idxs = (i0, i1)
    rows = (r0, r1)

    pltpu.sync_copy(zs_hbm.at[pl.ds(s * STRIPE, STRIPE)],
                    acc_sh.at[pl.ds(s * STRIPE, STRIPE)])
    plsc.subcore_barrier()

    def body(g, carry):
        j0 = 2 * g
        ld = []
        for b in range(2):
            r = wid * CHUNKS + j0 + b
            ld.append(pltpu.async_copy(src_hbm.at[r], idxs[b], sem_i))
            ld.append(pltpu.async_copy(tp_hbm.at[pl.ds(r * CHUNK, CHUNK)],
                                       rows[b], sem_r))
        for b in range(2):
            ld[2 * b].wait()
            ld[2 * b + 1].wait()
            pltpu.sync_copy(rows[b], acc_sh.at[idxs[b]], add=True)
        return carry

    lax.fori_loop(0, CHUNKS // 2, body, 0)
    plsc.subcore_barrier()
    pltpu.sync_copy(acc_sh.at[pl.ds(s * STRIPE, STRIPE)],
                    sums_out.at[c, pl.ds(s * STRIPE, STRIPE)])


def _scatter_cnts_body(src_hbm, zs_hbm, ones_hbm, cnts_out,
                       i0, ones_v, acc_sh):
    c = lax.axis_index("c")
    s = lax.axis_index("s")
    wid = s * 2 + c
    pltpu.sync_copy(ones_hbm, ones_v)
    pltpu.sync_copy(zs_hbm.at[pl.ds(s * STRIPE, STRIPE)],
                    acc_sh.at[pl.ds(s * STRIPE, STRIPE)])
    plsc.subcore_barrier()

    def body(j, carry):
        r = wid * CHUNKS + j
        pltpu.sync_copy(src_hbm.at[r], i0)
        pltpu.sync_copy(ones_v, acc_sh.at[i0], add=True)
        return carry

    lax.fori_loop(0, CHUNKS, body, 0)
    plsc.subcore_barrier()
    pltpu.sync_copy(acc_sh.at[pl.ds(s * STRIPE, STRIPE)],
                    cnts_out.at[c, pl.ds(s * STRIPE, STRIPE)])


@functools.cache
def _sc_scatter_sums():
    return pl.kernel(
        _scatter_sums_body,
        out_type=jax.ShapeDtypeStruct((2, SN, 128), jnp.float32),
        mesh=_mesh(),
        scratch_types=[
            pltpu.VMEM((CHUNK,), jnp.int32),
            pltpu.VMEM((CHUNK,), jnp.int32),
            pltpu.VMEM((CHUNK, 128), jnp.float32),
            pltpu.VMEM((CHUNK, 128), jnp.float32),
            pltpu.VMEM_SHARED((SN, 128), jnp.float32),
            pltpu.SemaphoreType.DMA,
            pltpu.SemaphoreType.DMA,
        ],
    )


@functools.cache
def _sc_scatter_cnts():
    return pl.kernel(
        _scatter_cnts_body,
        out_type=jax.ShapeDtypeStruct((2, SN, 128), jnp.float32),
        mesh=_mesh(),
        scratch_types=[
            pltpu.VMEM((CHUNK,), jnp.int32),
            pltpu.VMEM((CHUNK, 128), jnp.float32),
            pltpu.VMEM_SHARED((SN, 128), jnp.float32),
        ],
    )



TCB = 1024


def _tc_compute_body(x_ref, ea_ref, esh_ref, w1t_ref, w2t_ref, tp_ref):
    b = TCB
    xt = x_ref[...].T
    ht = jnp.maximum(jnp.dot(w1t_ref[...], ea_ref[...],
                             preferred_element_type=jnp.float32), 0.0)
    hta = jnp.concatenate([ht, jnp.ones((1, b), jnp.float32)], axis=0)
    wt = jnp.dot(w2t_ref[...], hta.astype(jnp.bfloat16),
                 preferred_element_type=jnp.float32)

    s1 = xt[0:32]
    v1 = [xt[32 + 32 * m:64 + 32 * m] for m in range(3)]
    s2 = esh_ref[0:1]
    v2 = [esh_ref[1 + m:2 + m] for m in range(3)]

    d = v1[0] * v2[0] + v1[1] * v2[1] + v1[2] * v2[2]

    def contract(base, coef):
        acc = wt[base:base + 32] * coef[0:1]
        for u in range(1, 32):
            acc = acc + wt[base + 32 * u:base + 32 * (u + 1)] * coef[u:u + 1]
        return acc

    c1 = contract(0, s1)
    c2 = contract(1024, s1)
    c3 = [contract(2048, v1[m]) for m in range(3)]
    c4 = contract(3072, d)

    out0 = A0 * (c1 * s2 + ISQ3 * c4)
    o1 = [A1 * ISQ3 * (c2 * v2[m] + c3[m] * s2) for m in range(3)]
    tpt = jnp.concatenate([out0] + o1, axis=0)
    tp_ref[...] = tpt.T


def _tc_compute(x, eat, esht, w1t, w2t):
    grid = (EP // TCB,)
    return pl.pallas_call(
        _tc_compute_body,
        grid=grid,
        in_specs=[
            pl.BlockSpec((TCB, 128), lambda i: (i, 0)),
            pl.BlockSpec((17, TCB), lambda i: (0, i)),
            pl.BlockSpec((4, TCB), lambda i: (0, i)),
            pl.BlockSpec((64, 17), lambda i: (0, 0)),
            pl.BlockSpec((4096, 65), lambda i: (0, 0)),
        ],
        out_specs=pl.BlockSpec((TCB, 128), lambda i: (i, 0)),
        out_shape=jax.ShapeDtypeStruct((EP, 128), jnp.float32),
        compiler_params=pltpu.CompilerParams(
            dimension_semantics=("arbitrary",)),
    )(x, eat, esht, w1t, w2t)



FNB = 1000


def _tc_final_body(s0_ref, s1_ref, c0_ref, c1_ref, nap_ref, m_ref, out_ref):
    cnt = c0_ref[:, 0:1] + c1_ref[:, 0:1]
    denom = jnp.maximum(cnt, 1.0)
    res = (s0_ref[...] + s1_ref[...]) / denom + nap_ref[...]
    out_ref[...] = jnp.dot(res, m_ref[...], preferred_element_type=jnp.float32)


def _tc_finalize(s0, s1, c0, c1, nap, mperm):
    grid = (N_NODES // FNB,)
    return pl.pallas_call(
        _tc_final_body,
        grid=grid,
        in_specs=[
            pl.BlockSpec((FNB, 128), lambda i: (i, 0)),
            pl.BlockSpec((FNB, 128), lambda i: (i, 0)),
            pl.BlockSpec((FNB, 128), lambda i: (i, 0)),
            pl.BlockSpec((FNB, 128), lambda i: (i, 0)),
            pl.BlockSpec((FNB, 128), lambda i: (i, 0)),
            pl.BlockSpec((128, 128), lambda i: (0, 0)),
        ],
        out_specs=pl.BlockSpec((FNB, 128), lambda i: (i, 0)),
        out_shape=jax.ShapeDtypeStruct((N_NODES, 128), jnp.float32),
        compiler_params=pltpu.CompilerParams(
            dimension_semantics=("arbitrary",)),
    )(s0, s1, c0, c1, nap, mperm)



def kernel(node_attr, edge_index, edge_attr, edge_sh, W1, b1, W2, b2):
    f32 = jnp.float32
    nap = node_attr[:, _PERM]
    edge_dst = edge_index[0]
    edge_src = edge_index[1]
    pad = EP - N_EDGES

    dst_pad = jnp.concatenate(
        [edge_dst, jnp.zeros((pad,), jnp.int32)]).reshape(NW, CHUNKS, CHUNK)
    src_pad = jnp.concatenate(
        [edge_src, jnp.full((pad,), N_NODES, jnp.int32)]
    ).reshape(EP // CHUNK, CHUNK)

    eat = jnp.pad(
        jnp.concatenate([edge_attr.T, jnp.ones((1, N_EDGES), f32)], axis=0),
        ((0, 0), (0, pad)))
    esht = jnp.pad(edge_sh.T, ((0, 0), (0, pad)))
    w1t = jnp.concatenate([W1, b1[None, :]], axis=0).T
    w2t = jnp.concatenate([W2, b2[None, :]], axis=0).T.astype(jnp.bfloat16)

    zs = jnp.zeros((SN, 128), f32)
    ones = jnp.ones((CHUNK, 128), f32)
    cnts = _sc_scatter_cnts()(src_pad, zs, ones)
    x = _sc_gather()(nap, dst_pad)
    tp = _tc_compute(x, eat, esht, w1t, w2t)
    sums = _sc_scatter_sums()(tp, src_pad, zs)

    mperm = jnp.zeros((128, 128), f32).at[np.arange(128), _PERM].set(1.0)

    return _tc_finalize(sums[0, :N_NODES], sums[1, :N_NODES],
                        cnts[0, :N_NODES], cnts[1, :N_NODES], nap, mperm)

# --- scband reference (transcript-rebuilt; emitter-appended) ---
"""Pipeline reference for scband-tensor-product-conv-layer-20607253086901 (READ-ONLY COPY).

The authoritative reference and input builder live on the scoring server;
editing this copy changes nothing except your own understanding.
"""

import jax, jax.numpy as jnp
import numpy as np

N_NODES = 10000
N_EDGES = 160000
D_NODE = 128
D_EDGE = 16
HIDDEN = 64
WEIGHT_NUMEL = 4096
MUL = 32


def setup_inputs(seed: int = 0) -> dict:
    key = jax.random.key(seed)
    k = jax.random.split(key, 8)
    node_attr = jax.random.normal(k[0], (N_NODES, D_NODE), dtype=jnp.float32)
    edge_index = jax.random.randint(k[1], (2, N_EDGES), 0, N_NODES, dtype=jnp.int32)
    edge_attr = jax.random.normal(k[2], (N_EDGES, D_EDGE), dtype=jnp.float32)
    edge_sh = jax.random.normal(k[3], (N_EDGES, 4), dtype=jnp.float32)
    # FCBlock params: Linear(16,64) -> ReLU -> Dropout(0) -> Linear(64, weight_numel)
    W1 = jax.random.normal(k[4], (D_EDGE, HIDDEN), dtype=jnp.float32) / np.sqrt(D_EDGE)
    b1 = jnp.zeros((HIDDEN,), jnp.float32)
    W2 = jax.random.normal(k[5], (HIDDEN, WEIGHT_NUMEL), dtype=jnp.float32) / np.sqrt(HIDDEN)
    b2 = jnp.zeros((WEIGHT_NUMEL,), jnp.float32)
    return dict(node_attr=node_attr, edge_index=edge_index, edge_attr=edge_attr,
                edge_sh=edge_sh, W1=W1, b1=b1, W2=W2, b2=b2)


def _forward(node_attr, edge_attr, edge_sh, W1, b1, W2, b2, edge_index):
    E = edge_attr.shape[0]
    edge_dst = edge_index[0]
    edge_src = edge_index[1]
    # FC block producing per-edge tensor-product weights (edge_weight == 1.0)
    h = jax.nn.relu(edge_attr @ W1 + b1)
    w = h @ W2 + b2  # (E, WEIGHT_NUMEL)
    # gather destination-node features
    x = node_attr[edge_dst]
    s1 = x[:, :MUL]                       # (E, 32) scalars 0e
    v1 = x[:, MUL:].reshape(E, MUL, 3)    # (E, 32, 3) vectors 1o
    s2 = edge_sh[:, :1]                   # (E, 1) sh 0e
    v2 = edge_sh[:, 1:4]                  # (E, 3) sh 1o
    # FullyConnectedTensorProduct paths (uvw): 0e*0e->0e, 0e*1o->1o, 1o*0e->1o, 1o*1o->0e
    w1 = w[:, 0:1024].reshape(E, MUL, MUL)
    w2 = w[:, 1024:2048].reshape(E, MUL, MUL)
    w3 = w[:, 2048:3072].reshape(E, MUL, MUL)
    w4 = w[:, 3072:4096].reshape(E, MUL, MUL)
    isq3 = 1.0 / np.sqrt(3.0)  # wigner-3j factor for l=1 couplings
    a0 = np.sqrt(1.0 / 64.0)   # path norm: (2l+1)/fan_in, fan_in = 32+32
    a1 = np.sqrt(3.0 / 64.0)
    out0 = a0 * (jnp.einsum('euw,eu->ew', w1, s1) * s2
                 + isq3 * jnp.einsum('euw,eum,em->ew', w4, v1, v2))
    out1 = a1 * isq3 * (jnp.einsum('euw,eu->ew', w2, s1)[:, :, None] * v2[:, None, :]
                        + jnp.einsum('euw,eum->ewm', w3, v1) * s2[:, :, None])
    tp_out = jnp.concatenate([out0, out1.reshape(E, MUL * 3)], axis=1)  # (E, 128)
    # scatter-mean over source nodes (pyg scatter reduce='mean')
    sums = jnp.zeros((N_NODES, D_NODE), tp_out.dtype).at[edge_src].add(tp_out)
    counts = jnp.zeros((N_NODES,), tp_out.dtype).at[edge_src].add(1.0)
    out = sums / jnp.clip(counts, 1.0)[:, None]
    # residual (out_size == in_size, so F.pad is a no-op); batch_norm disabled
    return out + node_attr


def reference(node_attr, edge_index, edge_attr, edge_sh, W1, b1, W2, b2):
    return _forward(node_attr, edge_attr, edge_sh, W1, b1, W2, b2, edge_index)

if __name__ == "__main__":
    import jax
    _d = setup_inputs()
    print(jax.jit(kernel)(*tuple(_d.values())))

</pallas_src>

<mosaic_0001>
#map = affine_map<(d0, d1) -> (0, 0)>
#map1 = affine_map<(d0, d1) -> (0, 0, 0)>
module attributes {stable_mosaic.version = 14 : i64} {
  func.func @_gather_body(%arg0: i32, %arg1: i32, %arg2: memref<10000x128xf32, #tpu.memory_space<hbm>>, %arg3: memref<32x40x128xi32, #tpu.memory_space<hbm>>, %arg4: memref<163840x128xf32, #tpu.memory_space<hbm>>, %arg5: memref<40x128xi32, #tpu.memory_space<vmem>>, %arg6: memref<4x128x128xf32, #tpu.memory_space<vmem>>, %arg7: memref<!tpu.dma_semaphore, #tpu.memory_space<semaphore_mem>>, %arg8: memref<!tpu.dma_semaphore, #tpu.memory_space<semaphore_mem>>) attributes {dimension_semantics = [#tpu.dimension_semantics<core_parallel>, #tpu.dimension_semantics<subcore_parallel>], iteration_bounds = array<i64: 2, 16>, scalar_prefetch = 0 : i64, scratch_operands = 4 : i64, tpu.core_type = #tpu.core_type<sc_vector_subcore>, window_params = [{transform_indices = #map}, {transform_indices = #map1}, {transform_indices = #map}]} {
    %mul3A = arith.constant 2 : i32
    %mul3A_0 = arith.muli %arg1, %mul3A : i32
    %add3A = arith.addi %mul3A_0, %arg0 : i32
    "tpu.region"() ({
      %run_scoped3A = tpu.sem_alloc : memref<!tpu.dma_semaphore, #tpu.memory_space<semaphore_mem>>
      %dma_start3A = arith.constant 0 : i32
      %dma_start3A_6 = arith.constant 0 : i32
      %dma_start3A_7 = tpu.memref_slice %arg3[%add3A, %dma_start3A, %dma_start3A_6] : memref<32x40x128xi32, #tpu.memory_space<hbm>> -> memref<1x40x128xi32, #tpu.memory_space<hbm>>
      %dma_start3A_8 = tpu.memref_squeeze %dma_start3A_7 : memref<1x40x128xi32, #tpu.memory_space<hbm>> -> memref<40x128xi32, #tpu.memory_space<hbm>>
      %dma_start3A_9 = arith.constant 0 : i32
      %dma_start3A_10 = arith.constant 0 : i32
      %dma_start3A_11 = tpu.memref_slice %arg3[%add3A, %dma_start3A_9, %dma_start3A_10] : memref<32x40x128xi32, #tpu.memory_space<hbm>> -> memref<1x40x128xi32, #tpu.memory_space<hbm>>
      %dma_start3A_12 = tpu.memref_squeeze %dma_start3A_11 : memref<1x40x128xi32, #tpu.memory_space<hbm>> -> memref<40x128xi32, #tpu.memory_space<hbm>>
      tpu.enqueue_dma source(%dma_start3A_12 : memref<40x128xi32, #tpu.memory_space<hbm>>) target(%arg5 : memref<40x128xi32, #tpu.memory_space<vmem>>) target_semaphore(%run_scoped3A : memref<!tpu.dma_semaphore, #tpu.memory_space<semaphore_mem>>)
      %dma_wait3A = arith.constant 0 : i32
      %dma_wait3A_13 = arith.constant 0 : i32
      %dma_wait3A_14 = tpu.memref_slice %arg3[%add3A, %dma_wait3A, %dma_wait3A_13] : memref<32x40x128xi32, #tpu.memory_space<hbm>> -> memref<1x40x128xi32, #tpu.memory_space<hbm>>
      %dma_wait3A_15 = tpu.memref_squeeze %dma_wait3A_14 : memref<1x40x128xi32, #tpu.memory_space<hbm>> -> memref<40x128xi32, #tpu.memory_space<hbm>>
      %dma_wait3A_16 = arith.constant 0 : i32
      %dma_wait3A_17 = arith.constant 0 : i32
      %dma_wait3A_18 = tpu.memref_slice %arg3[%add3A, %dma_wait3A_16, %dma_wait3A_17] : memref<32x40x128xi32, #tpu.memory_space<hbm>> -> memref<1x40x128xi32, #tpu.memory_space<hbm>>
      %dma_wait3A_19 = tpu.memref_squeeze %dma_wait3A_18 : memref<1x40x128xi32, #tpu.memory_space<hbm>> -> memref<40x128xi32, #tpu.memory_space<hbm>>
      tpu.wait_dma2 semaphore(%run_scoped3A : memref<!tpu.dma_semaphore, #tpu.memory_space<semaphore_mem>>) src(%dma_wait3A_19 : memref<40x128xi32, #tpu.memory_space<hbm>>) dst(%arg5 : memref<40x128xi32, #tpu.memory_space<vmem>>)
      tpu.yield
    }) : () -> ()
    %scan3A = arith.constant 0 : i32
    %scan3A_1 = arith.constant 0 : i32
    %scan3A_2 = arith.constant 10 : i32
    %scan3A_3 = arith.addi %scan3A_1, %scan3A_2 : i32
    %scan3A_4 = arith.constant 1 : i32
    scf.for %scan3A_6 = %scan3A_1 to %scan3A_3 step %scan3A_4  : i32 {
      %mul3A_7 = arith.constant 4 : i32
      %mul3A_8 = arith.muli %mul3A_7, %scan3A_6 : i32
      %add3A_9 = arith.constant 0 : i32
      %add3A_10 = arith.addi %mul3A_8, %add3A_9 : i32
      %dma_start3A = arith.constant 0 : i32
      %dma_start3A_11 = arith.constant 0 : i32
      %dma_start3A_12 = arith.constant 0 : i32
      %dma_start3A_13 = tpu.memref_slice %arg6[%dma_start3A, %dma_start3A_11, %dma_start3A_12] : memref<4x128x128xf32, #tpu.memory_space<vmem>> -> memref<1x128x128xf32, #tpu.memory_space<vmem>>
      %dma_start3A_14 = tpu.memref_squeeze %dma_start3A_13 : memref<1x128x128xf32, #tpu.memory_space<vmem>> -> memref<128x128xf32, #tpu.memory_space<vmem>>
      %dma_start3A_15 = arith.constant 0 : i32
      %dma_start3A_16 = tpu.memref_slice %arg5[%add3A_10, %dma_start3A_15] : memref<40x128xi32, #tpu.memory_space<vmem>> -> memref<1x128xi32, #tpu.memory_space<vmem>>
      %dma_start3A_17 = tpu.memref_squeeze %dma_start3A_16 : memref<1x128xi32, #tpu.memory_space<vmem>> -> memref<128xi32, #tpu.memory_space<vmem>>
      %dma_start3A_18 = arith.constant 0 : i32
      %dma_start3A_19 = arith.constant 0 : i32
      %dma_start3A_20 = tpu.memref_slice %arg2[%dma_start3A_18, %dma_start3A_19] : memref<10000x128xf32, #tpu.memory_space<hbm>> -> memref<10000x128xf32, #tpu.memory_space<hbm>>
      tpu.enqueue_indirect_dma source(%dma_start3A_20 : memref<10000x128xf32, #tpu.memory_space<hbm>>) target(%dma_start3A_14 : memref<128x128xf32, #tpu.memory_space<vmem>>) offsets(%dma_start3A_17 : memref<128xi32, #tpu.memory_space<vmem>>) semaphore(%arg7 : memref<!tpu.dma_semaphore, #tpu.memory_space<semaphore_mem>>)
      %add3A_21 = arith.constant 1 : i32
      %add3A_22 = arith.addi %mul3A_8, %add3A_21 : i32
      %dma_start3A_23 = arith.constant 1 : i32
      %dma_start3A_24 = arith.constant 0 : i32
      %dma_start3A_25 = arith.constant 0 : i32
      %dma_start3A_26 = tpu.memref_slice %arg6[%dma_start3A_23, %dma_start3A_24, %dma_start3A_25] : memref<4x128x128xf32, #tpu.memory_space<vmem>> -> memref<1x128x128xf32, #tpu.memory_space<vmem>>
      %dma_start3A_27 = tpu.memref_squeeze %dma_start3A_26 : memref<1x128x128xf32, #tpu.memory_space<vmem>> -> memref<128x128xf32, #tpu.memory_space<vmem>>
      %dma_start3A_28 = arith.constant 0 : i32
      %dma_start3A_29 = tpu.memref_slice %arg5[%add3A_22, %dma_start3A_28] : memref<40x128xi32, #tpu.memory_space<vmem>> -> memref<1x128xi32, #tpu.memory_space<vmem>>
      %dma_start3A_30 = tpu.memref_squeeze %dma_start3A_29 : memref<1x128xi32, #tpu.memory_space<vmem>> -> memref<128xi32, #tpu.memory_space<vmem>>
      %dma_start3A_31 = arith.constant 0 : i32
      %dma_start3A_32 = arith.constant 0 : i32
      %dma_start3A_33 = tpu.memref_slice %arg2[%dma_start3A_31, %dma_start3A_32] : memref<10000x128xf32, #tpu.memory_space<hbm>> -> memref<10000x128xf32, #tpu.memory_space<hbm>>
      tpu.enqueue_indirect_dma source(%dma_start3A_33 : memref<10000x128xf32, #tpu.memory_space<hbm>>) target(%dma_start3A_27 : memref<128x128xf32, #tpu.memory_space<vmem>>) offsets(%dma_start3A_30 : memref<128xi32, #tpu.memory_space<vmem>>) semaphore(%arg7 : memref<!tpu.dma_semaphore, #tpu.memory_space<semaphore_mem>>)
      %add3A_34 = arith.constant 2 : i32
      %add3A_35 = arith.addi %mul3A_8, %add3A_34 : i32
      %dma_start3A_36 = arith.constant 2 : i32
      %dma_start3A_37 = arith.constant 0 : i32
      %dma_start3A_38 = arith.constant 0 : i32
      %dma_start3A_39 = tpu.memref_slice %arg6[%dma_start3A_36, %dma_start3A_37, %dma_start3A_38] : memref<4x128x128xf32, #tpu.memory_space<vmem>> -> memref<1x128x128xf32, #tpu.memory_space<vmem>>
      %dma_start3A_40 = tpu.memref_squeeze %dma_start3A_39 : memref<1x128x128xf32, #tpu.memory_space<vmem>> -> memref<128x128xf32, #tpu.memory_space<vmem>>
      %dma_start3A_41 = arith.constant 0 : i32
      %dma_start3A_42 = tpu.memref_slice %arg5[%add3A_35, %dma_start3A_41] : memref<40x128xi32, #tpu.memory_space<vmem>> -> memref<1x128xi32, #tpu.memory_space<vmem>>
      %dma_start3A_43 = tpu.memref_squeeze %dma_start3A_42 : memref<1x128xi32, #tpu.memory_space<vmem>> -> memref<128xi32, #tpu.memory_space<vmem>>
      %dma_start3A_44 = arith.constant 0 : i32
      %dma_start3A_45 = arith.constant 0 : i32
      %dma_start3A_46 = tpu.memref_slice %arg2[%dma_start3A_44, %dma_start3A_45] : memref<10000x128xf32, #tpu.memory_space<hbm>> -> memref<10000x128xf32, #tpu.memory_space<hbm>>
      tpu.enqueue_indirect_dma source(%dma_start3A_46 : memref<10000x128xf32, #tpu.memory_space<hbm>>) target(%dma_start3A_40 : memref<128x128xf32, #tpu.memory_space<vmem>>) offsets(%dma_start3A_43 : memref<128xi32, #tpu.memory_space<vmem>>) semaphore(%arg7 : memref<!tpu.dma_semaphore, #tpu.memory_space<semaphore_mem>>)
      %add3A_47 = arith.constant 3 : i32
      %add3A_48 = arith.addi %mul3A_8, %add3A_47 : i32
      %dma_start3A_49 = arith.constant 3 : i32
      %dma_start3A_50 = arith.constant 0 : i32
      %dma_start3A_51 = arith.constant 0 : i32
      %dma_start3A_52 = tpu.memref_slice %arg6[%dma_start3A_49, %dma_start3A_50, %dma_start3A_51] : memref<4x128x128xf32, #tpu.memory_space<vmem>> -> memref<1x128x128xf32, #tpu.memory_space<vmem>>
      %dma_start3A_53 = tpu.memref_squeeze %dma_start3A_52 : memref<1x128x128xf32, #tpu.memory_space<vmem>> -> memref<128x128xf32, #tpu.memory_space<vmem>>
      %dma_start3A_54 = arith.constant 0 : i32
      %dma_start3A_55 = tpu.memref_slice %arg5[%add3A_48, %dma_start3A_54] : memref<40x128xi32, #tpu.memory_space<vmem>> -> memref<1x128xi32, #tpu.memory_space<vmem>>
      %dma_start3A_56 = tpu.memref_squeeze %dma_start3A_55 : memref<1x128xi32, #tpu.memory_space<vmem>> -> memref<128xi32, #tpu.memory_space<vmem>>
      %dma_start3A_57 = arith.constant 0 : i32
      %dma_start3A_58 = arith.constant 0 : i32
      %dma_start3A_59 = tpu.memref_slice %arg2[%dma_start3A_57, %dma_start3A_58] : memref<10000x128xf32, #tpu.memory_space<hbm>> -> memref<10000x128xf32, #tpu.memory_space<hbm>>
      tpu.enqueue_indirect_dma source(%dma_start3A_59 : memref<10000x128xf32, #tpu.memory_space<hbm>>) target(%dma_start3A_53 : memref<128x128xf32, #tpu.memory_space<vmem>>) offsets(%dma_start3A_56 : memref<128xi32, #tpu.memory_space<vmem>>) semaphore(%arg7 : memref<!tpu.dma_semaphore, #tpu.memory_space<semaphore_mem>>)
      %dma_wait3A = arith.constant 0 : i32
      %dma_wait3A_60 = arith.constant 0 : i32
      %dma_wait3A_61 = arith.constant 0 : i32
      %dma_wait3A_62 = tpu.memref_slice %arg6[%dma_wait3A, %dma_wait3A_60, %dma_wait3A_61] : memref<4x128x128xf32, #tpu.memory_space<vmem>> -> memref<1x128x128xf32, #tpu.memory_space<vmem>>
      %dma_wait3A_63 = tpu.memref_squeeze %dma_wait3A_62 : memref<1x128x128xf32, #tpu.memory_space<vmem>> -> memref<128x128xf32, #tpu.memory_space<vmem>>
      %dma_wait3A_64 = arith.constant 0 : i32
      %dma_wait3A_65 = tpu.memref_slice %arg5[%add3A_10, %dma_wait3A_64] : memref<40x128xi32, #tpu.memory_space<vmem>> -> memref<1x128xi32, #tpu.memory_space<vmem>>
      %dma_wait3A_66 = tpu.memref_squeeze %dma_wait3A_65 : memref<1x128xi32, #tpu.memory_space<vmem>> -> memref<128xi32, #tpu.memory_space<vmem>>
      %dma_wait3A_67 = arith.constant 0 : i32
      %dma_wait3A_68 = arith.constant 0 : i32
      %dma_wait3A_69 = tpu.memref_slice %arg2[%dma_wait3A_67, %dma_wait3A_68] : memref<10000x128xf32, #tpu.memory_space<hbm>> -> memref<10000x128xf32, #tpu.memory_space<hbm>>
      tpu.wait_indirect_dma semaphore(%arg7 : memref<!tpu.dma_semaphore, #tpu.memory_space<semaphore_mem>>) src(%dma_wait3A_69 : memref<10000x128xf32, #tpu.memory_space<hbm>>) dst(%dma_wait3A_63 : memref<128x128xf32, #tpu.memory_space<vmem>>)
      %dma_wait3A_70 = arith.constant 1 : i32
      %dma_wait3A_71 = arith.constant 0 : i32
      %dma_wait3A_72 = arith.constant 0 : i32
      %dma_wait3A_73 = tpu.memref_slice %arg6[%dma_wait3A_70, %dma_wait3A_71, %dma_wait3A_72] : memref<4x128x128xf32, #tpu.memory_space<vmem>> -> memref<1x128x128xf32, #tpu.memory_space<vmem>>
      %dma_wait3A_74 = tpu.memref_squeeze %dma_wait3A_73 : memref<1x128x128xf32, #tpu.memory_space<vmem>> -> memref<128x128xf32, #tpu.memory_space<vmem>>
      %dma_wait3A_75 = arith.constant 0 : i32
      %dma_wait3A_76 = tpu.memref_slice %arg5[%add3A_22, %dma_wait3A_75] : memref<40x128xi32, #tpu.memory_space<vmem>> -> memref<1x128xi32, #tpu.memory_space<vmem>>
      %dma_wait3A_77 = tpu.memref_squeeze %dma_wait3A_76 : memref<1x128xi32, #tpu.memory_space<vmem>> -> memref<128xi32, #tpu.memory_space<vmem>>
      %dma_wait3A_78 = arith.constant 0 : i32
      %dma_wait3A_79 = arith.constant 0 : i32
      %dma_wait3A_80 = tpu.memref_slice %arg2[%dma_wait3A_78, %dma_wait3A_79] : memref<10000x128xf32, #tpu.memory_space<hbm>> -> memref<10000x128xf32, #tpu.memory_space<hbm>>
      tpu.wait_indirect_dma semaphore(%arg7 : memref<!tpu.dma_semaphore, #tpu.memory_space<semaphore_mem>>) src(%dma_wait3A_80 : memref<10000x128xf32, #tpu.memory_space<hbm>>) dst(%dma_wait3A_74 : memref<128x128xf32, #tpu.memory_space<vmem>>)
      %dma_wait3A_81 = arith.constant 2 : i32
      %dma_wait3A_82 = arith.constant 0 : i32
      %dma_wait3A_83 = arith.constant 0 : i32
      %dma_wait3A_84 = tpu.memref_slice %arg6[%dma_wait3A_81, %dma_wait3A_82, %dma_wait3A_83] : memref<4x128x128xf32, #tpu.memory_space<vmem>> -> memref<1x128x128xf32, #tpu.memory_space<vmem>>
      %dma_wait3A_85 = tpu.memref_squeeze %dma_wait3A_84 : memref<1x128x128xf32, #tpu.memory_space<vmem>> -> memref<128x128xf32, #tpu.memory_space<vmem>>
      %dma_wait3A_86 = arith.constant 0 : i32
      %dma_wait3A_87 = tpu.memref_slice %arg5[%add3A_35, %dma_wait3A_86] : memref<40x128xi32, #tpu.memory_space<vmem>> -> memref<1x128xi32, #tpu.memory_space<vmem>>
      %dma_wait3A_88 = tpu.memref_squeeze %dma_wait3A_87 : memref<1x128xi32, #tpu.memory_space<vmem>> -> memref<128xi32, #tpu.memory_space<vmem>>
      %dma_wait3A_89 = arith.constant 0 : i32
      %dma_wait3A_90 = arith.constant 0 : i32
      %dma_wait3A_91 = tpu.memref_slice %arg2[%dma_wait3A_89, %dma_wait3A_90] : memref<10000x128xf32, #tpu.memory_space<hbm>> -> memref<10000x128xf32, #tpu.memory_space<hbm>>
      tpu.wait_indirect_dma semaphore(%arg7 : memref<!tpu.dma_semaphore, #tpu.memory_space<semaphore_mem>>) src(%dma_wait3A_91 : memref<10000x128xf32, #tpu.memory_space<hbm>>) dst(%dma_wait3A_85 : memref<128x128xf32, #tpu.memory_space<vmem>>)
      %dma_wait3A_92 = arith.constant 3 : i32
      %dma_wait3A_93 = arith.constant 0 : i32
      %dma_wait3A_94 = arith.constant 0 : i32
      %dma_wait3A_95 = tpu.memref_slice %arg6[%dma_wait3A_92, %dma_wait3A_93, %dma_wait3A_94] : memref<4x128x128xf32, #tpu.memory_space<vmem>> -> memref<1x128x128xf32, #tpu.memory_space<vmem>>
      %dma_wait3A_96 = tpu.memref_squeeze %dma_wait3A_95 : memref<1x128x128xf32, #tpu.memory_space<vmem>> -> memref<128x128xf32, #tpu.memory_space<vmem>>
      %dma_wait3A_97 = arith.constant 0 : i32
      %dma_wait3A_98 = tpu.memref_slice %arg5[%add3A_48, %dma_wait3A_97] : memref<40x128xi32, #tpu.memory_space<vmem>> -> memref<1x128xi32, #tpu.memory_space<vmem>>
      %dma_wait3A_99 = tpu.memref_squeeze %dma_wait3A_98 : memref<1x128xi32, #tpu.memory_space<vmem>> -> memref<128xi32, #tpu.memory_space<vmem>>
      %dma_wait3A_100 = arith.constant 0 : i32
      %dma_wait3A_101 = arith.constant 0 : i32
      %dma_wait3A_102 = tpu.memref_slice %arg2[%dma_wait3A_100, %dma_wait3A_101] : memref<10000x128xf32, #tpu.memory_space<hbm>> -> memref<10000x128xf32, #tpu.memory_space<hbm>>
      tpu.wait_indirect_dma semaphore(%arg7 : memref<!tpu.dma_semaphore, #tpu.memory_space<semaphore_mem>>) src(%dma_wait3A_102 : memref<10000x128xf32, #tpu.memory_space<hbm>>) dst(%dma_wait3A_96 : memref<128x128xf32, #tpu.memory_space<vmem>>)
      %mul3A_103 = arith.constant 40 : i32
      %mul3A_104 = arith.muli %add3A, %mul3A_103 : i32
      %add3A_105 = arith.addi %mul3A_104, %mul3A_8 : i32
      %add3A_106 = arith.constant 0 : i32
      %add3A_107 = arith.addi %add3A_105, %add3A_106 : i32
      %mul3A_108 = arith.constant 128 : i32
      %mul3A_109 = arith.muli %add3A_107, %mul3A_108 : i32
      %dma_start3A_110 = arith.constant 0 : i32
      %dma_start3A_111 = arith.constant 0 : i32
      %dma_start3A_112 = arith.constant 0 : i32
      %dma_start3A_113 = tpu.memref_slice %arg6[%dma_start3A_110, %dma_start3A_111, %dma_start3A_112] : memref<4x128x128xf32, #tpu.memory_space<vmem>> -> memref<1x128x128xf32, #tpu.memory_space<vmem>>
      %dma_start3A_114 = tpu.memref_squeeze %dma_start3A_113 : memref<1x128x128xf32, #tpu.memory_space<vmem>> -> memref<128x128xf32, #tpu.memory_space<vmem>>
      %dma_start3A_115 = arith.constant 0 : i32
      %dma_start3A_116 = tpu.memref_slice %arg4[%mul3A_109, %dma_start3A_115] : memref<163840x128xf32, #tpu.memory_space<hbm>> -> memref<128x128xf32, #tpu.memory_space<hbm>>
      %dma_start3A_117 = arith.constant 0 : i32
      %dma_start3A_118 = tpu.memref_slice %arg4[%mul3A_109, %dma_start3A_117] : memref<163840x128xf32, #tpu.memory_space<hbm>> -> memref<128x128xf32, #tpu.memory_space<hbm>>
      %dma_start3A_119 = arith.constant 0 : i32
      %dma_start3A_120 = arith.constant 0 : i32
      %dma_start3A_121 = tpu.memref_slice %arg6[%dma_start3A_110, %dma_start3A_119, %dma_start3A_120] : memref<4x128x128xf32, #tpu.memory_space<vmem>> -> memref<1x128x128xf32, #tpu.memory_space<vmem>>
      %dma_start3A_122 = tpu.memref_squeeze %dma_start3A_121 : memref<1x128x128xf32, #tpu.memory_space<vmem>> -> memref<128x128xf32, #tpu.memory_space<vmem>>
      tpu.enqueue_dma source(%dma_start3A_122 : memref<128x128xf32, #tpu.memory_space<vmem>>) target(%dma_start3A_118 : memref<128x128xf32, #tpu.memory_space<hbm>>) target_semaphore(%arg8 : memref<!tpu.dma_semaphore, #tpu.memory_space<semaphore_mem>>)
      %mul3A_123 = arith.constant 40 : i32
      %mul3A_124 = arith.muli %add3A, %mul3A_123 : i32
      %add3A_125 = arith.addi %mul3A_124, %mul3A_8 : i32
      %add3A_126 = arith.constant 1 : i32
      %add3A_127 = arith.addi %add3A_125, %add3A_126 : i32
      %mul3A_128 = arith.constant 128 : i32
      %mul3A_129 = arith.muli %add3A_127, %mul3A_128 : i32
      %dma_start3A_130 = arith.constant 1 : i32
      %dma_start3A_131 = arith.constant 0 : i32
      %dma_start3A_132 = arith.constant 0 : i32
      %dma_start3A_133 = tpu.memref_slice %arg6[%dma_start3A_130, %dma_start3A_131, %dma_start3A_132] : memref<4x128x128xf32, #tpu.memory_space<vmem>> -> memref<1x128x128xf32, #tpu.memory_space<vmem>>
      %dma_start3A_134 = tpu.memref_squeeze %dma_start3A_133 : memref<1x128x128xf32, #tpu.memory_space<vmem>> -> memref<128x128xf32, #tpu.memory_space<vmem>>
      %dma_start3A_135 = arith.constant 0 : i32
      %dma_start3A_136 = tpu.memref_slice %arg4[%mul3A_129, %dma_start3A_135] : memref<163840x128xf32, #tpu.memory_space<hbm>> -> memref<128x128xf32, #tpu.memory_space<hbm>>
      %dma_start3A_137 = arith.constant 0 : i32
      %dma_start3A_138 = tpu.memref_slice %arg4[%mul3A_129, %dma_start3A_137] : memref<163840x128xf32, #tpu.memory_space<hbm>> -> memref<128x128xf32, #tpu.memory_space<hbm>>
      %dma_start3A_139 = arith.constant 0 : i32
      %dma_start3A_140 = arith.constant 0 : i32
      %dma_start3A_141 = tpu.memref_slice %arg6[%dma_start3A_130, %dma_start3A_139, %dma_start3A_140] : memref<4x128x128xf32, #tpu.memory_space<vmem>> -> memref<1x128x128xf32, #tpu.memory_space<vmem>>
      %dma_start3A_142 = tpu.memref_squeeze %dma_start3A_141 : memref<1x128x128xf32, #tpu.memory_space<vmem>> -> memref<128x128xf32, #tpu.memory_space<vmem>>
      tpu.enqueue_dma source(%dma_start3A_142 : memref<128x128xf32, #tpu.memory_space<vmem>>) target(%dma_start3A_138 : memref<128x128xf32, #tpu.memory_space<hbm>>) target_semaphore(%arg8 : memref<!tpu.dma_semaphore, #tpu.memory_space<semaphore_mem>>)
      %mul3A_143 = arith.constant 40 : i32
      %mul3A_144 = arith.muli %add3A, %mul3A_143 : i32
      %add3A_145 = arith.addi %mul3A_144, %mul3A_8 : i32
      %add3A_146 = arith.constant 2 : i32
      %add3A_147 = arith.addi %add3A_145, %add3A_146 : i32
      %mul3A_148 = arith.constant 128 : i32
      %mul3A_149 = arith.muli %add3A_147, %mul3A_148 : i32
      %dma_start3A_150 = arith.constant 2 : i32
      %dma_start3A_151 = arith.constant 0 : i32
      %dma_start3A_152 = arith.constant 0 : i32
      %dma_start3A_153 = tpu.memref_slice %arg6[%dma_start3A_150, %dma_start3A_151, %dma_start3A_152] : memref<4x128x128xf32, #tpu.memory_space<vmem>> -> memref<1x128x128xf32, #tpu.memory_space<vmem>>
      %dma_start3A_154 = tpu.memref_squeeze %dma_start3A_153 : memref<1x128x128xf32, #tpu.memory_space<vmem>> -> memref<128x128xf32, #tpu.memory_space<vmem>>
      %dma_start3A_155 = arith.constant 0 : i32
      %dma_start3A_156 = tpu.memref_slice %arg4[%mul3A_149, %dma_start3A_155] : memref<163840x128xf32, #tpu.memory_space<hbm>> -> memref<128x128xf32, #tpu.memory_space<hbm>>
      %dma_start3A_157 = arith.constant 0 : i32
      %dma_start3A_158 = tpu.memref_slice %arg4[%mul3A_149, %dma_start3A_157] : memref<163840x128xf32, #tpu.memory_space<hbm>> -> memref<128x128xf32, #tpu.memory_space<hbm>>
      %dma_start3A_159 = arith.constant 0 : i32
      %dma_start3A_160 = arith.constant 0 : i32
      %dma_start3A_161 = tpu.memref_slice %arg6[%dma_start3A_150, %dma_start3A_159, %dma_start3A_160] : memref<4x128x128xf32, #tpu.memory_space<vmem>> -> memref<1x128x128xf32, #tpu.memory_space<vmem>>
      %dma_start3A_162 = tpu.memref_squeeze %dma_start3A_161 : memref<1x128x128xf32, #tpu.memory_space<vmem>> -> memref<128x128xf32, #tpu.memory_space<vmem>>
      tpu.enqueue_dma source(%dma_start3A_162 : memref<128x128xf32, #tpu.memory_space<vmem>>) target(%dma_start3A_158 : memref<128x128xf32, #tpu.memory_space<hbm>>) target_semaphore(%arg8 : memref<!tpu.dma_semaphore, #tpu.memory_space<semaphore_mem>>)
      %mul3A_163 = arith.constant 40 : i32
      %mul3A_164 = arith.muli %add3A, %mul3A_163 : i32
      %add3A_165 = arith.addi %mul3A_164, %mul3A_8 : i32
      %add3A_166 = arith.constant 3 : i32
      %add3A_167 = arith.addi %add3A_165, %add3A_166 : i32
      %mul3A_168 = arith.constant 128 : i32
      %mul3A_169 = arith.muli %add3A_167, %mul3A_168 : i32
      %dma_start3A_170 = arith.constant 3 : i32
      %dma_start3A_171 = arith.constant 0 : i32
      %dma_start3A_172 = arith.constant 0 : i32
      %dma_start3A_173 = tpu.memref_slice %arg6[%dma_start3A_170, %dma_start3A_171, %dma_start3A_172] : memref<4x128x128xf32, #tpu.memory_space<vmem>> -> memref<1x128x128xf32, #tpu.memory_space<vmem>>
      %dma_start3A_174 = tpu.memref_squeeze %dma_start3A_173 : memref<1x128x128xf32, #tpu.memory_space<vmem>> -> memref<128x128xf32, #tpu.memory_space<vmem>>
      %dma_start3A_175 = arith.constant 0 : i32
      %dma_start3A_176 = tpu.memref_slice %arg4[%mul3A_169, %dma_start3A_175] : memref<163840x128xf32, #tpu.memory_space<hbm>> -> memref<128x128xf32, #tpu.memory_space<hbm>>
      %dma_start3A_177 = arith.constant 0 : i32
      %dma_start3A_178 = tpu.memref_slice %arg4[%mul3A_169, %dma_start3A_177] : memref<163840x128xf32, #tpu.memory_space<hbm>> -> memref<128x128xf32, #tpu.memory_space<hbm>>
      %dma_start3A_179 = arith.constant 0 : i32
      %dma_start3A_180 = arith.constant 0 : i32
      %dma_start3A_181 = tpu.memref_slice %arg6[%dma_start3A_170, %dma_start3A_179, %dma_start3A_180] : memref<4x128x128xf32, #tpu.memory_space<vmem>> -> memref<1x128x128xf32, #tpu.memory_space<vmem>>
      %dma_start3A_182 = tpu.memref_squeeze %dma_start3A_181 : memref<1x128x128xf32, #tpu.memory_space<vmem>> -> memref<128x128xf32, #tpu.memory_space<vmem>>
      tpu.enqueue_dma source(%dma_start3A_182 : memref<128x128xf32, #tpu.memory_space<vmem>>) target(%dma_start3A_178 : memref<128x128xf32, #tpu.memory_space<hbm>>) target_semaphore(%arg8 : memref<!tpu.dma_semaphore, #tpu.memory_space<semaphore_mem>>)
      %dma_wait3A_183 = arith.constant 0 : i32
      %dma_wait3A_184 = arith.constant 0 : i32
      %dma_wait3A_185 = arith.constant 0 : i32
      %dma_wait3A_186 = tpu.memref_slice %arg6[%dma_wait3A_183, %dma_wait3A_184, %dma_wait3A_185] : memref<4x128x128xf32, #tpu.memory_space<vmem>> -> memref<1x128x128xf32, #tpu.memory_space<vmem>>
      %dma_wait3A_187 = tpu.memref_squeeze %dma_wait3A_186 : memref<1x128x128xf32, #tpu.memory_space<vmem>> -> memref<128x128xf32, #tpu.memory_space<vmem>>
      %dma_wait3A_188 = arith.constant 0 : i32
      %dma_wait3A_189 = tpu.memref_slice %arg4[%mul3A_109, %dma_wait3A_188] : memref<163840x128xf32, #tpu.memory_space<hbm>> -> memref<128x128xf32, #tpu.memory_space<hbm>>
      %dma_wait3A_190 = arith.constant 0 : i32
      %dma_wait3A_191 = tpu.memref_slice %arg4[%mul3A_109, %dma_wait3A_190] : memref<163840x128xf32, #tpu.memory_space<hbm>> -> memref<128x128xf32, #tpu.memory_space<hbm>>
      %dma_wait3A_192 = arith.constant 0 : i32
      %dma_wait3A_193 = arith.constant 0 : i32
      %dma_wait3A_194 = tpu.memref_slice %arg6[%dma_wait3A_183, %dma_wait3A_192, %dma_wait3A_193] : memref<4x128x128xf32, #tpu.memory_space<vmem>> -> memref<1x128x128xf32, #tpu.memory_space<vmem>>
      %dma_wait3A_195 = tpu.memref_squeeze %dma_wait3A_194 : memref<1x128x128xf32, #tpu.memory_space<vmem>> -> memref<128x128xf32, #tpu.memory_space<vmem>>
      tpu.wait_dma2 semaphore(%arg8 : memref<!tpu.dma_semaphore, #tpu.memory_space<semaphore_mem>>) src(%dma_wait3A_195 : memref<128x128xf32, #tpu.memory_space<vmem>>) dst(%dma_wait3A_191 : memref<128x128xf32, #tpu.memory_space<hbm>>)
      %dma_wait3A_196 = arith.constant 1 : i32
      %dma_wait3A_197 = arith.constant 0 : i32
      %dma_wait3A_198 = arith.constant 0 : i32
      %dma_wait3A_199 = tpu.memref_slice %arg6[%dma_wait3A_196, %dma_wait3A_197, %dma_wait3A_198] : memref<4x128x128xf32, #tpu.memory_space<vmem>> -> memref<1x128x128xf32, #tpu.memory_space<vmem>>
      %dma_wait3A_200 = tpu.memref_squeeze %dma_wait3A_199 : memref<1x128x128xf32, #tpu.memory_space<vmem>> -> memref<128x128xf32, #tpu.memory_space<vmem>>
      %dma_wait3A_201 = arith.constant 0 : i32
      %dma_wait3A_202 = tpu.memref_slice %arg4[%mul3A_129, %dma_wait3A_201] : memref<163840x128xf32, #tpu.memory_space<hbm>> -> memref<128x128xf32, #tpu.memory_space<hbm>>
      %dma_wait3A_203 = arith.constant 0 : i32
      %dma_wait3A_204 = tpu.memref_slice %arg4[%mul3A_129, %dma_wait3A_203] : memref<163840x128xf32, #tpu.memory_space<hbm>> -> memref<128x128xf32, #tpu.memory_space<hbm>>
      %dma_wait3A_205 = arith.constant 0 : i32
      %dma_wait3A_206 = arith.constant 0 : i32
      %dma_wait3A_207 = tpu.memref_slice %arg6[%dma_wait3A_196, %dma_wait3A_205, %dma_wait3A_206] : memref<4x128x128xf32, #tpu.memory_space<vmem>> -> memref<1x128x128xf32, #tpu.memory_space<vmem>>
      %dma_wait3A_208 = tpu.memref_squeeze %dma_wait3A_207 : memref<1x128x128xf32, #tpu.memory_space<vmem>> -> memref<128x128xf32, #tpu.memory_space<vmem>>
      tpu.wait_dma2 semaphore(%arg8 : memref<!tpu.dma_semaphore, #tpu.memory_space<semaphore_mem>>) src(%dma_wait3A_208 : memref<128x128xf32, #tpu.memory_space<vmem>>) dst(%dma_wait3A_204 : memref<128x128xf32, #tpu.memory_space<hbm>>)
      %dma_wait3A_209 = arith.constant 2 : i32
      %dma_wait3A_210 = arith.constant 0 : i32
      %dma_wait3A_211 = arith.constant 0 : i32
      %dma_wait3A_212 = tpu.memref_slice %arg6[%dma_wait3A_209, %dma_wait3A_210, %dma_wait3A_211] : memref<4x128x128xf32, #tpu.memory_space<vmem>> -> memref<1x128x128xf32, #tpu.memory_space<vmem>>
      %dma_wait3A_213 = tpu.memref_squeeze %dma_wait3A_212 : memref<1x128x128xf32, #tpu.memory_space<vmem>> -> memref<128x128xf32, #tpu.memory_space<vmem>>
      %dma_wait3A_214 = arith.constant 0 : i32
      %dma_wait3A_215 = tpu.memref_slice %arg4[%mul3A_149, %dma_wait3A_214] : memref<163840x128xf32, #tpu.memory_space<hbm>> -> memref<128x128xf32, #tpu.memory_space<hbm>>
      %dma_wait3A_216 = arith.constant 0 : i32
      %dma_wait3A_217 = tpu.memref_slice %arg4[%mul3A_149, %dma_wait3A_216] : memref<163840x128xf32, #tpu.memory_space<hbm>> -> memref<128x128xf32, #tpu.memory_space<hbm>>
      %dma_wait3A_218 = arith.constant 0 : i32
      %dma_wait3A_219 = arith.constant 0 : i32
      %dma_wait3A_220 = tpu.memref_slice %arg6[%dma_wait3A_209, %dma_wait3A_218, %dma_wait3A_219] : memref<4x128x128xf32, #tpu.memory_space<vmem>> -> memref<1x128x128xf32, #tpu.memory_space<vmem>>
      %dma_wait3A_221 = tpu.memref_squeeze %dma_wait3A_220 : memref<1x128x128xf32, #tpu.memory_space<vmem>> -> memref<128x128xf32, #tpu.memory_space<vmem>>
      tpu.wait_dma2 semaphore(%arg8 : memref<!tpu.dma_semaphore, #tpu.memory_space<semaphore_mem>>) src(%dma_wait3A_221 : memref<128x128xf32, #tpu.memory_space<vmem>>) dst(%dma_wait3A_217 : memref<128x128xf32, #tpu.memory_space<hbm>>)
      %dma_wait3A_222 = arith.constant 3 : i32
      %dma_wait3A_223 = arith.constant 0 : i32
      %dma_wait3A_224 = arith.constant 0 : i32
      %dma_wait3A_225 = tpu.memref_slice %arg6[%dma_wait3A_222, %dma_wait3A_223, %dma_wait3A_224] : memref<4x128x128xf32, #tpu.memory_space<vmem>> -> memref<1x128x128xf32, #tpu.memory_space<vmem>>
      %dma_wait3A_226 = tpu.memref_squeeze %dma_wait3A_225 : memref<1x128x128xf32, #tpu.memory_space<vmem>> -> memref<128x128xf32, #tpu.memory_space<vmem>>
      %dma_wait3A_227 = arith.constant 0 : i32
      %dma_wait3A_228 = tpu.memref_slice %arg4[%mul3A_169, %dma_wait3A_227] : memref<163840x128xf32, #tpu.memory_space<hbm>> -> memref<128x128xf32, #tpu.memory_space<hbm>>
      %dma_wait3A_229 = arith.constant 0 : i32
      %dma_wait3A_230 = tpu.memref_slice %arg4[%mul3A_169, %dma_wait3A_229] : memref<163840x128xf32, #tpu.memory_space<hbm>> -> memref<128x128xf32, #tpu.memory_space<hbm>>
      %dma_wait3A_231 = arith.constant 0 : i32
      %dma_wait3A_232 = arith.constant 0 : i32
      %dma_wait3A_233 = tpu.memref_slice %arg6[%dma_wait3A_222, %dma_wait3A_231, %dma_wait3A_232] : memref<4x128x128xf32, #tpu.memory_space<vmem>> -> memref<1x128x128xf32, #tpu.memory_space<vmem>>
      %dma_wait3A_234 = tpu.memref_squeeze %dma_wait3A_233 : memref<1x128x128xf32, #tpu.memory_space<vmem>> -> memref<128x128xf32, #tpu.memory_space<vmem>>
      tpu.wait_dma2 semaphore(%arg8 : memref<!tpu.dma_semaphore, #tpu.memory_space<semaphore_mem>>) src(%dma_wait3A_234 : memref<128x128xf32, #tpu.memory_space<vmem>>) dst(%dma_wait3A_230 : memref<128x128xf32, #tpu.memory_space<hbm>>)
    }
    %scan3A_5 = arith.constant 10 : i32
    return
  }
}

#map = affine_map<(d0, d1) -> (0, 0)>
#map1 = affine_map<(d0, d1) -> (0, 0, 0)>
module attributes {stable_mosaic.version = 14 : i64} {
  func.func @_scatter_sums_body(%arg0: i32, %arg1: i32, %arg2: memref<163840x128xf32, #tpu.memory_space<hbm>>, %arg3: memref<1280x128xi32, #tpu.memory_space<hbm>>, %arg4: memref<10112x128xf32, #tpu.memory_space<hbm>>, %arg5: memref<2x10112x128xf32, #tpu.memory_space<hbm>>, %arg6: memref<128xi32, #tpu.memory_space<vmem>>, %arg7: memref<128xi32, #tpu.memory_space<vmem>>, %arg8: memref<128x128xf32, #tpu.memory_space<vmem>>, %arg9: memref<128x128xf32, #tpu.memory_space<vmem>>, %arg10: memref<10112x128xf32, #tpu.memory_space<vmem_shared>>, %arg11: memref<!tpu.dma_semaphore, #tpu.memory_space<semaphore_mem>>, %arg12: memref<!tpu.dma_semaphore, #tpu.memory_space<semaphore_mem>>) attributes {dimension_semantics = [#tpu.dimension_semantics<core_parallel>, #tpu.dimension_semantics<subcore_parallel>], iteration_bounds = array<i64: 2, 16>, scalar_prefetch = 0 : i64, scratch_operands = 7 : i64, tpu.core_type = #tpu.core_type<sc_vector_subcore>, window_params = [{transform_indices = #map}, {transform_indices = #map}, {transform_indices = #map}, {transform_indices = #map1}]} {
    %mul3A = arith.constant 2 : i32
    %mul3A_0 = arith.muli %arg1, %mul3A : i32
    %add3A = arith.addi %mul3A_0, %arg0 : i32
    %mul3A_1 = arith.constant 632 : i32
    %mul3A_2 = arith.muli %arg1, %mul3A_1 : i32
    %mul3A_3 = arith.constant 632 : i32
    %mul3A_4 = arith.muli %arg1, %mul3A_3 : i32
    "tpu.region"() ({
      %run_scoped3A = tpu.sem_alloc : memref<!tpu.dma_semaphore, #tpu.memory_space<semaphore_mem>>
      %dma_start3A = arith.constant 0 : i32
      %dma_start3A_15 = tpu.memref_slice %arg10[%mul3A_4, %dma_start3A] : memref<10112x128xf32, #tpu.memory_space<vmem_shared>> -> memref<632x128xf32, #tpu.memory_space<vmem_shared>>
      %dma_start3A_16 = arith.constant 0 : i32
      %dma_start3A_17 = tpu.memref_slice %arg4[%mul3A_2, %dma_start3A_16] : memref<10112x128xf32, #tpu.memory_space<hbm>> -> memref<632x128xf32, #tpu.memory_space<hbm>>
      tpu.enqueue_dma source(%dma_start3A_17 : memref<632x128xf32, #tpu.memory_space<hbm>>) target(%dma_start3A_15 : memref<632x128xf32, #tpu.memory_space<vmem_shared>>) target_semaphore(%run_scoped3A : memref<!tpu.dma_semaphore, #tpu.memory_space<semaphore_mem>>)
      %dma_wait3A = arith.constant 0 : i32
      %dma_wait3A_18 = tpu.memref_slice %arg10[%mul3A_4, %dma_wait3A] : memref<10112x128xf32, #tpu.memory_space<vmem_shared>> -> memref<632x128xf32, #tpu.memory_space<vmem_shared>>
      %dma_wait3A_19 = arith.constant 0 : i32
      %dma_wait3A_20 = tpu.memref_slice %arg4[%mul3A_2, %dma_wait3A_19] : memref<10112x128xf32, #tpu.memory_space<hbm>> -> memref<632x128xf32, #tpu.memory_space<hbm>>
      tpu.wait_dma2 semaphore(%run_scoped3A : memref<!tpu.dma_semaphore, #tpu.memory_space<semaphore_mem>>) src(%dma_wait3A_20 : memref<632x128xf32, #tpu.memory_space<hbm>>) dst(%dma_wait3A_18 : memref<632x128xf32, #tpu.memory_space<vmem_shared>>)
      tpu.yield
    }) : () -> ()
    %barrier3A = arith.constant 0 : index
    tpu.barrier barrier_id(%barrier3A)
    %scan3A = arith.constant 0 : i32
    %scan3A_5 = arith.constant 0 : i32
    %scan3A_6 = arith.constant 20 : i32
    %scan3A_7 = arith.addi %scan3A_5, %scan3A_6 : i32
    %scan3A_8 = arith.constant 1 : i32
    scf.for %scan3A_15 = %scan3A_5 to %scan3A_7 step %scan3A_8  : i32 {
      %mul3A_16 = arith.constant 2 : i32
      %mul3A_17 = arith.muli %mul3A_16, %scan3A_15 : i32
      %mul3A_18 = arith.constant 40 : i32
      %mul3A_19 = arith.muli %add3A, %mul3A_18 : i32
      %add3A_20 = arith.addi %mul3A_19, %mul3A_17 : i32
      %add3A_21 = arith.constant 0 : i32
      %add3A_22 = arith.addi %add3A_20, %add3A_21 : i32
      %dma_start3A = arith.constant 0 : i32
      %dma_start3A_23 = tpu.memref_slice %arg3[%add3A_22, %dma_start3A] : memref<1280x128xi32, #tpu.memory_space<hbm>> -> memref<1x128xi32, #tpu.memory_space<hbm>>
      %dma_start3A_24 = tpu.memref_squeeze %dma_start3A_23 : memref<1x128xi32, #tpu.memory_space<hbm>> -> memref<128xi32, #tpu.memory_space<hbm>>
      %dma_start3A_25 = arith.constant 0 : i32
      %dma_start3A_26 = tpu.memref_slice %arg3[%add3A_22, %dma_start3A_25] : memref<1280x128xi32, #tpu.memory_space<hbm>> -> memref<1x128xi32, #tpu.memory_space<hbm>>
      %dma_start3A_27 = tpu.memref_squeeze %dma_start3A_26 : memref<1x128xi32, #tpu.memory_space<hbm>> -> memref<128xi32, #tpu.memory_space<hbm>>
      tpu.enqueue_dma source(%dma_start3A_27 : memref<128xi32, #tpu.memory_space<hbm>>) target(%arg6 : memref<128xi32, #tpu.memory_space<vmem>>) target_semaphore(%arg11 : memref<!tpu.dma_semaphore, #tpu.memory_space<semaphore_mem>>)
      %mul3A_28 = arith.constant 128 : i32
      %mul3A_29 = arith.muli %add3A_22, %mul3A_28 : i32
      %dma_start3A_30 = arith.constant 0 : i32
      %dma_start3A_31 = tpu.memref_slice %arg2[%mul3A_29, %dma_start3A_30] : memref<163840x128xf32, #tpu.memory_space<hbm>> -> memref<128x128xf32, #tpu.memory_space<hbm>>
      %dma_start3A_32 = arith.constant 0 : i32
      %dma_start3A_33 = tpu.memref_slice %arg2[%mul3A_29, %dma_start3A_32] : memref<163840x128xf32, #tpu.memory_space<hbm>> -> memref<128x128xf32, #tpu.memory_space<hbm>>
      tpu.enqueue_dma source(%dma_start3A_33 : memref<128x128xf32, #tpu.memory_space<hbm>>) target(%arg8 : memref<128x128xf32, #tpu.memory_space<vmem>>) target_semaphore(%arg12 : memref<!tpu.dma_semaphore, #tpu.memory_space<semaphore_mem>>)
      %mul3A_34 = arith.constant 40 : i32
      %mul3A_35 = arith.muli %add3A, %mul3A_34 : i32
      %add3A_36 = arith.addi %mul3A_35, %mul3A_17 : i32
      %add3A_37 = arith.constant 1 : i32
      %add3A_38 = arith.addi %add3A_36, %add3A_37 : i32
      %dma_start3A_39 = arith.constant 0 : i32
      %dma_start3A_40 = tpu.memref_slice %arg3[%add3A_38, %dma_start3A_39] : memref<1280x128xi32, #tpu.memory_space<hbm>> -> memref<1x128xi32, #tpu.memory_space<hbm>>
      %dma_start3A_41 = tpu.memref_squeeze %dma_start3A_40 : memref<1x128xi32, #tpu.memory_space<hbm>> -> memref<128xi32, #tpu.memory_space<hbm>>
      %dma_start3A_42 = arith.constant 0 : i32
      %dma_start3A_43 = tpu.memref_slice %arg3[%add3A_38, %dma_start3A_42] : memref<1280x128xi32, #tpu.memory_space<hbm>> -> memref<1x128xi32, #tpu.memory_space<hbm>>
      %dma_start3A_44 = tpu.memref_squeeze %dma_start3A_43 : memref<1x128xi32, #tpu.memory_space<hbm>> -> memref<128xi32, #tpu.memory_space<hbm>>
      tpu.enqueue_dma source(%dma_start3A_44 : memref<128xi32, #tpu.memory_space<hbm>>) target(%arg7 : memref<128xi32, #tpu.memory_space<vmem>>) target_semaphore(%arg11 : memref<!tpu.dma_semaphore, #tpu.memory_space<semaphore_mem>>)
      %mul3A_45 = arith.constant 128 : i32
      %mul3A_46 = arith.muli %add3A_38, %mul3A_45 : i32
      %dma_start3A_47 = arith.constant 0 : i32
      %dma_start3A_48 = tpu.memref_slice %arg2[%mul3A_46, %dma_start3A_47] : memref<163840x128xf32, #tpu.memory_space<hbm>> -> memref<128x128xf32, #tpu.memory_space<hbm>>
      %dma_start3A_49 = arith.constant 0 : i32
      %dma_start3A_50 = tpu.memref_slice %arg2[%mul3A_46, %dma_start3A_49] : memref<163840x128xf32, #tpu.memory_space<hbm>> -> memref<128x128xf32, #tpu.memory_space<hbm>>
      tpu.enqueue_dma source(%dma_start3A_50 : memref<128x128xf32, #tpu.memory_space<hbm>>) target(%arg9 : memref<128x128xf32, #tpu.memory_space<vmem>>) target_semaphore(%arg12 : memref<!tpu.dma_semaphore, #tpu.memory_space<semaphore_mem>>)
      %dma_wait3A = arith.constant 0 : i32
      %dma_wait3A_51 = tpu.memref_slice %arg3[%add3A_22, %dma_wait3A] : memref<1280x128xi32, #tpu.memory_space<hbm>> -> memref<1x128xi32, #tpu.memory_space<hbm>>
      %dma_wait3A_52 = tpu.memref_squeeze %dma_wait3A_51 : memref<1x128xi32, #tpu.memory_space<hbm>> -> memref<128xi32, #tpu.memory_space<hbm>>
      %dma_wait3A_53 = arith.constant 0 : i32
      %dma_wait3A_54 = tpu.memref_slice %arg3[%add3A_22, %dma_wait3A_53] : memref<1280x128xi32, #tpu.memory_space<hbm>> -> memref<1x128xi32, #tpu.memory_space<hbm>>
      %dma_wait3A_55 = tpu.memref_squeeze %dma_wait3A_54 : memref<1x128xi32, #tpu.memory_space<hbm>> -> memref<128xi32, #tpu.memory_space<hbm>>
      tpu.wait_dma2 semaphore(%arg11 : memref<!tpu.dma_semaphore, #tpu.memory_space<semaphore_mem>>) src(%dma_wait3A_55 : memref<128xi32, #tpu.memory_space<hbm>>) dst(%arg6 : memref<128xi32, #tpu.memory_space<vmem>>)
      %dma_wait3A_56 = arith.constant 0 : i32
      %dma_wait3A_57 = tpu.memref_slice %arg2[%mul3A_29, %dma_wait3A_56] : memref<163840x128xf32, #tpu.memory_space<hbm>> -> memref<128x128xf32, #tpu.memory_space<hbm>>
      %dma_wait3A_58 = arith.constant 0 : i32
      %dma_wait3A_59 = tpu.memref_slice %arg2[%mul3A_29, %dma_wait3A_58] : memref<163840x128xf32, #tpu.memory_space<hbm>> -> memref<128x128xf32, #tpu.memory_space<hbm>>
      tpu.wait_dma2 semaphore(%arg12 : memref<!tpu.dma_semaphore, #tpu.memory_space<semaphore_mem>>) src(%dma_wait3A_59 : memref<128x128xf32, #tpu.memory_space<hbm>>) dst(%arg8 : memref<128x128xf32, #tpu.memory_space<vmem>>)
      "tpu.region"() ({
        %run_scoped3A = tpu.sem_alloc : memref<!tpu.dma_semaphore, #tpu.memory_space<semaphore_mem>>
        %dma_start3A_70 = arith.constant 0 : i32
        %dma_start3A_71 = arith.constant 0 : i32
        %dma_start3A_72 = tpu.memref_slice %arg10[%dma_start3A_70, %dma_start3A_71] : memref<10112x128xf32, #tpu.memory_space<vmem_shared>> -> memref<10112x128xf32, #tpu.memory_space<vmem_shared>>
        tpu.enqueue_indirect_dma source(%arg8 : memref<128x128xf32, #tpu.memory_space<vmem>>) target(%dma_start3A_72 : memref<10112x128xf32, #tpu.memory_space<vmem_shared>>) offsets(%arg6 : memref<128xi32, #tpu.memory_space<vmem>>) semaphore(%run_scoped3A : memref<!tpu.dma_semaphore, #tpu.memory_space<semaphore_mem>>) {add = true}
        %dma_wait3A_73 = arith.constant 0 : i32
        %dma_wait3A_74 = arith.constant 0 : i32
        %dma_wait3A_75 = tpu.memref_slice %arg10[%dma_wait3A_73, %dma_wait3A_74] : memref<10112x128xf32, #tpu.memory_space<vmem_shared>> -> memref<10112x128xf32, #tpu.memory_space<vmem_shared>>
        tpu.wait_indirect_dma semaphore(%run_scoped3A : memref<!tpu.dma_semaphore, #tpu.memory_space<semaphore_mem>>) src(%arg8 : memref<128x128xf32, #tpu.memory_space<vmem>>) dst(%dma_wait3A_75 : memref<10112x128xf32, #tpu.memory_space<vmem_shared>>)
        tpu.yield
      }) : () -> ()
      %dma_wait3A_60 = arith.constant 0 : i32
      %dma_wait3A_61 = tpu.memref_slice %arg3[%add3A_38, %dma_wait3A_60] : memref<1280x128xi32, #tpu.memory_space<hbm>> -> memref<1x128xi32, #tpu.memory_space<hbm>>
      %dma_wait3A_62 = tpu.memref_squeeze %dma_wait3A_61 : memref<1x128xi32, #tpu.memory_space<hbm>> -> memref<128xi32, #tpu.memory_space<hbm>>
      %dma_wait3A_63 = arith.constant 0 : i32
      %dma_wait3A_64 = tpu.memref_slice %arg3[%add3A_38, %dma_wait3A_63] : memref<1280x128xi32, #tpu.memory_space<hbm>> -> memref<1x128xi32, #tpu.memory_space<hbm>>
      %dma_wait3A_65 = tpu.memref_squeeze %dma_wait3A_64 : memref<1x128xi32, #tpu.memory_space<hbm>> -> memref<128xi32, #tpu.memory_space<hbm>>
      tpu.wait_dma2 semaphore(%arg11 : memref<!tpu.dma_semaphore, #tpu.memory_space<semaphore_mem>>) src(%dma_wait3A_65 : memref<128xi32, #tpu.memory_space<hbm>>) dst(%arg7 : memref<128xi32, #tpu.memory_space<vmem>>)
      %dma_wait3A_66 = arith.constant 0 : i32
      %dma_wait3A_67 = tpu.memref_slice %arg2[%mul3A_46, %dma_wait3A_66] : memref<163840x128xf32, #tpu.memory_space<hbm>> -> memref<128x128xf32, #tpu.memory_space<hbm>>
      %dma_wait3A_68 = arith.constant 0 : i32
      %dma_wait3A_69 = tpu.memref_slice %arg2[%mul3A_46, %dma_wait3A_68] : memref<163840x128xf32, #tpu.memory_space<hbm>> -> memref<128x128xf32, #tpu.memory_space<hbm>>
      tpu.wait_dma2 semaphore(%arg12 : memref<!tpu.dma_semaphore, #tpu.memory_space<semaphore_mem>>) src(%dma_wait3A_69 : memref<128x128xf32, #tpu.memory_space<hbm>>) dst(%arg9 : memref<128x128xf32, #tpu.memory_space<vmem>>)
      "tpu.region"() ({
        %run_scoped3A = tpu.sem_alloc : memref<!tpu.dma_semaphore, #tpu.memory_space<semaphore_mem>>
        %dma_start3A_70 = arith.constant 0 : i32
        %dma_start3A_71 = arith.constant 0 : i32
        %dma_start3A_72 = tpu.memref_slice %arg10[%dma_start3A_70, %dma_start3A_71] : memref<10112x128xf32, #tpu.memory_space<vmem_shared>> -> memref<10112x128xf32, #tpu.memory_space<vmem_shared>>
        tpu.enqueue_indirect_dma source(%arg9 : memref<128x128xf32, #tpu.memory_space<vmem>>) target(%dma_start3A_72 : memref<10112x128xf32, #tpu.memory_space<vmem_shared>>) offsets(%arg7 : memref<128xi32, #tpu.memory_space<vmem>>) semaphore(%run_scoped3A : memref<!tpu.dma_semaphore, #tpu.memory_space<semaphore_mem>>) {add = true}
        %dma_wait3A_73 = arith.constant 0 : i32
        %dma_wait3A_74 = arith.constant 0 : i32
        %dma_wait3A_75 = tpu.memref_slice %arg10[%dma_wait3A_73, %dma_wait3A_74] : memref<10112x128xf32, #tpu.memory_space<vmem_shared>> -> memref<10112x128xf32, #tpu.memory_space<vmem_shared>>
        tpu.wait_indirect_dma semaphore(%run_scoped3A : memref<!tpu.dma_semaphore, #tpu.memory_space<semaphore_mem>>) src(%arg9 : memref<128x128xf32, #tpu.memory_space<vmem>>) dst(%dma_wait3A_75 : memref<10112x128xf32, #tpu.memory_space<vmem_shared>>)
        tpu.yield
      }) : () -> ()
    }
    %scan3A_9 = arith.constant 20 : i32
    %barrier3A_10 = arith.constant 0 : index
    tpu.barrier barrier_id(%barrier3A_10)
    %mul3A_11 = arith.constant 632 : i32
    %mul3A_12 = arith.muli %arg1, %mul3A_11 : i32
    %mul3A_13 = arith.constant 632 : i32
    %mul3A_14 = arith.muli %arg1, %mul3A_13 : i32
    "tpu.region"() ({
      %run_scoped3A = tpu.sem_alloc : memref<!tpu.dma_semaphore, #tpu.memory_space<semaphore_mem>>
      %dma_start3A = arith.constant 0 : i32
      %dma_start3A_15 = tpu.memref_slice %arg5[%arg0, %mul3A_14, %dma_start3A] : memref<2x10112x128xf32, #tpu.memory_space<hbm>> -> memref<1x632x128xf32, #tpu.memory_space<hbm>>
      %dma_start3A_16 = tpu.memref_squeeze %dma_start3A_15 : memref<1x632x128xf32, #tpu.memory_space<hbm>> -> memref<632x128xf32, #tpu.memory_space<hbm>>
      %dma_start3A_17 = arith.constant 0 : i32
      %dma_start3A_18 = tpu.memref_slice %arg10[%mul3A_12, %dma_start3A_17] : memref<10112x128xf32, #tpu.memory_space<vmem_shared>> -> memref<632x128xf32, #tpu.memory_space<vmem_shared>>
      tpu.enqueue_dma source(%dma_start3A_18 : memref<632x128xf32, #tpu.memory_space<vmem_shared>>) target(%dma_start3A_16 : memref<632x128xf32, #tpu.memory_space<hbm>>) target_semaphore(%run_scoped3A : memref<!tpu.dma_semaphore, #tpu.memory_space<semaphore_mem>>)
      %dma_wait3A = arith.constant 0 : i32
      %dma_wait3A_19 = tpu.memref_slice %arg5[%arg0, %mul3A_14, %dma_wait3A] : memref<2x10112x128xf32, #tpu.memory_space<hbm>> -> memref<1x632x128xf32, #tpu.memory_space<hbm>>
      %dma_wait3A_20 = tpu.memref_squeeze %dma_wait3A_19 : memref<1x632x128xf32, #tpu.memory_space<hbm>> -> memref<632x128xf32, #tpu.memory_space<hbm>>
      %dma_wait3A_21 = arith.constant 0 : i32
      %dma_wait3A_22 = tpu.memref_slice %arg10[%mul3A_12, %dma_wait3A_21] : memref<10112x128xf32, #tpu.memory_space<vmem_shared>> -> memref<632x128xf32, #tpu.memory_space<vmem_shared>>
      tpu.wait_dma2 semaphore(%run_scoped3A : memref<!tpu.dma_semaphore, #tpu.memory_space<semaphore_mem>>) src(%dma_wait3A_22 : memref<632x128xf32, #tpu.memory_space<vmem_shared>>) dst(%dma_wait3A_20 : memref<632x128xf32, #tpu.memory_space<hbm>>)
      tpu.yield
    }) : () -> ()
    return
  }
}

#map = affine_map<(d0, d1) -> (0, 0)>
#map1 = affine_map<(d0, d1) -> (0, 0, 0)>
module attributes {stable_mosaic.version = 14 : i64} {
  func.func @_scatter_cnts_body(%arg0: i32, %arg1: i32, %arg2: memref<1280x128xi32, #tpu.memory_space<hbm>>, %arg3: memref<10112x128xf32, #tpu.memory_space<hbm>>, %arg4: memref<128x128xf32, #tpu.memory_space<hbm>>, %arg5: memref<2x10112x128xf32, #tpu.memory_space<hbm>>, %arg6: memref<128xi32, #tpu.memory_space<vmem>>, %arg7: memref<128x128xf32, #tpu.memory_space<vmem>>, %arg8: memref<10112x128xf32, #tpu.memory_space<vmem_shared>>) attributes {dimension_semantics = [#tpu.dimension_semantics<core_parallel>, #tpu.dimension_semantics<subcore_parallel>], iteration_bounds = array<i64: 2, 16>, scalar_prefetch = 0 : i64, scratch_operands = 3 : i64, tpu.core_type = #tpu.core_type<sc_vector_subcore>, window_params = [{transform_indices = #map}, {transform_indices = #map}, {transform_indices = #map}, {transform_indices = #map1}]} {
    %mul3A = arith.constant 2 : i32
    %mul3A_0 = arith.muli %arg1, %mul3A : i32
    %add3A = arith.addi %mul3A_0, %arg0 : i32
    "tpu.region"() ({
      %run_scoped3A = tpu.sem_alloc : memref<!tpu.dma_semaphore, #tpu.memory_space<semaphore_mem>>
      tpu.enqueue_dma source(%arg4 : memref<128x128xf32, #tpu.memory_space<hbm>>) target(%arg7 : memref<128x128xf32, #tpu.memory_space<vmem>>) target_semaphore(%run_scoped3A : memref<!tpu.dma_semaphore, #tpu.memory_space<semaphore_mem>>)
      tpu.wait_dma2 semaphore(%run_scoped3A : memref<!tpu.dma_semaphore, #tpu.memory_space<semaphore_mem>>) src(%arg4 : memref<128x128xf32, #tpu.memory_space<hbm>>) dst(%arg7 : memref<128x128xf32, #tpu.memory_space<vmem>>)
      tpu.yield
    }) : () -> ()
    %mul3A_1 = arith.constant 632 : i32
    %mul3A_2 = arith.muli %arg1, %mul3A_1 : i32
    %mul3A_3 = arith.constant 632 : i32
    %mul3A_4 = arith.muli %arg1, %mul3A_3 : i32
    "tpu.region"() ({
      %run_scoped3A = tpu.sem_alloc : memref<!tpu.dma_semaphore, #tpu.memory_space<semaphore_mem>>
      %dma_start3A = arith.constant 0 : i32
      %dma_start3A_15 = tpu.memref_slice %arg8[%mul3A_4, %dma_start3A] : memref<10112x128xf32, #tpu.memory_space<vmem_shared>> -> memref<632x128xf32, #tpu.memory_space<vmem_shared>>
      %dma_start3A_16 = arith.constant 0 : i32
      %dma_start3A_17 = tpu.memref_slice %arg3[%mul3A_2, %dma_start3A_16] : memref<10112x128xf32, #tpu.memory_space<hbm>> -> memref<632x128xf32, #tpu.memory_space<hbm>>
      tpu.enqueue_dma source(%dma_start3A_17 : memref<632x128xf32, #tpu.memory_space<hbm>>) target(%dma_start3A_15 : memref<632x128xf32, #tpu.memory_space<vmem_shared>>) target_semaphore(%run_scoped3A : memref<!tpu.dma_semaphore, #tpu.memory_space<semaphore_mem>>)
      %dma_wait3A = arith.constant 0 : i32
      %dma_wait3A_18 = tpu.memref_slice %arg8[%mul3A_4, %dma_wait3A] : memref<10112x128xf32, #tpu.memory_space<vmem_shared>> -> memref<632x128xf32, #tpu.memory_space<vmem_shared>>
      %dma_wait3A_19 = arith.constant 0 : i32
      %dma_wait3A_20 = tpu.memref_slice %arg3[%mul3A_2, %dma_wait3A_19] : memref<10112x128xf32, #tpu.memory_space<hbm>> -> memref<632x128xf32, #tpu.memory_space<hbm>>
      tpu.wait_dma2 semaphore(%run_scoped3A : memref<!tpu.dma_semaphore, #tpu.memory_space<semaphore_mem>>) src(%dma_wait3A_20 : memref<632x128xf32, #tpu.memory_space<hbm>>) dst(%dma_wait3A_18 : memref<632x128xf32, #tpu.memory_space<vmem_shared>>)
      tpu.yield
    }) : () -> ()
    %barrier3A = arith.constant 0 : index
    tpu.barrier barrier_id(%barrier3A)
    %scan3A = arith.constant 0 : i32
    %scan3A_5 = arith.constant 0 : i32
    %scan3A_6 = arith.constant 40 : i32
    %scan3A_7 = arith.addi %scan3A_5, %scan3A_6 : i32
    %scan3A_8 = arith.constant 1 : i32
    scf.for %scan3A_15 = %scan3A_5 to %scan3A_7 step %scan3A_8  : i32 {
      %mul3A_16 = arith.constant 40 : i32
      %mul3A_17 = arith.muli %add3A, %mul3A_16 : i32
      %add3A_18 = arith.addi %mul3A_17, %scan3A_15 : i32
      "tpu.region"() ({
        %run_scoped3A = tpu.sem_alloc : memref<!tpu.dma_semaphore, #tpu.memory_space<semaphore_mem>>
        %dma_start3A = arith.constant 0 : i32
        %dma_start3A_19 = tpu.memref_slice %arg2[%add3A_18, %dma_start3A] : memref<1280x128xi32, #tpu.memory_space<hbm>> -> memref<1x128xi32, #tpu.memory_space<hbm>>
        %dma_start3A_20 = tpu.memref_squeeze %dma_start3A_19 : memref<1x128xi32, #tpu.memory_space<hbm>> -> memref<128xi32, #tpu.memory_space<hbm>>
        %dma_start3A_21 = arith.constant 0 : i32
        %dma_start3A_22 = tpu.memref_slice %arg2[%add3A_18, %dma_start3A_21] : memref<1280x128xi32, #tpu.memory_space<hbm>> -> memref<1x128xi32, #tpu.memory_space<hbm>>
        %dma_start3A_23 = tpu.memref_squeeze %dma_start3A_22 : memref<1x128xi32, #tpu.memory_space<hbm>> -> memref<128xi32, #tpu.memory_space<hbm>>
        tpu.enqueue_dma source(%dma_start3A_23 : memref<128xi32, #tpu.memory_space<hbm>>) target(%arg6 : memref<128xi32, #tpu.memory_space<vmem>>) target_semaphore(%run_scoped3A : memref<!tpu.dma_semaphore, #tpu.memory_space<semaphore_mem>>)
        %dma_wait3A = arith.constant 0 : i32
        %dma_wait3A_24 = tpu.memref_slice %arg2[%add3A_18, %dma_wait3A] : memref<1280x128xi32, #tpu.memory_space<hbm>> -> memref<1x128xi32, #tpu.memory_space<hbm>>
        %dma_wait3A_25 = tpu.memref_squeeze %dma_wait3A_24 : memref<1x128xi32, #tpu.memory_space<hbm>> -> memref<128xi32, #tpu.memory_space<hbm>>
        %dma_wait3A_26 = arith.constant 0 : i32
        %dma_wait3A_27 = tpu.memref_slice %arg2[%add3A_18, %dma_wait3A_26] : memref<1280x128xi32, #tpu.memory_space<hbm>> -> memref<1x128xi32, #tpu.memory_space<hbm>>
        %dma_wait3A_28 = tpu.memref_squeeze %dma_wait3A_27 : memref<1x128xi32, #tpu.memory_space<hbm>> -> memref<128xi32, #tpu.memory_space<hbm>>
        tpu.wait_dma2 semaphore(%run_scoped3A : memref<!tpu.dma_semaphore, #tpu.memory_space<semaphore_mem>>) src(%dma_wait3A_28 : memref<128xi32, #tpu.memory_space<hbm>>) dst(%arg6 : memref<128xi32, #tpu.memory_space<vmem>>)
        tpu.yield
      }) : () -> ()
      "tpu.region"() ({
        %run_scoped3A = tpu.sem_alloc : memref<!tpu.dma_semaphore, #tpu.memory_space<semaphore_mem>>
        %dma_start3A = arith.constant 0 : i32
        %dma_start3A_19 = arith.constant 0 : i32
        %dma_start3A_20 = tpu.memref_slice %arg8[%dma_start3A, %dma_start3A_19] : memref<10112x128xf32, #tpu.memory_space<vmem_shared>> -> memref<10112x128xf32, #tpu.memory_space<vmem_shared>>
        tpu.enqueue_indirect_dma source(%arg7 : memref<128x128xf32, #tpu.memory_space<vmem>>) target(%dma_start3A_20 : memref<10112x128xf32, #tpu.memory_space<vmem_shared>>) offsets(%arg6 : memref<128xi32, #tpu.memory_space<vmem>>) semaphore(%run_scoped3A : memref<!tpu.dma_semaphore, #tpu.memory_space<semaphore_mem>>) {add = true}
        %dma_wait3A = arith.constant 0 : i32
        %dma_wait3A_21 = arith.constant 0 : i32
        %dma_wait3A_22 = tpu.memref_slice %arg8[%dma_wait3A, %dma_wait3A_21] : memref<10112x128xf32, #tpu.memory_space<vmem_shared>> -> memref<10112x128xf32, #tpu.memory_space<vmem_shared>>
        tpu.wait_indirect_dma semaphore(%run_scoped3A : memref<!tpu.dma_semaphore, #tpu.memory_space<semaphore_mem>>) src(%arg7 : memref<128x128xf32, #tpu.memory_space<vmem>>) dst(%dma_wait3A_22 : memref<10112x128xf32, #tpu.memory_space<vmem_shared>>)
        tpu.yield
      }) : () -> ()
    }
    %scan3A_9 = arith.constant 40 : i32
    %barrier3A_10 = arith.constant 0 : index
    tpu.barrier barrier_id(%barrier3A_10)
    %mul3A_11 = arith.constant 632 : i32
    %mul3A_12 = arith.muli %arg1, %mul3A_11 : i32
    %mul3A_13 = arith.constant 632 : i32
    %mul3A_14 = arith.muli %arg1, %mul3A_13 : i32
    "tpu.region"() ({
      %run_scoped3A = tpu.sem_alloc : memref<!tpu.dma_semaphore, #tpu.memory_space<semaphore_mem>>
      %dma_start3A = arith.constant 0 : i32
      %dma_start3A_15 = tpu.memref_slice %arg5[%arg0, %mul3A_14, %dma_start3A] : memref<2x10112x128xf32, #tpu.memory_space<hbm>> -> memref<1x632x128xf32, #tpu.memory_space<hbm>>
      %dma_start3A_16 = tpu.memref_squeeze %dma_start3A_15 : memref<1x632x128xf32, #tpu.memory_space<hbm>> -> memref<632x128xf32, #tpu.memory_space<hbm>>
      %dma_start3A_17 = arith.constant 0 : i32
      %dma_start3A_18 = tpu.memref_slice %arg8[%mul3A_12, %dma_start3A_17] : memref<10112x128xf32, #tpu.memory_space<vmem_shared>> -> memref<632x128xf32, #tpu.memory_space<vmem_shared>>
      tpu.enqueue_dma source(%dma_start3A_18 : memref<632x128xf32, #tpu.memory_space<vmem_shared>>) target(%dma_start3A_16 : memref<632x128xf32, #tpu.memory_space<hbm>>) target_semaphore(%run_scoped3A : memref<!tpu.dma_semaphore, #tpu.memory_space<semaphore_mem>>)
      %dma_wait3A = arith.constant 0 : i32
      %dma_wait3A_19 = tpu.memref_slice %arg5[%arg0, %mul3A_14, %dma_wait3A] : memref<2x10112x128xf32, #tpu.memory_space<hbm>> -> memref<1x632x128xf32, #tpu.memory_space<hbm>>
      %dma_wait3A_20 = tpu.memref_squeeze %dma_wait3A_19 : memref<1x632x128xf32, #tpu.memory_space<hbm>> -> memref<632x128xf32, #tpu.memory_space<hbm>>
      %dma_wait3A_21 = arith.constant 0 : i32
      %dma_wait3A_22 = tpu.memref_slice %arg8[%mul3A_12, %dma_wait3A_21] : memref<10112x128xf32, #tpu.memory_space<vmem_shared>> -> memref<632x128xf32, #tpu.memory_space<vmem_shared>>
      tpu.wait_dma2 semaphore(%run_scoped3A : memref<!tpu.dma_semaphore, #tpu.memory_space<semaphore_mem>>) src(%dma_wait3A_22 : memref<632x128xf32, #tpu.memory_space<vmem_shared>>) dst(%dma_wait3A_20 : memref<632x128xf32, #tpu.memory_space<hbm>>)
      tpu.yield
    }) : () -> ()
    return
  }
}

module attributes {stable_mosaic.version = 14 : i64} {
  func.func @_tc_compute_body(%arg0: i32, %arg1: memref<1024x128xf32, #tpu.memory_space<vmem>>, %arg2: memref<17x1024xf32, #tpu.memory_space<vmem>>, %arg3: memref<4x1024xf32, #tpu.memory_space<vmem>>, %arg4: memref<64x17xf32, #tpu.memory_space<vmem>>, %arg5: memref<4096x65xbf16, #tpu.memory_space<vmem>>, %arg6: memref<1024x128xf32, #tpu.memory_space<vmem>>) attributes {dimension_semantics = [#tpu.dimension_semantics<arbitrary>], iteration_bounds = array<i64: 160>, scalar_prefetch = 0 : i64, scratch_operands = 0 : i64, tpu.core_type = #tpu.core_type<tc>, window_params = [{transform_indices = @transform_0, window_bounds = array<i64: 1024, 128>}, {transform_indices = @transform_1, window_bounds = array<i64: 17, 1024>}, {transform_indices = @transform_2, window_bounds = array<i64: 4, 1024>}, {pipeline_mode = #tpu.pipeline_mode<synchronous>, transform_indices = @transform_3, window_bounds = array<i64: 64, 17>}, {pipeline_mode = #tpu.pipeline_mode<synchronous>, transform_indices = @transform_4, window_bounds = array<i64: 4096, 65>}, {transform_indices = @transform_5, window_bounds = array<i64: 1024, 128>}]} {
    %get3A = arith.constant 0 : index
    %get3A_0 = arith.constant 0 : index
    %get3A_1 = vector.load %arg1[%get3A, %get3A_0] : memref<1024x128xf32, #tpu.memory_space<vmem>>, vector<1024x128xf32>
    %transpose3A = tpu.transpose %get3A_1, [1, 0] : vector<1024x128xf32> -> vector<128x1024xf32>
    %get3A_2 = arith.constant 0 : index
    %get3A_3 = arith.constant 0 : index
    %get3A_4 = vector.load %arg4[%get3A_2, %get3A_3] : memref<64x17xf32, #tpu.memory_space<vmem>>, vector<64x17xf32>
    %get3A_5 = arith.constant 0 : index
    %get3A_6 = arith.constant 0 : index
    %get3A_7 = vector.load %arg2[%get3A_5, %get3A_6] : memref<17x1024xf32, #tpu.memory_space<vmem>>, vector<17x1024xf32>
    %dot_general3A = arith.constant dense<0.000000e+00> : vector<64x1024xf32>
    %dot_general3A_8 = tpu.matmul %get3A_4, %get3A_7, %dot_general3A {dimension_numbers = #tpu.dot_dimension_numbers<[1], [0], [0], [1], [0, 0, 1, 1], [], []>, transpose_lhs_hint = false} : vector<64x17xf32>, vector<17x1024xf32>, vector<64x1024xf32> -> vector<64x1024xf32>
    %max3A = arith.constant 0.000000e+00 : f32
    %max3A_9 = vector.broadcast %max3A : f32 to vector<64x1024xf32>
    %max3A_10 = arith.maximumf %dot_general3A_8, %max3A_9 : vector<64x1024xf32>
    %broadcast_in_dim3A = arith.constant 1.000000e+00 : f32
    %broadcast_in_dim3A_11 = vector.broadcast %broadcast_in_dim3A : f32 to vector<1x1024xf32>
    %concatenate3A = tpu.concatenate %max3A_10, %broadcast_in_dim3A_11 in 0 : vector<64x1024xf32>, vector<1x1024xf32> -> vector<65x1024xf32>
    %get3A_12 = arith.constant 0 : index
    %get3A_13 = arith.constant 0 : index
    %get3A_14 = vector.load %arg5[%get3A_12, %get3A_13] : memref<4096x65xbf16, #tpu.memory_space<vmem>>, vector<4096x65xbf16>
    %convert_element_type3A = arith.truncf %concatenate3A : vector<65x1024xf32> to vector<65x1024xbf16>
    %dot_general3A_15 = arith.constant dense<0.000000e+00> : vector<4096x1024xf32>
    %dot_general3A_16 = tpu.matmul %get3A_14, %convert_element_type3A, %dot_general3A_15 {dimension_numbers = #tpu.dot_dimension_numbers<[1], [0], [0], [1], [0, 0, 1, 1], [], []>, transpose_lhs_hint = false} : vector<4096x65xbf16>, vector<65x1024xbf16>, vector<4096x1024xf32> -> vector<4096x1024xf32>
    %slice3A = vector.extract_strided_slice %transpose3A {offsets = [0, 0], sizes = [32, 1024], strides = [1, 1]} : vector<128x1024xf32> to vector<32x1024xf32>
    %slice3A_17 = vector.extract_strided_slice %transpose3A {offsets = [32, 0], sizes = [32, 1024], strides = [1, 1]} : vector<128x1024xf32> to vector<32x1024xf32>
    %slice3A_18 = vector.extract_strided_slice %transpose3A {offsets = [64, 0], sizes = [32, 1024], strides = [1, 1]} : vector<128x1024xf32> to vector<32x1024xf32>
    %slice3A_19 = vector.extract_strided_slice %transpose3A {offsets = [96, 0], sizes = [32, 1024], strides = [1, 1]} : vector<128x1024xf32> to vector<32x1024xf32>
    %get3A_20 = arith.constant 0 : index
    %get3A_21 = arith.constant 0 : index
    %get3A_22 = vector.load %arg3[%get3A_20, %get3A_21] : memref<4x1024xf32, #tpu.memory_space<vmem>>, vector<1x1024xf32>
    %get3A_23 = arith.constant 1 : index
    %get3A_24 = arith.constant 0 : index
    %get3A_25 = vector.load %arg3[%get3A_23, %get3A_24] : memref<4x1024xf32, #tpu.memory_space<vmem>>, vector<1x1024xf32>
    %get3A_26 = arith.constant 2 : index
    %get3A_27 = arith.constant 0 : index
    %get3A_28 = vector.load %arg3[%get3A_26, %get3A_27] : memref<4x1024xf32, #tpu.memory_space<vmem>>, vector<1x1024xf32>
    %get3A_29 = arith.constant 3 : index
    %get3A_30 = arith.constant 0 : index
    %get3A_31 = vector.load %arg3[%get3A_29, %get3A_30] : memref<4x1024xf32, #tpu.memory_space<vmem>>, vector<1x1024xf32>
    %mul3A = vector.broadcast %get3A_25 : vector<1x1024xf32> to vector<32x1024xf32>
    %mul3A_32 = arith.mulf %slice3A_17, %mul3A : vector<32x1024xf32>
    %mul3A_33 = vector.broadcast %get3A_28 : vector<1x1024xf32> to vector<32x1024xf32>
    %mul3A_34 = arith.mulf %slice3A_18, %mul3A_33 : vector<32x1024xf32>
    %add3A = arith.addf %mul3A_32, %mul3A_34 : vector<32x1024xf32>
    %mul3A_35 = vector.broadcast %get3A_31 : vector<1x1024xf32> to vector<32x1024xf32>
    %mul3A_36 = arith.mulf %slice3A_19, %mul3A_35 : vector<32x1024xf32>
    %add3A_37 = arith.addf %add3A, %mul3A_36 : vector<32x1024xf32>
    %slice3A_38 = vector.extract_strided_slice %dot_general3A_16 {offsets = [0, 0], sizes = [32, 1024], strides = [1, 1]} : vector<4096x1024xf32> to vector<32x1024xf32>
    %slice3A_39 = vector.extract_strided_slice %slice3A {offsets = [0, 0], sizes = [1, 1024], strides = [1, 1]} : vector<32x1024xf32> to vector<1x1024xf32>
    %mul3A_40 = vector.broadcast %slice3A_39 : vector<1x1024xf32> to vector<32x1024xf32>
    %mul3A_41 = arith.mulf %slice3A_38, %mul3A_40 : vector<32x1024xf32>
    %slice3A_42 = vector.extract_strided_slice %dot_general3A_16 {offsets = [32, 0], sizes = [32, 1024], strides = [1, 1]} : vector<4096x1024xf32> to vector<32x1024xf32>
    %slice3A_43 = vector.extract_strided_slice %slice3A {offsets = [1, 0], sizes = [1, 1024], strides = [1, 1]} : vector<32x1024xf32> to vector<1x1024xf32>
    %mul3A_44 = vector.broadcast %slice3A_43 : vector<1x1024xf32> to vector<32x1024xf32>
    %mul3A_45 = arith.mulf %slice3A_42, %mul3A_44 : vector<32x1024xf32>
    %add3A_46 = arith.addf %mul3A_41, %mul3A_45 : vector<32x1024xf32>
    %slice3A_47 = vector.extract_strided_slice %dot_general3A_16 {offsets = [64, 0], sizes = [32, 1024], strides = [1, 1]} : vector<4096x1024xf32> to vector<32x1024xf32>
    %slice3A_48 = vector.extract_strided_slice %slice3A {offsets = [2, 0], sizes = [1, 1024], strides = [1, 1]} : vector<32x1024xf32> to vector<1x1024xf32>
    %mul3A_49 = vector.broadcast %slice3A_48 : vector<1x1024xf32> to vector<32x1024xf32>
    %mul3A_50 = arith.mulf %slice3A_47, %mul3A_49 : vector<32x1024xf32>
    %add3A_51 = arith.addf %add3A_46, %mul3A_50 : vector<32x1024xf32>
    %slice3A_52 = vector.extract_strided_slice %dot_general3A_16 {offsets = [96, 0], sizes = [32, 1024], strides = [1, 1]} : vector<4096x1024xf32> to vector<32x1024xf32>
    %slice3A_53 = vector.extract_strided_slice %slice3A {offsets = [3, 0], sizes = [1, 1024], strides = [1, 1]} : vector<32x1024xf32> to vector<1x1024xf32>
    %mul3A_54 = vector.broadcast %slice3A_53 : vector<1x1024xf32> to vector<32x1024xf32>
    %mul3A_55 = arith.mulf %slice3A_52, %mul3A_54 : vector<32x1024xf32>
    %add3A_56 = arith.addf %add3A_51, %mul3A_55 : vector<32x1024xf32>
    %slice3A_57 = vector.extract_strided_slice %dot_general3A_16 {offsets = [128, 0], sizes = [32, 1024], strides = [1, 1]} : vector<4096x1024xf32> to vector<32x1024xf32>
    %slice3A_58 = vector.extract_strided_slice %slice3A {offsets = [4, 0], sizes = [1, 1024], strides = [1, 1]} : vector<32x1024xf32> to vector<1x1024xf32>
    %mul3A_59 = vector.broadcast %slice3A_58 : vector<1x1024xf32> to vector<32x1024xf32>
    %mul3A_60 = arith.mulf %slice3A_57, %mul3A_59 : vector<32x1024xf32>
    %add3A_61 = arith.addf %add3A_56, %mul3A_60 : vector<32x1024xf32>
    %slice3A_62 = vector.extract_strided_slice %dot_general3A_16 {offsets = [160, 0], sizes = [32, 1024], strides = [1, 1]} : vector<4096x1024xf32> to vector<32x1024xf32>
    %slice3A_63 = vector.extract_strided_slice %slice3A {offsets = [5, 0], sizes = [1, 1024], strides = [1, 1]} : vector<32x1024xf32> to vector<1x1024xf32>
    %mul3A_64 = vector.broadcast %slice3A_63 : vector<1x1024xf32> to vector<32x1024xf32>
    %mul3A_65 = arith.mulf %slice3A_62, %mul3A_64 : vector<32x1024xf32>
    %add3A_66 = arith.addf %add3A_61, %mul3A_65 : vector<32x1024xf32>
    %slice3A_67 = vector.extract_strided_slice %dot_general3A_16 {offsets = [192, 0], sizes = [32, 1024], strides = [1, 1]} : vector<4096x1024xf32> to vector<32x1024xf32>
    %slice3A_68 = vector.extract_strided_slice %slice3A {offsets = [6, 0], sizes = [1, 1024], strides = [1, 1]} : vector<32x1024xf32> to vector<1x1024xf32>
    %mul3A_69 = vector.broadcast %slice3A_68 : vector<1x1024xf32> to vector<32x1024xf32>
    %mul3A_70 = arith.mulf %slice3A_67, %mul3A_69 : vector<32x1024xf32>
    %add3A_71 = arith.addf %add3A_66, %mul3A_70 : vector<32x1024xf32>
    %slice3A_72 = vector.extract_strided_slice %dot_general3A_16 {offsets = [224, 0], sizes = [32, 1024], strides = [1, 1]} : vector<4096x1024xf32> to vector<32x1024xf32>
    %slice3A_73 = vector.extract_strided_slice %slice3A {offsets = [7, 0], sizes = [1, 1024], strides = [1, 1]} : vector<32x1024xf32> to vector<1x1024xf32>
    %mul3A_74 = vector.broadcast %slice3A_73 : vector<1x1024xf32> to vector<32x1024xf32>
    %mul3A_75 = arith.mulf %slice3A_72, %mul3A_74 : vector<32x1024xf32>
    %add3A_76 = arith.addf %add3A_71, %mul3A_75 : vector<32x1024xf32>
    %slice3A_77 = vector.extract_strided_slice %dot_general3A_16 {offsets = [256, 0], sizes = [32, 1024], strides = [1, 1]} : vector<4096x1024xf32> to vector<32x1024xf32>
    %slice3A_78 = vector.extract_strided_slice %slice3A {offsets = [8, 0], sizes = [1, 1024], strides = [1, 1]} : vector<32x1024xf32> to vector<1x1024xf32>
    %mul3A_79 = vector.broadcast %slice3A_78 : vector<1x1024xf32> to vector<32x1024xf32>
    %mul3A_80 = arith.mulf %slice3A_77, %mul3A_79 : vector<32x1024xf32>
    %add3A_81 = arith.addf %add3A_76, %mul3A_80 : vector<32x1024xf32>
    %slice3A_82 = vector.extract_strided_slice %dot_general3A_16 {offsets = [288, 0], sizes = [32, 1024], strides = [1, 1]} : vector<4096x1024xf32> to vector<32x1024xf32>
    %slice3A_83 = vector.extract_strided_slice %slice3A {offsets = [9, 0], sizes = [1, 1024], strides = [1, 1]} : vector<32x1024xf32> to vector<1x1024xf32>
    %mul3A_84 = vector.broadcast %slice3A_83 : vector<1x1024xf32> to vector<32x1024xf32>
    %mul3A_85 = arith.mulf %slice3A_82, %mul3A_84 : vector<32x1024xf32>
    %add3A_86 = arith.addf %add3A_81, %mul3A_85 : vector<32x1024xf32>
    %slice3A_87 = vector.extract_strided_slice %dot_general3A_16 {offsets = [320, 0], sizes = [32, 1024], strides = [1, 1]} : vector<4096x1024xf32> to vector<32x1024xf32>
    %slice3A_88 = vector.extract_strided_slice %slice3A {offsets = [10, 0], sizes = [1, 1024], strides = [1, 1]} : vector<32x1024xf32> to vector<1x1024xf32>
    %mul3A_89 = vector.broadcast %slice3A_88 : vector<1x1024xf32> to vector<32x1024xf32>
    %mul3A_90 = arith.mulf %slice3A_87, %mul3A_89 : vector<32x1024xf32>
    %add3A_91 = arith.addf %add3A_86, %mul3A_90 : vector<32x1024xf32>
    %slice3A_92 = vector.extract_strided_slice %dot_general3A_16 {offsets = [352, 0], sizes = [32, 1024], strides = [1, 1]} : vector<4096x1024xf32> to vector<32x1024xf32>
    %slice3A_93 = vector.extract_strided_slice %slice3A {offsets = [11, 0], sizes = [1, 1024], strides = [1, 1]} : vector<32x1024xf32> to vector<1x1024xf32>
    %mul3A_94 = vector.broadcast %slice3A_93 : vector<1x1024xf32> to vector<32x1024xf32>
    %mul3A_95 = arith.mulf %slice3A_92, %mul3A_94 : vector<32x1024xf32>
    %add3A_96 = arith.addf %add3A_91, %mul3A_95 : vector<32x1024xf32>
    %slice3A_97 = vector.extract_strided_slice %dot_general3A_16 {offsets = [384, 0], sizes = [32, 1024], strides = [1, 1]} : vector<4096x1024xf32> to vector<32x1024xf32>
    %slice3A_98 = vector.extract_strided_slice %slice3A {offsets = [12, 0], sizes = [1, 1024], strides = [1, 1]} : vector<32x1024xf32> to vector<1x1024xf32>
    %mul3A_99 = vector.broadcast %slice3A_98 : vector<1x1024xf32> to vector<32x1024xf32>
    %mul3A_100 = arith.mulf %slice3A_97, %mul3A_99 : vector<32x1024xf32>
    %add3A_101 = arith.addf %add3A_96, %mul3A_100 : vector<32x1024xf32>
    %slice3A_102 = vector.extract_strided_slice %dot_general3A_16 {offsets = [416, 0], sizes = [32, 1024], strides = [1, 1]} : vector<4096x1024xf32> to vector<32x1024xf32>
    %slice3A_103 = vector.extract_strided_slice %slice3A {offsets = [13, 0], sizes = [1, 1024], strides = [1, 1]} : vector<32x1024xf32> to vector<1x1024xf32>
    %mul3A_104 = vector.broadcast %slice3A_103 : vector<1x1024xf32> to vector<32x1024xf32>
    %mul3A_105 = arith.mulf %slice3A_102, %mul3A_104 : vector<32x1024xf32>
    %add3A_106 = arith.addf %add3A_101, %mul3A_105 : vector<32x1024xf32>
    %slice3A_107 = vector.extract_strided_slice %dot_general3A_16 {offsets = [448, 0], sizes = [32, 1024], strides = [1, 1]} : vector<4096x1024xf32> to vector<32x1024xf32>
    %slice3A_108 = vector.extract_strided_slice %slice3A {offsets = [14, 0], sizes = [1, 1024], strides = [1, 1]} : vector<32x1024xf32> to vector<1x1024xf32>
    %mul3A_109 = vector.broadcast %slice3A_108 : vector<1x1024xf32> to vector<32x1024xf32>
    %mul3A_110 = arith.mulf %slice3A_107, %mul3A_109 : vector<32x1024xf32>
    %add3A_111 = arith.addf %add3A_106, %mul3A_110 : vector<32x1024xf32>
    %slice3A_112 = vector.extract_strided_slice %dot_general3A_16 {offsets = [480, 0], sizes = [32, 1024], strides = [1, 1]} : vector<4096x1024xf32> to vector<32x1024xf32>
    %slice3A_113 = vector.extract_strided_slice %slice3A {offsets = [15, 0], sizes = [1, 1024], strides = [1, 1]} : vector<32x1024xf32> to vector<1x1024xf32>
    %mul3A_114 = vector.broadcast %slice3A_113 : vector<1x1024xf32> to vector<32x1024xf32>
    %mul3A_115 = arith.mulf %slice3A_112, %mul3A_114 : vector<32x1024xf32>
    %add3A_116 = arith.addf %add3A_111, %mul3A_115 : vector<32x1024xf32>
    %slice3A_117 = vector.extract_strided_slice %dot_general3A_16 {offsets = [512, 0], sizes = [32, 1024], strides = [1, 1]} : vector<4096x1024xf32> to vector<32x1024xf32>
    %slice3A_118 = vector.extract_strided_slice %slice3A {offsets = [16, 0], sizes = [1, 1024], strides = [1, 1]} : vector<32x1024xf32> to vector<1x1024xf32>
    %mul3A_119 = vector.broadcast %slice3A_118 : vector<1x1024xf32> to vector<32x1024xf32>
    %mul3A_120 = arith.mulf %slice3A_117, %mul3A_119 : vector<32x1024xf32>
    %add3A_121 = arith.addf %add3A_116, %mul3A_120 : vector<32x1024xf32>
    %slice3A_122 = vector.extract_strided_slice %dot_general3A_16 {offsets = [544, 0], sizes = [32, 1024], strides = [1, 1]} : vector<4096x1024xf32> to vector<32x1024xf32>
    %slice3A_123 = vector.extract_strided_slice %slice3A {offsets = [17, 0], sizes = [1, 1024], strides = [1, 1]} : vector<32x1024xf32> to vector<1x1024xf32>
    %mul3A_124 = vector.broadcast %slice3A_123 : vector<1x1024xf32> to vector<32x1024xf32>
    %mul3A_125 = arith.mulf %slice3A_122, %mul3A_124 : vector<32x1024xf32>
    %add3A_126 = arith.addf %add3A_121, %mul3A_125 : vector<32x1024xf32>
    %slice3A_127 = vector.extract_strided_slice %dot_general3A_16 {offsets = [576, 0], sizes = [32, 1024], strides = [1, 1]} : vector<4096x1024xf32> to vector<32x1024xf32>
    %slice3A_128 = vector.extract_strided_slice %slice3A {offsets = [18, 0], sizes = [1, 1024], strides = [1, 1]} : vector<32x1024xf32> to vector<1x1024xf32>
    %mul3A_129 = vector.broadcast %slice3A_128 : vector<1x1024xf32> to vector<32x1024xf32>
    %mul3A_130 = arith.mulf %slice3A_127, %mul3A_129 : vector<32x1024xf32>
    %add3A_131 = arith.addf %add3A_126, %mul3A_130 : vector<32x1024xf32>
    %slice3A_132 = vector.extract_strided_slice %dot_general3A_16 {offsets = [608, 0], sizes = [32, 1024], strides = [1, 1]} : vector<4096x1024xf32> to vector<32x1024xf32>
    %slice3A_133 = vector.extract_strided_slice %slice3A {offsets = [19, 0], sizes = [1, 1024], strides = [1, 1]} : vector<32x1024xf32> to vector<1x1024xf32>
    %mul3A_134 = vector.broadcast %slice3A_133 : vector<1x1024xf32> to vector<32x1024xf32>
    %mul3A_135 = arith.mulf %slice3A_132, %mul3A_134 : vector<32x1024xf32>
    %add3A_136 = arith.addf %add3A_131, %mul3A_135 : vector<32x1024xf32>
    %slice3A_137 = vector.extract_strided_slice %dot_general3A_16 {offsets = [640, 0], sizes = [32, 1024], strides = [1, 1]} : vector<4096x1024xf32> to vector<32x1024xf32>
    %slice3A_138 = vector.extract_strided_slice %slice3A {offsets = [20, 0], sizes = [1, 1024], strides = [1, 1]} : vector<32x1024xf32> to vector<1x1024xf32>
    %mul3A_139 = vector.broadcast %slice3A_138 : vector<1x1024xf32> to vector<32x1024xf32>
    %mul3A_140 = arith.mulf %slice3A_137, %mul3A_139 : vector<32x1024xf32>
    %add3A_141 = arith.addf %add3A_136, %mul3A_140 : vector<32x1024xf32>
    %slice3A_142 = vector.extract_strided_slice %dot_general3A_16 {offsets = [672, 0], sizes = [32, 1024], strides = [1, 1]} : vector<4096x1024xf32> to vector<32x1024xf32>
    %slice3A_143 = vector.extract_strided_slice %slice3A {offsets = [21, 0], sizes = [1, 1024], strides = [1, 1]} : vector<32x1024xf32> to vector<1x1024xf32>
    %mul3A_144 = vector.broadcast %slice3A_143 : vector<1x1024xf32> to vector<32x1024xf32>
    %mul3A_145 = arith.mulf %slice3A_142, %mul3A_144 : vector<32x1024xf32>
    %add3A_146 = arith.addf %add3A_141, %mul3A_145 : vector<32x1024xf32>
    %slice3A_147 = vector.extract_strided_slice %dot_general3A_16 {offsets = [704, 0], sizes = [32, 1024], strides = [1, 1]} : vector<4096x1024xf32> to vector<32x1024xf32>
    %slice3A_148 = vector.extract_strided_slice %slice3A {offsets = [22, 0], sizes = [1, 1024], strides = [1, 1]} : vector<32x1024xf32> to vector<1x1024xf32>
    %mul3A_149 = vector.broadcast %slice3A_148 : vector<1x1024xf32> to vector<32x1024xf32>
    %mul3A_150 = arith.mulf %slice3A_147, %mul3A_149 : vector<32x1024xf32>
    %add3A_151 = arith.addf %add3A_146, %mul3A_150 : vector<32x1024xf32>
    %slice3A_152 = vector.extract_strided_slice %dot_general3A_16 {offsets = [736, 0], sizes = [32, 1024], strides = [1, 1]} : vector<4096x1024xf32> to vector<32x1024xf32>
    %slice3A_153 = vector.extract_strided_slice %slice3A {offsets = [23, 0], sizes = [1, 1024], strides = [1, 1]} : vector<32x1024xf32> to vector<1x1024xf32>
    %mul3A_154 = vector.broadcast %slice3A_153 : vector<1x1024xf32> to vector<32x1024xf32>
    %mul3A_155 = arith.mulf %slice3A_152, %mul3A_154 : vector<32x1024xf32>
    %add3A_156 = arith.addf %add3A_151, %mul3A_155 : vector<32x1024xf32>
    %slice3A_157 = vector.extract_strided_slice %dot_general3A_16 {offsets = [768, 0], sizes = [32, 1024], strides = [1, 1]} : vector<4096x1024xf32> to vector<32x1024xf32>
    %slice3A_158 = vector.extract_strided_slice %slice3A {offsets = [24, 0], sizes = [1, 1024], strides = [1, 1]} : vector<32x1024xf32> to vector<1x1024xf32>
    %mul3A_159 = vector.broadcast %slice3A_158 : vector<1x1024xf32> to vector<32x1024xf32>
    %mul3A_160 = arith.mulf %slice3A_157, %mul3A_159 : vector<32x1024xf32>
    %add3A_161 = arith.addf %add3A_156, %mul3A_160 : vector<32x1024xf32>
    %slice3A_162 = vector.extract_strided_slice %dot_general3A_16 {offsets = [800, 0], sizes = [32, 1024], strides = [1, 1]} : vector<4096x1024xf32> to vector<32x1024xf32>
    %slice3A_163 = vector.extract_strided_slice %slice3A {offsets = [25, 0], sizes = [1, 1024], strides = [1, 1]} : vector<32x1024xf32> to vector<1x1024xf32>
    %mul3A_164 = vector.broadcast %slice3A_163 : vector<1x1024xf32> to vector<32x1024xf32>
    %mul3A_165 = arith.mulf %slice3A_162, %mul3A_164 : vector<32x1024xf32>
    %add3A_166 = arith.addf %add3A_161, %mul3A_165 : vector<32x1024xf32>
    %slice3A_167 = vector.extract_strided_slice %dot_general3A_16 {offsets = [832, 0], sizes = [32, 1024], strides = [1, 1]} : vector<4096x1024xf32> to vector<32x1024xf32>
    %slice3A_168 = vector.extract_strided_slice %slice3A {offsets = [26, 0], sizes = [1, 1024], strides = [1, 1]} : vector<32x1024xf32> to vector<1x1024xf32>
    %mul3A_169 = vector.broadcast %slice3A_168 : vector<1x1024xf32> to vector<32x1024xf32>
    %mul3A_170 = arith.mulf %slice3A_167, %mul3A_169 : vector<32x1024xf32>
    %add3A_171 = arith.addf %add3A_166, %mul3A_170 : vector<32x1024xf32>
    %slice3A_172 = vector.extract_strided_slice %dot_general3A_16 {offsets = [864, 0], sizes = [32, 1024], strides = [1, 1]} : vector<4096x1024xf32> to vector<32x1024xf32>
    %slice3A_173 = vector.extract_strided_slice %slice3A {offsets = [27, 0], sizes = [1, 1024], strides = [1, 1]} : vector<32x1024xf32> to vector<1x1024xf32>
    %mul3A_174 = vector.broadcast %slice3A_173 : vector<1x1024xf32> to vector<32x1024xf32>
    %mul3A_175 = arith.mulf %slice3A_172, %mul3A_174 : vector<32x1024xf32>
    %add3A_176 = arith.addf %add3A_171, %mul3A_175 : vector<32x1024xf32>
    %slice3A_177 = vector.extract_strided_slice %dot_general3A_16 {offsets = [896, 0], sizes = [32, 1024], strides = [1, 1]} : vector<4096x1024xf32> to vector<32x1024xf32>
    %slice3A_178 = vector.extract_strided_slice %slice3A {offsets = [28, 0], sizes = [1, 1024], strides = [1, 1]} : vector<32x1024xf32> to vector<1x1024xf32>
    %mul3A_179 = vector.broadcast %slice3A_178 : vector<1x1024xf32> to vector<32x1024xf32>
    %mul3A_180 = arith.mulf %slice3A_177, %mul3A_179 : vector<32x1024xf32>
    %add3A_181 = arith.addf %add3A_176, %mul3A_180 : vector<32x1024xf32>
    %slice3A_182 = vector.extract_strided_slice %dot_general3A_16 {offsets = [928, 0], sizes = [32, 1024], strides = [1, 1]} : vector<4096x1024xf32> to vector<32x1024xf32>
    %slice3A_183 = vector.extract_strided_slice %slice3A {offsets = [29, 0], sizes = [1, 1024], strides = [1, 1]} : vector<32x1024xf32> to vector<1x1024xf32>
    %mul3A_184 = vector.broadcast %slice3A_183 : vector<1x1024xf32> to vector<32x1024xf32>
    %mul3A_185 = arith.mulf %slice3A_182, %mul3A_184 : vector<32x1024xf32>
    %add3A_186 = arith.addf %add3A_181, %mul3A_185 : vector<32x1024xf32>
    %slice3A_187 = vector.extract_strided_slice %dot_general3A_16 {offsets = [960, 0], sizes = [32, 1024], strides = [1, 1]} : vector<4096x1024xf32> to vector<32x1024xf32>
    %slice3A_188 = vector.extract_strided_slice %slice3A {offsets = [30, 0], sizes = [1, 1024], strides = [1, 1]} : vector<32x1024xf32> to vector<1x1024xf32>
    %mul3A_189 = vector.broadcast %slice3A_188 : vector<1x1024xf32> to vector<32x1024xf32>
    %mul3A_190 = arith.mulf %slice3A_187, %mul3A_189 : vector<32x1024xf32>
    %add3A_191 = arith.addf %add3A_186, %mul3A_190 : vector<32x1024xf32>
    %slice3A_192 = vector.extract_strided_slice %dot_general3A_16 {offsets = [992, 0], sizes = [32, 1024], strides = [1, 1]} : vector<4096x1024xf32> to vector<32x1024xf32>
    %slice3A_193 = vector.extract_strided_slice %slice3A {offsets = [31, 0], sizes = [1, 1024], strides = [1, 1]} : vector<32x1024xf32> to vector<1x1024xf32>
    %mul3A_194 = vector.broadcast %slice3A_193 : vector<1x1024xf32> to vector<32x1024xf32>
    %mul3A_195 = arith.mulf %slice3A_192, %mul3A_194 : vector<32x1024xf32>
    %add3A_196 = arith.addf %add3A_191, %mul3A_195 : vector<32x1024xf32>
    %slice3A_197 = vector.extract_strided_slice %dot_general3A_16 {offsets = [1024, 0], sizes = [32, 1024], strides = [1, 1]} : vector<4096x1024xf32> to vector<32x1024xf32>
    %slice3A_198 = vector.extract_strided_slice %slice3A {offsets = [0, 0], sizes = [1, 1024], strides = [1, 1]} : vector<32x1024xf32> to vector<1x1024xf32>
    %mul3A_199 = vector.broadcast %slice3A_198 : vector<1x1024xf32> to vector<32x1024xf32>
    %mul3A_200 = arith.mulf %slice3A_197, %mul3A_199 : vector<32x1024xf32>
    %slice3A_201 = vector.extract_strided_slice %dot_general3A_16 {offsets = [1056, 0], sizes = [32, 1024], strides = [1, 1]} : vector<4096x1024xf32> to vector<32x1024xf32>
    %slice3A_202 = vector.extract_strided_slice %slice3A {offsets = [1, 0], sizes = [1, 1024], strides = [1, 1]} : vector<32x1024xf32> to vector<1x1024xf32>
    %mul3A_203 = vector.broadcast %slice3A_202 : vector<1x1024xf32> to vector<32x1024xf32>
    %mul3A_204 = arith.mulf %slice3A_201, %mul3A_203 : vector<32x1024xf32>
    %add3A_205 = arith.addf %mul3A_200, %mul3A_204 : vector<32x1024xf32>
    %slice3A_206 = vector.extract_strided_slice %dot_general3A_16 {offsets = [1088, 0], sizes = [32, 1024], strides = [1, 1]} : vector<4096x1024xf32> to vector<32x1024xf32>
    %slice3A_207 = vector.extract_strided_slice %slice3A {offsets = [2, 0], sizes = [1, 1024], strides = [1, 1]} : vector<32x1024xf32> to vector<1x1024xf32>
    %mul3A_208 = vector.broadcast %slice3A_207 : vector<1x1024xf32> to vector<32x1024xf32>
    %mul3A_209 = arith.mulf %slice3A_206, %mul3A_208 : vector<32x1024xf32>
    %add3A_210 = arith.addf %add3A_205, %mul3A_209 : vector<32x1024xf32>
    %slice3A_211 = vector.extract_strided_slice %dot_general3A_16 {offsets = [1120, 0], sizes = [32, 1024], strides = [1, 1]} : vector<4096x1024xf32> to vector<32x1024xf32>
    %slice3A_212 = vector.extract_strided_slice %slice3A {offsets = [3, 0], sizes = [1, 1024], strides = [1, 1]} : vector<32x1024xf32> to vector<1x1024xf32>
    %mul3A_213 = vector.broadcast %slice3A_212 : vector<1x1024xf32> to vector<32x1024xf32>
    %mul3A_214 = arith.mulf %slice3A_211, %mul3A_213 : vector<32x1024xf32>
    %add3A_215 = arith.addf %add3A_210, %mul3A_214 : vector<32x1024xf32>
    %slice3A_216 = vector.extract_strided_slice %dot_general3A_16 {offsets = [1152, 0], sizes = [32, 1024], strides = [1, 1]} : vector<4096x1024xf32> to vector<32x1024xf32>
    %slice3A_217 = vector.extract_strided_slice %slice3A {offsets = [4, 0], sizes = [1, 1024], strides = [1, 1]} : vector<32x1024xf32> to vector<1x1024xf32>
    %mul3A_218 = vector.broadcast %slice3A_217 : vector<1x1024xf32> to vector<32x1024xf32>
    %mul3A_219 = arith.mulf %slice3A_216, %mul3A_218 : vector<32x1024xf32>
    %add3A_220 = arith.addf %add3A_215, %mul3A_219 : vector<32x1024xf32>
    %slice3A_221 = vector.extract_strided_slice %dot_general3A_16 {offsets = [1184, 0], sizes = [32, 1024], strides = [1, 1]} : vector<4096x1024xf32> to vector<32x1024xf32>
    %slice3A_222 = vector.extract_strided_slice %slice3A {offsets = [5, 0], sizes = [1, 1024], strides = [1, 1]} : vector<32x1024xf32> to vector<1x1024xf32>
    %mul3A_223 = vector.broadcast %slice3A_222 : vector<1x1024xf32> to vector<32x1024xf32>
    %mul3A_224 = arith.mulf %slice3A_221, %mul3A_223 : vector<32x1024xf32>
    %add3A_225 = arith.addf %add3A_220, %mul3A_224 : vector<32x1024xf32>
    %slice3A_226 = vector.extract_strided_slice %dot_general3A_16 {offsets = [1216, 0], sizes = [32, 1024], strides = [1, 1]} : vector<4096x1024xf32> to vector<32x1024xf32>
    %slice3A_227 = vector.extract_strided_slice %slice3A {offsets = [6, 0], sizes = [1, 1024], strides = [1, 1]} : vector<32x1024xf32> to vector<1x1024xf32>
    %mul3A_228 = vector.broadcast %slice3A_227 : vector<1x1024xf32> to vector<32x1024xf32>
    %mul3A_229 = arith.mulf %slice3A_226, %mul3A_228 : vector<32x1024xf32>
    %add3A_230 = arith.addf %add3A_225, %mul3A_229 : vector<32x1024xf32>
    %slice3A_231 = vector.extract_strided_slice %dot_general3A_16 {offsets = [1248, 0], sizes = [32, 1024], strides = [1, 1]} : vector<4096x1024xf32> to vector<32x1024xf32>
    %slice3A_232 = vector.extract_strided_slice %slice3A {offsets = [7, 0], sizes = [1, 1024], strides = [1, 1]} : vector<32x1024xf32> to vector<1x1024xf32>
    %mul3A_233 = vector.broadcast %slice3A_232 : vector<1x1024xf32> to vector<32x1024xf32>
    %mul3A_234 = arith.mulf %slice3A_231, %mul3A_233 : vector<32x1024xf32>
    %add3A_235 = arith.addf %add3A_230, %mul3A_234 : vector<32x1024xf32>
    %slice3A_236 = vector.extract_strided_slice %dot_general3A_16 {offsets = [1280, 0], sizes = [32, 1024], strides = [1, 1]} : vector<4096x1024xf32> to vector<32x1024xf32>
    %slice3A_237 = vector.extract_strided_slice %slice3A {offsets = [8, 0], sizes = [1, 1024], strides = [1, 1]} : vector<32x1024xf32> to vector<1x1024xf32>
    %mul3A_238 = vector.broadcast %slice3A_237 : vector<1x1024xf32> to vector<32x1024xf32>
    %mul3A_239 = arith.mulf %slice3A_236, %mul3A_238 : vector<32x1024xf32>
    %add3A_240 = arith.addf %add3A_235, %mul3A_239 : vector<32x1024xf32>
    %slice3A_241 = vector.extract_strided_slice %dot_general3A_16 {offsets = [1312, 0], sizes = [32, 1024], strides = [1, 1]} : vector<4096x1024xf32> to vector<32x1024xf32>
    %slice3A_242 = vector.extract_strided_slice %slice3A {offsets = [9, 0], sizes = [1, 1024], strides = [1, 1]} : vector<32x1024xf32> to vector<1x1024xf32>
    %mul3A_243 = vector.broadcast %slice3A_242 : vector<1x1024xf32> to vector<32x1024xf32>
    %mul3A_244 = arith.mulf %slice3A_241, %mul3A_243 : vector<32x1024xf32>
    %add3A_245 = arith.addf %add3A_240, %mul3A_244 : vector<32x1024xf32>
    %slice3A_246 = vector.extract_strided_slice %dot_general3A_16 {offsets = [1344, 0], sizes = [32, 1024], strides = [1, 1]} : vector<4096x1024xf32> to vector<32x1024xf32>
    %slice3A_247 = vector.extract_strided_slice %slice3A {offsets = [10, 0], sizes = [1, 1024], strides = [1, 1]} : vector<32x1024xf32> to vector<1x1024xf32>
    %mul3A_248 = vector.broadcast %slice3A_247 : vector<1x1024xf32> to vector<32x1024xf32>
    %mul3A_249 = arith.mulf %slice3A_246, %mul3A_248 : vector<32x1024xf32>
    %add3A_250 = arith.addf %add3A_245, %mul3A_249 : vector<32x1024xf32>
    %slice3A_251 = vector.extract_strided_slice %dot_general3A_16 {offsets = [1376, 0], sizes = [32, 1024], strides = [1, 1]} : vector<4096x1024xf32> to vector<32x1024xf32>
    %slice3A_252 = vector.extract_strided_slice %slice3A {offsets = [11, 0], sizes = [1, 1024], strides = [1, 1]} : vector<32x1024xf32> to vector<1x1024xf32>
    %mul3A_253 = vector.broadcast %slice3A_252 : vector<1x1024xf32> to vector<32x1024xf32>
    %mul3A_254 = arith.mulf %slice3A_251, %mul3A_253 : vector<32x1024xf32>
    %add3A_255 = arith.addf %add3A_250, %mul3A_254 : vector<32x1024xf32>
    %slice3A_256 = vector.extract_strided_slice %dot_general3A_16 {offsets = [1408, 0], sizes = [32, 1024], strides = [1, 1]} : vector<4096x1024xf32> to vector<32x1024xf32>
    %slice3A_257 = vector.extract_strided_slice %slice3A {offsets = [12, 0], sizes = [1, 1024], strides = [1, 1]} : vector<32x1024xf32> to vector<1x1024xf32>
    %mul3A_258 = vector.broadcast %slice3A_257 : vector<1x1024xf32> to vector<32x1024xf32>
    %mul3A_259 = arith.mulf %slice3A_256, %mul3A_258 : vector<32x1024xf32>
    %add3A_260 = arith.addf %add3A_255, %mul3A_259 : vector<32x1024xf32>
    %slice3A_261 = vector.extract_strided_slice %dot_general3A_16 {offsets = [1440, 0], sizes = [32, 1024], strides = [1, 1]} : vector<4096x1024xf32> to vector<32x1024xf32>
    %slice3A_262 = vector.extract_strided_slice %slice3A {offsets = [13, 0], sizes = [1, 1024], strides = [1, 1]} : vector<32x1024xf32> to vector<1x1024xf32>
    %mul3A_263 = vector.broadcast %slice3A_262 : vector<1x1024xf32> to vector<32x1024xf32>
    %mul3A_264 = arith.mulf %slice3A_261, %mul3A_263 : vector<32x1024xf32>
    %add3A_265 = arith.addf %add3A_260, %mul3A_264 : vector<32x1024xf32>
    %slice3A_266 = vector.extract_strided_slice %dot_general3A_16 {offsets = [1472, 0], sizes = [32, 1024], strides = [1, 1]} : vector<4096x1024xf32> to vector<32x1024xf32>
    %slice3A_267 = vector.extract_strided_slice %slice3A {offsets = [14, 0], sizes = [1, 1024], strides = [1, 1]} : vector<32x1024xf32> to vector<1x1024xf32>
    %mul3A_268 = vector.broadcast %slice3A_267 : vector<1x1024xf32> to vector<32x1024xf32>
    %mul3A_269 = arith.mulf %slice3A_266, %mul3A_268 : vector<32x1024xf32>
    %add3A_270 = arith.addf %add3A_265, %mul3A_269 : vector<32x1024xf32>
    %slice3A_271 = vector.extract_strided_slice %dot_general3A_16 {offsets = [1504, 0], sizes = [32, 1024], strides = [1, 1]} : vector<4096x1024xf32> to vector<32x1024xf32>
    %slice3A_272 = vector.extract_strided_slice %slice3A {offsets = [15, 0], sizes = [1, 1024], strides = [1, 1]} : vector<32x1024xf32> to vector<1x1024xf32>
    %mul3A_273 = vector.broadcast %slice3A_272 : vector<1x1024xf32> to vector<32x1024xf32>
    %mul3A_274 = arith.mulf %slice3A_271, %mul3A_273 : vector<32x1024xf32>
    %add3A_275 = arith.addf %add3A_270, %mul3A_274 : vector<32x1024xf32>
    %slice3A_276 = vector.extract_strided_slice %dot_general3A_16 {offsets = [1536, 0], sizes = [32, 1024], strides = [1, 1]} : vector<4096x1024xf32> to vector<32x1024xf32>
    %slice3A_277 = vector.extract_strided_slice %slice3A {offsets = [16, 0], sizes = [1, 1024], strides = [1, 1]} : vector<32x1024xf32> to vector<1x1024xf32>
    %mul3A_278 = vector.broadcast %slice3A_277 : vector<1x1024xf32> to vector<32x1024xf32>
    %mul3A_279 = arith.mulf %slice3A_276, %mul3A_278 : vector<32x1024xf32>
    %add3A_280 = arith.addf %add3A_275, %mul3A_279 : vector<32x1024xf32>
    %slice3A_281 = vector.extract_strided_slice %dot_general3A_16 {offsets = [1568, 0], sizes = [32, 1024], strides = [1, 1]} : vector<4096x1024xf32> to vector<32x1024xf32>
    %slice3A_282 = vector.extract_strided_slice %slice3A {offsets = [17, 0], sizes = [1, 1024], strides = [1, 1]} : vector<32x1024xf32> to vector<1x1024xf32>
    %mul3A_283 = vector.broadcast %slice3A_282 : vector<1x1024xf32> to vector<32x1024xf32>
    %mul3A_284 = arith.mulf %slice3A_281, %mul3A_283 : vector<32x1024xf32>
    %add3A_285 = arith.addf %add3A_280, %mul3A_284 : vector<32x1024xf32>
    %slice3A_286 = vector.extract_strided_slice %dot_general3A_16 {offsets = [1600, 0], sizes = [32, 1024], strides = [1, 1]} : vector<4096x1024xf32> to vector<32x1024xf32>
    %slice3A_287 = vector.extract_strided_slice %slice3A {offsets = [18, 0], sizes = [1, 1024], strides = [1, 1]} : vector<32x1024xf32> to vector<1x1024xf32>
    %mul3A_288 = vector.broadcast %slice3A_287 : vector<1x1024xf32> to vector<32x1024xf32>
    %mul3A_289 = arith.mulf %slice3A_286, %mul3A_288 : vector<32x1024xf32>
    %add3A_290 = arith.addf %add3A_285, %mul3A_289 : vector<32x1024xf32>
    %slice3A_291 = vector.extract_strided_slice %dot_general3A_16 {offsets = [1632, 0], sizes = [32, 1024], strides = [1, 1]} : vector<4096x1024xf32> to vector<32x1024xf32>
    %slice3A_292 = vector.extract_strided_slice %slice3A {offsets = [19, 0], sizes = [1, 1024], strides = [1, 1]} : vector<32x1024xf32> to vector<1x1024xf32>
    %mul3A_293 = vector.broadcast %slice3A_292 : vector<1x1024xf32> to vector<32x1024xf32>
    %mul3A_294 = arith.mulf %slice3A_291, %mul3A_293 : vector<32x1024xf32>
    %add3A_295 = arith.addf %add3A_290, %mul3A_294 : vector<32x1024xf32>
    %slice3A_296 = vector.extract_strided_slice %dot_general3A_16 {offsets = [1664, 0], sizes = [32, 1024], strides = [1, 1]} : vector<4096x1024xf32> to vector<32x1024xf32>
    %slice3A_297 = vector.extract_strided_slice %slice3A {offsets = [20, 0], sizes = [1, 1024], strides = [1, 1]} : vector<32x1024xf32> to vector<1x1024xf32>
    %mul3A_298 = vector.broadcast %slice3A_297 : vector<1x1024xf32> to vector<32x1024xf32>
    %mul3A_299 = arith.mulf %slice3A_296, %mul3A_298 : vector<32x1024xf32>
    %add3A_300 = arith.addf %add3A_295, %mul3A_299 : vector<32x1024xf32>
    %slice3A_301 = vector.extract_strided_slice %dot_general3A_16 {offsets = [1696, 0], sizes = [32, 1024], strides = [1, 1]} : vector<4096x1024xf32> to vector<32x1024xf32>
    %slice3A_302 = vector.extract_strided_slice %slice3A {offsets = [21, 0], sizes = [1, 1024], strides = [1, 1]} : vector<32x1024xf32> to vector<1x1024xf32>
    %mul3A_303 = vector.broadcast %slice3A_302 : vector<1x1024xf32> to vector<32x1024xf32>
    %mul3A_304 = arith.mulf %slice3A_301, %mul3A_303 : vector<32x1024xf32>
    %add3A_305 = arith.addf %add3A_300, %mul3A_304 : vector<32x1024xf32>
    %slice3A_306 = vector.extract_strided_slice %dot_general3A_16 {offsets = [1728, 0], sizes = [32, 1024], strides = [1, 1]} : vector<4096x1024xf32> to vector<32x1024xf32>
    %slice3A_307 = vector.extract_strided_slice %slice3A {offsets = [22, 0], sizes = [1, 1024], strides = [1, 1]} : vector<32x1024xf32> to vector<1x1024xf32>
    %mul3A_308 = vector.broadcast %slice3A_307 : vector<1x1024xf32> to vector<32x1024xf32>
    %mul3A_309 = arith.mulf %slice3A_306, %mul3A_308 : vector<32x1024xf32>
    %add3A_310 = arith.addf %add3A_305, %mul3A_309 : vector<32x1024xf32>
    %slice3A_311 = vector.extract_strided_slice %dot_general3A_16 {offsets = [1760, 0], sizes = [32, 1024], strides = [1, 1]} : vector<4096x1024xf32> to vector<32x1024xf32>
    %slice3A_312 = vector.extract_strided_slice %slice3A {offsets = [23, 0], sizes = [1, 1024], strides = [1, 1]} : vector<32x1024xf32> to vector<1x1024xf32>
    %mul3A_313 = vector.broadcast %slice3A_312 : vector<1x1024xf32> to vector<32x1024xf32>
    %mul3A_314 = arith.mulf %slice3A_311, %mul3A_313 : vector<32x1024xf32>
    %add3A_315 = arith.addf %add3A_310, %mul3A_314 : vector<32x1024xf32>
    %slice3A_316 = vector.extract_strided_slice %dot_general3A_16 {offsets = [1792, 0], sizes = [32, 1024], strides = [1, 1]} : vector<4096x1024xf32> to vector<32x1024xf32>
    %slice3A_317 = vector.extract_strided_slice %slice3A {offsets = [24, 0], sizes = [1, 1024], strides = [1, 1]} : vector<32x1024xf32> to vector<1x1024xf32>
    %mul3A_318 = vector.broadcast %slice3A_317 : vector<1x1024xf32> to vector<32x1024xf32>
    %mul3A_319 = arith.mulf %slice3A_316, %mul3A_318 : vector<32x1024xf32>
    %add3A_320 = arith.addf %add3A_315, %mul3A_319 : vector<32x1024xf32>
    %slice3A_321 = vector.extract_strided_slice %dot_general3A_16 {offsets = [1824, 0], sizes = [32, 1024], strides = [1, 1]} : vector<4096x1024xf32> to vector<32x1024xf32>
    %slice3A_322 = vector.extract_strided_slice %slice3A {offsets = [25, 0], sizes = [1, 1024], strides = [1, 1]} : vector<32x1024xf32> to vector<1x1024xf32>
    %mul3A_323 = vector.broadcast %slice3A_322 : vector<1x1024xf32> to vector<32x1024xf32>
    %mul3A_324 = arith.mulf %slice3A_321, %mul3A_323 : vector<32x1024xf32>
    %add3A_325 = arith.addf %add3A_320, %mul3A_324 : vector<32x1024xf32>
    %slice3A_326 = vector.extract_strided_slice %dot_general3A_16 {offsets = [1856, 0], sizes = [32, 1024], strides = [1, 1]} : vector<4096x1024xf32> to vector<32x1024xf32>
    %slice3A_327 = vector.extract_strided_slice %slice3A {offsets = [26, 0], sizes = [1, 1024], strides = [1, 1]} : vector<32x1024xf32> to vector<1x1024xf32>
    %mul3A_328 = vector.broadcast %slice3A_327 : vector<1x1024xf32> to vector<32x1024xf32>
    %mul3A_329 = arith.mulf %slice3A_326, %mul3A_328 : vector<32x1024xf32>
    %add3A_330 = arith.addf %add3A_325, %mul3A_329 : vector<32x1024xf32>
    %slice3A_331 = vector.extract_strided_slice %dot_general3A_16 {offsets = [1888, 0], sizes = [32, 1024], strides = [1, 1]} : vector<4096x1024xf32> to vector<32x1024xf32>
    %slice3A_332 = vector.extract_strided_slice %slice3A {offsets = [27, 0], sizes = [1, 1024], strides = [1, 1]} : vector<32x1024xf32> to vector<1x1024xf32>
    %mul3A_333 = vector.broadcast %slice3A_332 : vector<1x1024xf32> to vector<32x1024xf32>
    %mul3A_334 = arith.mulf %slice3A_331, %mul3A_333 : vector<32x1024xf32>
    %add3A_335 = arith.addf %add3A_330, %mul3A_334 : vector<32x1024xf32>
    %slice3A_336 = vector.extract_strided_slice %dot_general3A_16 {offsets = [1920, 0], sizes = [32, 1024], strides = [1, 1]} : vector<4096x1024xf32> to vector<32x1024xf32>
    %slice3A_337 = vector.extract_strided_slice %slice3A {offsets = [28, 0], sizes = [1, 1024], strides = [1, 1]} : vector<32x1024xf32> to vector<1x1024xf32>
    %mul3A_338 = vector.broadcast %slice3A_337 : vector<1x1024xf32> to vector<32x1024xf32>
    %mul3A_339 = arith.mulf %slice3A_336, %mul3A_338 : vector<32x1024xf32>
    %add3A_340 = arith.addf %add3A_335, %mul3A_339 : vector<32x1024xf32>
    %slice3A_341 = vector.extract_strided_slice %dot_general3A_16 {offsets = [1952, 0], sizes = [32, 1024], strides = [1, 1]} : vector<4096x1024xf32> to vector<32x1024xf32>
    %slice3A_342 = vector.extract_strided_slice %slice3A {offsets = [29, 0], sizes = [1, 1024], strides = [1, 1]} : vector<32x1024xf32> to vector<1x1024xf32>
    %mul3A_343 = vector.broadcast %slice3A_342 : vector<1x1024xf32> to vector<32x1024xf32>
    %mul3A_344 = arith.mulf %slice3A_341, %mul3A_343 : vector<32x1024xf32>
    %add3A_345 = arith.addf %add3A_340, %mul3A_344 : vector<32x1024xf32>
    %slice3A_346 = vector.extract_strided_slice %dot_general3A_16 {offsets = [1984, 0], sizes = [32, 1024], strides = [1, 1]} : vector<4096x1024xf32> to vector<32x1024xf32>
    %slice3A_347 = vector.extract_strided_slice %slice3A {offsets = [30, 0], sizes = [1, 1024], strides = [1, 1]} : vector<32x1024xf32> to vector<1x1024xf32>
    %mul3A_348 = vector.broadcast %slice3A_347 : vector<1x1024xf32> to vector<32x1024xf32>
    %mul3A_349 = arith.mulf %slice3A_346, %mul3A_348 : vector<32x1024xf32>
    %add3A_350 = arith.addf %add3A_345, %mul3A_349 : vector<32x1024xf32>
    %slice3A_351 = vector.extract_strided_slice %dot_general3A_16 {offsets = [2016, 0], sizes = [32, 1024], strides = [1, 1]} : vector<4096x1024xf32> to vector<32x1024xf32>
    %slice3A_352 = vector.extract_strided_slice %slice3A {offsets = [31, 0], sizes = [1, 1024], strides = [1, 1]} : vector<32x1024xf32> to vector<1x1024xf32>
    %mul3A_353 = vector.broadcast %slice3A_352 : vector<1x1024xf32> to vector<32x1024xf32>
    %mul3A_354 = arith.mulf %slice3A_351, %mul3A_353 : vector<32x1024xf32>
    %add3A_355 = arith.addf %add3A_350, %mul3A_354 : vector<32x1024xf32>
    %slice3A_356 = vector.extract_strided_slice %dot_general3A_16 {offsets = [2048, 0], sizes = [32, 1024], strides = [1, 1]} : vector<4096x1024xf32> to vector<32x1024xf32>
    %slice3A_357 = vector.extract_strided_slice %slice3A_17 {offsets = [0, 0], sizes = [1, 1024], strides = [1, 1]} : vector<32x1024xf32> to vector<1x1024xf32>
    %mul3A_358 = vector.broadcast %slice3A_357 : vector<1x1024xf32> to vector<32x1024xf32>
    %mul3A_359 = arith.mulf %slice3A_356, %mul3A_358 : vector<32x1024xf32>
    %slice3A_360 = vector.extract_strided_slice %dot_general3A_16 {offsets = [2080, 0], sizes = [32, 1024], strides = [1, 1]} : vector<4096x1024xf32> to vector<32x1024xf32>
    %slice3A_361 = vector.extract_strided_slice %slice3A_17 {offsets = [1, 0], sizes = [1, 1024], strides = [1, 1]} : vector<32x1024xf32> to vector<1x1024xf32>
    %mul3A_362 = vector.broadcast %slice3A_361 : vector<1x1024xf32> to vector<32x1024xf32>
    %mul3A_363 = arith.mulf %slice3A_360, %mul3A_362 : vector<32x1024xf32>
    %add3A_364 = arith.addf %mul3A_359, %mul3A_363 : vector<32x1024xf32>
    %slice3A_365 = vector.extract_strided_slice %dot_general3A_16 {offsets = [2112, 0], sizes = [32, 1024], strides = [1, 1]} : vector<4096x1024xf32> to vector<32x1024xf32>
    %slice3A_366 = vector.extract_strided_slice %slice3A_17 {offsets = [2, 0], sizes = [1, 1024], strides = [1, 1]} : vector<32x1024xf32> to vector<1x1024xf32>
    %mul3A_367 = vector.broadcast %slice3A_366 : vector<1x1024xf32> to vector<32x1024xf32>
    %mul3A_368 = arith.mulf %slice3A_365, %mul3A_367 : vector<32x1024xf32>
    %add3A_369 = arith.addf %add3A_364, %mul3A_368 : vector<32x1024xf32>
    %slice3A_370 = vector.extract_strided_slice %dot_general3A_16 {offsets = [2144, 0], sizes = [32, 1024], strides = [1, 1]} : vector<4096x1024xf32> to vector<32x1024xf32>
    %slice3A_371 = vector.extract_strided_slice %slice3A_17 {offsets = [3, 0], sizes = [1, 1024], strides = [1, 1]} : vector<32x1024xf32> to vector<1x1024xf32>
    %mul3A_372 = vector.broadcast %slice3A_371 : vector<1x1024xf32> to vector<32x1024xf32>
    %mul3A_373 = arith.mulf %slice3A_370, %mul3A_372 : vector<32x1024xf32>
    %add3A_374 = arith.addf %add3A_369, %mul3A_373 : vector<32x1024xf32>
    %slice3A_375 = vector.extract_strided_slice %dot_general3A_16 {offsets = [2176, 0], sizes = [32, 1024], strides = [1, 1]} : vector<4096x1024xf32> to vector<32x1024xf32>
    %slice3A_376 = vector.extract_strided_slice %slice3A_17 {offsets = [4, 0], sizes = [1, 1024], strides = [1, 1]} : vector<32x1024xf32> to vector<1x1024xf32>
    %mul3A_377 = vector.broadcast %slice3A_376 : vector<1x1024xf32> to vector<32x1024xf32>
    %mul3A_378 = arith.mulf %slice3A_375, %mul3A_377 : vector<32x1024xf32>
    %add3A_379 = arith.addf %add3A_374, %mul3A_378 : vector<32x1024xf32>
    %slice3A_380 = vector.extract_strided_slice %dot_general3A_16 {offsets = [2208, 0], sizes = [32, 1024], strides = [1, 1]} : vector<4096x1024xf32> to vector<32x1024xf32>
    %slice3A_381 = vector.extract_strided_slice %slice3A_17 {offsets = [5, 0], sizes = [1, 1024], strides = [1, 1]} : vector<32x1024xf32> to vector<1x1024xf32>
    %mul3A_382 = vector.broadcast %slice3A_381 : vector<1x1024xf32> to vector<32x1024xf32>
    %mul3A_383 = arith.mulf %slice3A_380, %mul3A_382 : vector<32x1024xf32>
    %add3A_384 = arith.addf %add3A_379, %mul3A_383 : vector<32x1024xf32>
    %slice3A_385 = vector.extract_strided_slice %dot_general3A_16 {offsets = [2240, 0], sizes = [32, 1024], strides = [1, 1]} : vector<4096x1024xf32> to vector<32x1024xf32>
    %slice3A_386 = vector.extract_strided_slice %slice3A_17 {offsets = [6, 0], sizes = [1, 1024], strides = [1, 1]} : vector<32x1024xf32> to vector<1x1024xf32>
    %mul3A_387 = vector.broadcast %slice3A_386 : vector<1x1024xf32> to vector<32x1024xf32>
    %mul3A_388 = arith.mulf %slice3A_385, %mul3A_387 : vector<32x1024xf32>
    %add3A_389 = arith.addf %add3A_384, %mul3A_388 : vector<32x1024xf32>
    %slice3A_390 = vector.extract_strided_slice %dot_general3A_16 {offsets = [2272, 0], sizes = [32, 1024], strides = [1, 1]} : vector<4096x1024xf32> to vector<32x1024xf32>
    %slice3A_391 = vector.extract_strided_slice %slice3A_17 {offsets = [7, 0], sizes = [1, 1024], strides = [1, 1]} : vector<32x1024xf32> to vector<1x1024xf32>
    %mul3A_392 = vector.broadcast %slice3A_391 : vector<1x1024xf32> to vector<32x1024xf32>
    %mul3A_393 = arith.mulf %slice3A_390, %mul3A_392 : vector<32x1024xf32>
    %add3A_394 = arith.addf %add3A_389, %mul3A_393 : vector<32x1024xf32>
    %slice3A_395 = vector.extract_strided_slice %dot_general3A_16 {offsets = [2304, 0], sizes = [32, 1024], strides = [1, 1]} : vector<4096x1024xf32> to vector<32x1024xf32>
    %slice3A_396 = vector.extract_strided_slice %slice3A_17 {offsets = [8, 0], sizes = [1, 1024], strides = [1, 1]} : vector<32x1024xf32> to vector<1x1024xf32>
    %mul3A_397 = vector.broadcast %slice3A_396 : vector<1x1024xf32> to vector<32x1024xf32>
    %mul3A_398 = arith.mulf %slice3A_395, %mul3A_397 : vector<32x1024xf32>
    %add3A_399 = arith.addf %add3A_394, %mul3A_398 : vector<32x1024xf32>
    %slice3A_400 = vector.extract_strided_slice %dot_general3A_16 {offsets = [2336, 0], sizes = [32, 1024], strides = [1, 1]} : vector<4096x1024xf32> to vector<32x1024xf32>
    %slice3A_401 = vector.extract_strided_slice %slice3A_17 {offsets = [9, 0], sizes = [1, 1024], strides = [1, 1]} : vector<32x1024xf32> to vector<1x1024xf32>
    %mul3A_402 = vector.broadcast %slice3A_401 : vector<1x1024xf32> to vector<32x1024xf32>
    %mul3A_403 = arith.mulf %slice3A_400, %mul3A_402 : vector<32x1024xf32>
    %add3A_404 = arith.addf %add3A_399, %mul3A_403 : vector<32x1024xf32>
    %slice3A_405 = vector.extract_strided_slice %dot_general3A_16 {offsets = [2368, 0], sizes = [32, 1024], strides = [1, 1]} : vector<4096x1024xf32> to vector<32x1024xf32>
    %slice3A_406 = vector.extract_strided_slice %slice3A_17 {offsets = [10, 0], sizes = [1, 1024], strides = [1, 1]} : vector<32x1024xf32> to vector<1x1024xf32>
    %mul3A_407 = vector.broadcast %slice3A_406 : vector<1x1024xf32> to vector<32x1024xf32>
    %mul3A_408 = arith.mulf %slice3A_405, %mul3A_407 : vector<32x1024xf32>
    %add3A_409 = arith.addf %add3A_404, %mul3A_408 : vector<32x1024xf32>
    %slice3A_410 = vector.extract_strided_slice %dot_general3A_16 {offsets = [2400, 0], sizes = [32, 1024], strides = [1, 1]} : vector<4096x1024xf32> to vector<32x1024xf32>
    %slice3A_411 = vector.extract_strided_slice %slice3A_17 {offsets = [11, 0], sizes = [1, 1024], strides = [1, 1]} : vector<32x1024xf32> to vector<1x1024xf32>
    %mul3A_412 = vector.broadcast %slice3A_411 : vector<1x1024xf32> to vector<32x1024xf32>
    %mul3A_413 = arith.mulf %slice3A_410, %mul3A_412 : vector<32x1024xf32>
    %add3A_414 = arith.addf %add3A_409, %mul3A_413 : vector<32x1024xf32>
    %slice3A_415 = vector.extract_strided_slice %dot_general3A_16 {offsets = [2432, 0], sizes = [32, 1024], strides = [1, 1]} : vector<4096x1024xf32> to vector<32x1024xf32>
    %slice3A_416 = vector.extract_strided_slice %slice3A_17 {offsets = [12, 0], sizes = [1, 1024], strides = [1, 1]} : vector<32x1024xf32> to vector<1x1024xf32>
    %mul3A_417 = vector.broadcast %slice3A_416 : vector<1x1024xf32> to vector<32x1024xf32>
    %mul3A_418 = arith.mulf %slice3A_415, %mul3A_417 : vector<32x1024xf32>
    %add3A_419 = arith.addf %add3A_414, %mul3A_418 : vector<32x1024xf32>
    %slice3A_420 = vector.extract_strided_slice %dot_general3A_16 {offsets = [2464, 0], sizes = [32, 1024], strides = [1, 1]} : vector<4096x1024xf32> to vector<32x1024xf32>
    %slice3A_421 = vector.extract_strided_slice %slice3A_17 {offsets = [13, 0], sizes = [1, 1024], strides = [1, 1]} : vector<32x1024xf32> to vector<1x1024xf32>
    %mul3A_422 = vector.broadcast %slice3A_421 : vector<1x1024xf32> to vector<32x1024xf32>
    %mul3A_423 = arith.mulf %slice3A_420, %mul3A_422 : vector<32x1024xf32>
    %add3A_424 = arith.addf %add3A_419, %mul3A_423 : vector<32x1024xf32>
    %slice3A_425 = vector.extract_strided_slice %dot_general3A_16 {offsets = [2496, 0], sizes = [32, 1024], strides = [1, 1]} : vector<4096x1024xf32> to vector<32x1024xf32>
    %slice3A_426 = vector.extract_strided_slice %slice3A_17 {offsets = [14, 0], sizes = [1, 1024], strides = [1, 1]} : vector<32x1024xf32> to vector<1x1024xf32>
    %mul3A_427 = vector.broadcast %slice3A_426 : vector<1x1024xf32> to vector<32x1024xf32>
    %mul3A_428 = arith.mulf %slice3A_425, %mul3A_427 : vector<32x1024xf32>
    %add3A_429 = arith.addf %add3A_424, %mul3A_428 : vector<32x1024xf32>
    %slice3A_430 = vector.extract_strided_slice %dot_general3A_16 {offsets = [2528, 0], sizes = [32, 1024], strides = [1, 1]} : vector<4096x1024xf32> to vector<32x1024xf32>
    %slice3A_431 = vector.extract_strided_slice %slice3A_17 {offsets = [15, 0], sizes = [1, 1024], strides = [1, 1]} : vector<32x1024xf32> to vector<1x1024xf32>
    %mul3A_432 = vector.broadcast %slice3A_431 : vector<1x1024xf32> to vector<32x1024xf32>
    %mul3A_433 = arith.mulf %slice3A_430, %mul3A_432 : vector<32x1024xf32>
    %add3A_434 = arith.addf %add3A_429, %mul3A_433 : vector<32x1024xf32>
    %slice3A_435 = vector.extract_strided_slice %dot_general3A_16 {offsets = [2560, 0], sizes = [32, 1024], strides = [1, 1]} : vector<4096x1024xf32> to vector<32x1024xf32>
    %slice3A_436 = vector.extract_strided_slice %slice3A_17 {offsets = [16, 0], sizes = [1, 1024], strides = [1, 1]} : vector<32x1024xf32> to vector<1x1024xf32>
    %mul3A_437 = vector.broadcast %slice3A_436 : vector<1x1024xf32> to vector<32x1024xf32>
    %mul3A_438 = arith.mulf %slice3A_435, %mul3A_437 : vector<32x1024xf32>
    %add3A_439 = arith.addf %add3A_434, %mul3A_438 : vector<32x1024xf32>
    %slice3A_440 = vector.extract_strided_slice %dot_general3A_16 {offsets = [2592, 0], sizes = [32, 1024], strides = [1, 1]} : vector<4096x1024xf32> to vector<32x1024xf32>
    %slice3A_441 = vector.extract_strided_slice %slice3A_17 {offsets = [17, 0], sizes = [1, 1024], strides = [1, 1]} : vector<32x1024xf32> to vector<1x1024xf32>
    %mul3A_442 = vector.broadcast %slice3A_441 : vector<1x1024xf32> to vector<32x1024xf32>
    %mul3A_443 = arith.mulf %slice3A_440, %mul3A_442 : vector<32x1024xf32>
    %add3A_444 = arith.addf %add3A_439, %mul3A_443 : vector<32x1024xf32>
    %slice3A_445 = vector.extract_strided_slice %dot_general3A_16 {offsets = [2624, 0], sizes = [32, 1024], strides = [1, 1]} : vector<4096x1024xf32> to vector<32x1024xf32>
    %slice3A_446 = vector.extract_strided_slice %slice3A_17 {offsets = [18, 0], sizes = [1, 1024], strides = [1, 1]} : vector<32x1024xf32> to vector<1x1024xf32>
    %mul3A_447 = vector.broadcast %slice3A_446 : vector<1x1024xf32> to vector<32x1024xf32>
    %mul3A_448 = arith.mulf %slice3A_445, %mul3A_447 : vector<32x1024xf32>
    %add3A_449 = arith.addf %add3A_444, %mul3A_448 : vector<32x1024xf32>
    %slice3A_450 = vector.extract_strided_slice %dot_general3A_16 {offsets = [2656, 0], sizes = [32, 1024], strides = [1, 1]} : vector<4096x1024xf32> to vector<32x1024xf32>
    %slice3A_451 = vector.extract_strided_slice %slice3A_17 {offsets = [19, 0], sizes = [1, 1024], strides = [1, 1]} : vector<32x1024xf32> to vector<1x1024xf32>
    %mul3A_452 = vector.broadcast %slice3A_451 : vector<1x1024xf32> to vector<32x1024xf32>
    %mul3A_453 = arith.mulf %slice3A_450, %mul3A_452 : vector<32x1024xf32>
    %add3A_454 = arith.addf %add3A_449, %mul3A_453 : vector<32x1024xf32>
    %slice3A_455 = vector.extract_strided_slice %dot_general3A_16 {offsets = [2688, 0], sizes = [32, 1024], strides = [1, 1]} : vector<4096x1024xf32> to vector<32x1024xf32>
    %slice3A_456 = vector.extract_strided_slice %slice3A_17 {offsets = [20, 0], sizes = [1, 1024], strides = [1, 1]} : vector<32x1024xf32> to vector<1x1024xf32>
    %mul3A_457 = vector.broadcast %slice3A_456 : vector<1x1024xf32> to vector<32x1024xf32>
    %mul3A_458 = arith.mulf %slice3A_455, %mul3A_457 : vector<32x1024xf32>
    %add3A_459 = arith.addf %add3A_454, %mul3A_458 : vector<32x1024xf32>
    %slice3A_460 = vector.extract_strided_slice %dot_general3A_16 {offsets = [2720, 0], sizes = [32, 1024], strides = [1, 1]} : vector<4096x1024xf32> to vector<32x1024xf32>
    %slice3A_461 = vector.extract_strided_slice %slice3A_17 {offsets = [21, 0], sizes = [1, 1024], strides = [1, 1]} : vector<32x1024xf32> to vector<1x1024xf32>
    %mul3A_462 = vector.broadcast %slice3A_461 : vector<1x1024xf32> to vector<32x1024xf32>
    %mul3A_463 = arith.mulf %slice3A_460, %mul3A_462 : vector<32x1024xf32>
    %add3A_464 = arith.addf %add3A_459, %mul3A_463 : vector<32x1024xf32>
    %slice3A_465 = vector.extract_strided_slice %dot_general3A_16 {offsets = [2752, 0], sizes = [32, 1024], strides = [1, 1]} : vector<4096x1024xf32> to vector<32x1024xf32>
    %slice3A_466 = vector.extract_strided_slice %slice3A_17 {offsets = [22, 0], sizes = [1, 1024], strides = [1, 1]} : vector<32x1024xf32> to vector<1x1024xf32>
    %mul3A_467 = vector.broadcast %slice3A_466 : vector<1x1024xf32> to vector<32x1024xf32>
    %mul3A_468 = arith.mulf %slice3A_465, %mul3A_467 : vector<32x1024xf32>
    %add3A_469 = arith.addf %add3A_464, %mul3A_468 : vector<32x1024xf32>
    %slice3A_470 = vector.extract_strided_slice %dot_general3A_16 {offsets = [2784, 0], sizes = [32, 1024], strides = [1, 1]} : vector<4096x1024xf32> to vector<32x1024xf32>
    %slice3A_471 = vector.extract_strided_slice %slice3A_17 {offsets = [23, 0], sizes = [1, 1024], strides = [1, 1]} : vector<32x1024xf32> to vector<1x1024xf32>
    %mul3A_472 = vector.broadcast %slice3A_471 : vector<1x1024xf32> to vector<32x1024xf32>
    %mul3A_473 = arith.mulf %slice3A_470, %mul3A_472 : vector<32x1024xf32>
    %add3A_474 = arith.addf %add3A_469, %mul3A_473 : vector<32x1024xf32>
    %slice3A_475 = vector.extract_strided_slice %dot_general3A_16 {offsets = [2816, 0], sizes = [32, 1024], strides = [1, 1]} : vector<4096x1024xf32> to vector<32x1024xf32>
    %slice3A_476 = vector.extract_strided_slice %slice3A_17 {offsets = [24, 0], sizes = [1, 1024], strides = [1, 1]} : vector<32x1024xf32> to vector<1x1024xf32>
    %mul3A_477 = vector.broadcast %slice3A_476 : vector<1x1024xf32> to vector<32x1024xf32>
    %mul3A_478 = arith.mulf %slice3A_475, %mul3A_477 : vector<32x1024xf32>
    %add3A_479 = arith.addf %add3A_474, %mul3A_478 : vector<32x1024xf32>
    %slice3A_480 = vector.extract_strided_slice %dot_general3A_16 {offsets = [2848, 0], sizes = [32, 1024], strides = [1, 1]} : vector<4096x1024xf32> to vector<32x1024xf32>
    %slice3A_481 = vector.extract_strided_slice %slice3A_17 {offsets = [25, 0], sizes = [1, 1024], strides = [1, 1]} : vector<32x1024xf32> to vector<1x1024xf32>
    %mul3A_482 = vector.broadcast %slice3A_481 : vector<1x1024xf32> to vector<32x1024xf32>
    %mul3A_483 = arith.mulf %slice3A_480, %mul3A_482 : vector<32x1024xf32>
    %add3A_484 = arith.addf %add3A_479, %mul3A_483 : vector<32x1024xf32>
    %slice3A_485 = vector.extract_strided_slice %dot_general3A_16 {offsets = [2880, 0], sizes = [32, 1024], strides = [1, 1]} : vector<4096x1024xf32> to vector<32x1024xf32>
    %slice3A_486 = vector.extract_strided_slice %slice3A_17 {offsets = [26, 0], sizes = [1, 1024], strides = [1, 1]} : vector<32x1024xf32> to vector<1x1024xf32>
    %mul3A_487 = vector.broadcast %slice3A_486 : vector<1x1024xf32> to vector<32x1024xf32>
    %mul3A_488 = arith.mulf %slice3A_485, %mul3A_487 : vector<32x1024xf32>
    %add3A_489 = arith.addf %add3A_484, %mul3A_488 : vector<32x1024xf32>
    %slice3A_490 = vector.extract_strided_slice %dot_general3A_16 {offsets = [2912, 0], sizes = [32, 1024], strides = [1, 1]} : vector<4096x1024xf32> to vector<32x1024xf32>
    %slice3A_491 = vector.extract_strided_slice %slice3A_17 {offsets = [27, 0], sizes = [1, 1024], strides = [1, 1]} : vector<32x1024xf32> to vector<1x1024xf32>
    %mul3A_492 = vector.broadcast %slice3A_491 : vector<1x1024xf32> to vector<32x1024xf32>
    %mul3A_493 = arith.mulf %slice3A_490, %mul3A_492 : vector<32x1024xf32>
    %add3A_494 = arith.addf %add3A_489, %mul3A_493 : vector<32x1024xf32>
    %slice3A_495 = vector.extract_strided_slice %dot_general3A_16 {offsets = [2944, 0], sizes = [32, 1024], strides = [1, 1]} : vector<4096x1024xf32> to vector<32x1024xf32>
    %slice3A_496 = vector.extract_strided_slice %slice3A_17 {offsets = [28, 0], sizes = [1, 1024], strides = [1, 1]} : vector<32x1024xf32> to vector<1x1024xf32>
    %mul3A_497 = vector.broadcast %slice3A_496 : vector<1x1024xf32> to vector<32x1024xf32>
    %mul3A_498 = arith.mulf %slice3A_495, %mul3A_497 : vector<32x1024xf32>
    %add3A_499 = arith.addf %add3A_494, %mul3A_498 : vector<32x1024xf32>
    %slice3A_500 = vector.extract_strided_slice %dot_general3A_16 {offsets = [2976, 0], sizes = [32, 1024], strides = [1, 1]} : vector<4096x1024xf32> to vector<32x1024xf32>
    %slice3A_501 = vector.extract_strided_slice %slice3A_17 {offsets = [29, 0], sizes = [1, 1024], strides = [1, 1]} : vector<32x1024xf32> to vector<1x1024xf32>
    %mul3A_502 = vector.broadcast %slice3A_501 : vector<1x1024xf32> to vector<32x1024xf32>
    %mul3A_503 = arith.mulf %slice3A_500, %mul3A_502 : vector<32x1024xf32>
    %add3A_504 = arith.addf %add3A_499, %mul3A_503 : vector<32x1024xf32>
    %slice3A_505 = vector.extract_strided_slice %dot_general3A_16 {offsets = [3008, 0], sizes = [32, 1024], strides = [1, 1]} : vector<4096x1024xf32> to vector<32x1024xf32>
    %slice3A_506 = vector.extract_strided_slice %slice3A_17 {offsets = [30, 0], sizes = [1, 1024], strides = [1, 1]} : vector<32x1024xf32> to vector<1x1024xf32>
    %mul3A_507 = vector.broadcast %slice3A_506 : vector<1x1024xf32> to vector<32x1024xf32>
    %mul3A_508 = arith.mulf %slice3A_505, %mul3A_507 : vector<32x1024xf32>
    %add3A_509 = arith.addf %add3A_504, %mul3A_508 : vector<32x1024xf32>
    %slice3A_510 = vector.extract_strided_slice %dot_general3A_16 {offsets = [3040, 0], sizes = [32, 1024], strides = [1, 1]} : vector<4096x1024xf32> to vector<32x1024xf32>
    %slice3A_511 = vector.extract_strided_slice %slice3A_17 {offsets = [31, 0], sizes = [1, 1024], strides = [1, 1]} : vector<32x1024xf32> to vector<1x1024xf32>
    %mul3A_512 = vector.broadcast %slice3A_511 : vector<1x1024xf32> to vector<32x1024xf32>
    %mul3A_513 = arith.mulf %slice3A_510, %mul3A_512 : vector<32x1024xf32>
    %add3A_514 = arith.addf %add3A_509, %mul3A_513 : vector<32x1024xf32>
    %slice3A_515 = vector.extract_strided_slice %dot_general3A_16 {offsets = [2048, 0], sizes = [32, 1024], strides = [1, 1]} : vector<4096x1024xf32> to vector<32x1024xf32>
    %slice3A_516 = vector.extract_strided_slice %slice3A_18 {offsets = [0, 0], sizes = [1, 1024], strides = [1, 1]} : vector<32x1024xf32> to vector<1x1024xf32>
    %mul3A_517 = vector.broadcast %slice3A_516 : vector<1x1024xf32> to vector<32x1024xf32>
    %mul3A_518 = arith.mulf %slice3A_515, %mul3A_517 : vector<32x1024xf32>
    %slice3A_519 = vector.extract_strided_slice %dot_general3A_16 {offsets = [2080, 0], sizes = [32, 1024], strides = [1, 1]} : vector<4096x1024xf32> to vector<32x1024xf32>
    %slice3A_520 = vector.extract_strided_slice %slice3A_18 {offsets = [1, 0], sizes = [1, 1024], strides = [1, 1]} : vector<32x1024xf32> to vector<1x1024xf32>
    %mul3A_521 = vector.broadcast %slice3A_520 : vector<1x1024xf32> to vector<32x1024xf32>
    %mul3A_522 = arith.mulf %slice3A_519, %mul3A_521 : vector<32x1024xf32>
    %add3A_523 = arith.addf %mul3A_518, %mul3A_522 : vector<32x1024xf32>
    %slice3A_524 = vector.extract_strided_slice %dot_general3A_16 {offsets = [2112, 0], sizes = [32, 1024], strides = [1, 1]} : vector<4096x1024xf32> to vector<32x1024xf32>
    %slice3A_525 = vector.extract_strided_slice %slice3A_18 {offsets = [2, 0], sizes = [1, 1024], strides = [1, 1]} : vector<32x1024xf32> to vector<1x1024xf32>
    %mul3A_526 = vector.broadcast %slice3A_525 : vector<1x1024xf32> to vector<32x1024xf32>
    %mul3A_527 = arith.mulf %slice3A_524, %mul3A_526 : vector<32x1024xf32>
    %add3A_528 = arith.addf %add3A_523, %mul3A_527 : vector<32x1024xf32>
    %slice3A_529 = vector.extract_strided_slice %dot_general3A_16 {offsets = [2144, 0], sizes = [32, 1024], strides = [1, 1]} : vector<4096x1024xf32> to vector<32x1024xf32>
    %slice3A_530 = vector.extract_strided_slice %slice3A_18 {offsets = [3, 0], sizes = [1, 1024], strides = [1, 1]} : vector<32x1024xf32> to vector<1x1024xf32>
    %mul3A_531 = vector.broadcast %slice3A_530 : vector<1x1024xf32> to vector<32x1024xf32>
    %mul3A_532 = arith.mulf %slice3A_529, %mul3A_531 : vector<32x1024xf32>
    %add3A_533 = arith.addf %add3A_528, %mul3A_532 : vector<32x1024xf32>
    %slice3A_534 = vector.extract_strided_slice %dot_general3A_16 {offsets = [2176, 0], sizes = [32, 1024], strides = [1, 1]} : vector<4096x1024xf32> to vector<32x1024xf32>
    %slice3A_535 = vector.extract_strided_slice %slice3A_18 {offsets = [4, 0], sizes = [1, 1024], strides = [1, 1]} : vector<32x1024xf32> to vector<1x1024xf32>
    %mul3A_536 = vector.broadcast %slice3A_535 : vector<1x1024xf32> to vector<32x1024xf32>
    %mul3A_537 = arith.mulf %slice3A_534, %mul3A_536 : vector<32x1024xf32>
    %add3A_538 = arith.addf %add3A_533, %mul3A_537 : vector<32x1024xf32>
    %slice3A_539 = vector.extract_strided_slice %dot_general3A_16 {offsets = [2208, 0], sizes = [32, 1024], strides = [1, 1]} : vector<4096x1024xf32> to vector<32x1024xf32>
    %slice3A_540 = vector.extract_strided_slice %slice3A_18 {offsets = [5, 0], sizes = [1, 1024], strides = [1, 1]} : vector<32x1024xf32> to vector<1x1024xf32>
    %mul3A_541 = vector.broadcast %slice3A_540 : vector<1x1024xf32> to vector<32x1024xf32>
    %mul3A_542 = arith.mulf %slice3A_539, %mul3A_541 : vector<32x1024xf32>
    %add3A_543 = arith.addf %add3A_538, %mul3A_542 : vector<32x1024xf32>
    %slice3A_544 = vector.extract_strided_slice %dot_general3A_16 {offsets = [2240, 0], sizes = [32, 1024], strides = [1, 1]} : vector<4096x1024xf32> to vector<32x1024xf32>
    %slice3A_545 = vector.extract_strided_slice %slice3A_18 {offsets = [6, 0], sizes = [1, 1024], strides = [1, 1]} : vector<32x1024xf32> to vector<1x1024xf32>
    %mul3A_546 = vector.broadcast %slice3A_545 : vector<1x1024xf32> to vector<32x1024xf32>
    %mul3A_547 = arith.mulf %slice3A_544, %mul3A_546 : vector<32x1024xf32>
    %add3A_548 = arith.addf %add3A_543, %mul3A_547 : vector<32x1024xf32>
    %slice3A_549 = vector.extract_strided_slice %dot_general3A_16 {offsets = [2272, 0], sizes = [32, 1024], strides = [1, 1]} : vector<4096x1024xf32> to vector<32x1024xf32>
    %slice3A_550 = vector.extract_strided_slice %slice3A_18 {offsets = [7, 0], sizes = [1, 1024], strides = [1, 1]} : vector<32x1024xf32> to vector<1x1024xf32>
    %mul3A_551 = vector.broadcast %slice3A_550 : vector<1x1024xf32> to vector<32x1024xf32>
    %mul3A_552 = arith.mulf %slice3A_549, %mul3A_551 : vector<32x1024xf32>
    %add3A_553 = arith.addf %add3A_548, %mul3A_552 : vector<32x1024xf32>
    %slice3A_554 = vector.extract_strided_slice %dot_general3A_16 {offsets = [2304, 0], sizes = [32, 1024], strides = [1, 1]} : vector<4096x1024xf32> to vector<32x1024xf32>
    %slice3A_555 = vector.extract_strided_slice %slice3A_18 {offsets = [8, 0], sizes = [1, 1024], strides = [1, 1]} : vector<32x1024xf32> to vector<1x1024xf32>
    %mul3A_556 = vector.broadcast %slice3A_555 : vector<1x1024xf32> to vector<32x1024xf32>
    %mul3A_557 = arith.mulf %slice3A_554, %mul3A_556 : vector<32x1024xf32>
    %add3A_558 = arith.addf %add3A_553, %mul3A_557 : vector<32x1024xf32>
    %slice3A_559 = vector.extract_strided_slice %dot_general3A_16 {offsets = [2336, 0], sizes = [32, 1024], strides = [1, 1]} : vector<4096x1024xf32> to vector<32x1024xf32>
    %slice3A_560 = vector.extract_strided_slice %slice3A_18 {offsets = [9, 0], sizes = [1, 1024], strides = [1, 1]} : vector<32x1024xf32> to vector<1x1024xf32>
    %mul3A_561 = vector.broadcast %slice3A_560 : vector<1x1024xf32> to vector<32x1024xf32>
    %mul3A_562 = arith.mulf %slice3A_559, %mul3A_561 : vector<32x1024xf32>
    %add3A_563 = arith.addf %add3A_558, %mul3A_562 : vector<32x1024xf32>
    %slice3A_564 = vector.extract_strided_slice %dot_general3A_16 {offsets = [2368, 0], sizes = [32, 1024], strides = [1, 1]} : vector<4096x1024xf32> to vector<32x1024xf32>
    %slice3A_565 = vector.extract_strided_slice %slice3A_18 {offsets = [10, 0], sizes = [1, 1024], strides = [1, 1]} : vector<32x1024xf32> to vector<1x1024xf32>
    %mul3A_566 = vector.broadcast %slice3A_565 : vector<1x1024xf32> to vector<32x1024xf32>
    %mul3A_567 = arith.mulf %slice3A_564, %mul3A_566 : vector<32x1024xf32>
    %add3A_568 = arith.addf %add3A_563, %mul3A_567 : vector<32x1024xf32>
    %slice3A_569 = vector.extract_strided_slice %dot_general3A_16 {offsets = [2400, 0], sizes = [32, 1024], strides = [1, 1]} : vector<4096x1024xf32> to vector<32x1024xf32>
    %slice3A_570 = vector.extract_strided_slice %slice3A_18 {offsets = [11, 0], sizes = [1, 1024], strides = [1, 1]} : vector<32x1024xf32> to vector<1x1024xf32>
    %mul3A_571 = vector.broadcast %slice3A_570 : vector<1x1024xf32> to vector<32x1024xf32>
    %mul3A_572 = arith.mulf %slice3A_569, %mul3A_571 : vector<32x1024xf32>
    %add3A_573 = arith.addf %add3A_568, %mul3A_572 : vector<32x1024xf32>
    %slice3A_574 = vector.extract_strided_slice %dot_general3A_16 {offsets = [2432, 0], sizes = [32, 1024], strides = [1, 1]} : vector<4096x1024xf32> to vector<32x1024xf32>
    %slice3A_575 = vector.extract_strided_slice %slice3A_18 {offsets = [12, 0], sizes = [1, 1024], strides = [1, 1]} : vector<32x1024xf32> to vector<1x1024xf32>
    %mul3A_576 = vector.broadcast %slice3A_575 : vector<1x1024xf32> to vector<32x1024xf32>
    %mul3A_577 = arith.mulf %slice3A_574, %mul3A_576 : vector<32x1024xf32>
    %add3A_578 = arith.addf %add3A_573, %mul3A_577 : vector<32x1024xf32>
    %slice3A_579 = vector.extract_strided_slice %dot_general3A_16 {offsets = [2464, 0], sizes = [32, 1024], strides = [1, 1]} : vector<4096x1024xf32> to vector<32x1024xf32>
    %slice3A_580 = vector.extract_strided_slice %slice3A_18 {offsets = [13, 0], sizes = [1, 1024], strides = [1, 1]} : vector<32x1024xf32> to vector<1x1024xf32>
    %mul3A_581 = vector.broadcast %slice3A_580 : vector<1x1024xf32> to vector<32x1024xf32>
    %mul3A_582 = arith.mulf %slice3A_579, %mul3A_581 : vector<32x1024xf32>
    %add3A_583 = arith.addf %add3A_578, %mul3A_582 : vector<32x1024xf32>
    %slice3A_584 = vector.extract_strided_slice %dot_general3A_16 {offsets = [2496, 0], sizes = [32, 1024], strides = [1, 1]} : vector<4096x1024xf32> to vector<32x1024xf32>
    %slice3A_585 = vector.extract_strided_slice %slice3A_18 {offsets = [14, 0], sizes = [1, 1024], strides = [1, 1]} : vector<32x1024xf32> to vector<1x1024xf32>
    %mul3A_586 = vector.broadcast %slice3A_585 : vector<1x1024xf32> to vector<32x1024xf32>
    %mul3A_587 = arith.mulf %slice3A_584, %mul3A_586 : vector<32x1024xf32>
    %add3A_588 = arith.addf %add3A_583, %mul3A_587 : vector<32x1024xf32>
    %slice3A_589 = vector.extract_strided_slice %dot_general3A_16 {offsets = [2528, 0], sizes = [32, 1024], strides = [1, 1]} : vector<4096x1024xf32> to vector<32x1024xf32>
    %slice3A_590 = vector.extract_strided_slice %slice3A_18 {offsets = [15, 0], sizes = [1, 1024], strides = [1, 1]} : vector<32x1024xf32> to vector<1x1024xf32>
    %mul3A_591 = vector.broadcast %slice3A_590 : vector<1x1024xf32> to vector<32x1024xf32>
    %mul3A_592 = arith.mulf %slice3A_589, %mul3A_591 : vector<32x1024xf32>
    %add3A_593 = arith.addf %add3A_588, %mul3A_592 : vector<32x1024xf32>
    %slice3A_594 = vector.extract_strided_slice %dot_general3A_16 {offsets = [2560, 0], sizes = [32, 1024], strides = [1, 1]} : vector<4096x1024xf32> to vector<32x1024xf32>
    %slice3A_595 = vector.extract_strided_slice %slice3A_18 {offsets = [16, 0], sizes = [1, 1024], strides = [1, 1]} : vector<32x1024xf32> to vector<1x1024xf32>
    %mul3A_596 = vector.broadcast %slice3A_595 : vector<1x1024xf32> to vector<32x1024xf32>
    %mul3A_597 = arith.mulf %slice3A_594, %mul3A_596 : vector<32x1024xf32>
    %add3A_598 = arith.addf %add3A_593, %mul3A_597 : vector<32x1024xf32>
    %slice3A_599 = vector.extract_strided_slice %dot_general3A_16 {offsets = [2592, 0], sizes = [32, 1024], strides = [1, 1]} : vector<4096x1024xf32> to vector<32x1024xf32>
    %slice3A_600 = vector.extract_strided_slice %slice3A_18 {offsets = [17, 0], sizes = [1, 1024], strides = [1, 1]} : vector<32x1024xf32> to vector<1x1024xf32>
    %mul3A_601 = vector.broadcast %slice3A_600 : vector<1x1024xf32> to vector<32x1024xf32>
    %mul3A_602 = arith.mulf %slice3A_599, %mul3A_601 : vector<32x1024xf32>
    %add3A_603 = arith.addf %add3A_598, %mul3A_602 : vector<32x1024xf32>
    %slice3A_604 = vector.extract_strided_slice %dot_general3A_16 {offsets = [2624, 0], sizes = [32, 1024], strides = [1, 1]} : vector<4096x1024xf32> to vector<32x1024xf32>
    %slice3A_605 = vector.extract_strided_slice %slice3A_18 {offsets = [18, 0], sizes = [1, 1024], strides = [1, 1]} : vector<32x1024xf32> to vector<1x1024xf32>
    %mul3A_606 = vector.broadcast %slice3A_605 : vector<1x1024xf32> to vector<32x1024xf32>
    %mul3A_607 = arith.mulf %slice3A_604, %mul3A_606 : vector<32x1024xf32>
    %add3A_608 = arith.addf %add3A_603, %mul3A_607 : vector<32x1024xf32>
    %slice3A_609 = vector.extract_strided_slice %dot_general3A_16 {offsets = [2656, 0], sizes = [32, 1024], strides = [1, 1]} : vector<4096x1024xf32> to vector<32x1024xf32>
    %slice3A_610 = vector.extract_strided_slice %slice3A_18 {offsets = [19, 0], sizes = [1, 1024], strides = [1, 1]} : vector<32x1024xf32> to vector<1x1024xf32>
    %mul3A_611 = vector.broadcast %slice3A_610 : vector<1x1024xf32> to vector<32x1024xf32>
    %mul3A_612 = arith.mulf %slice3A_609, %mul3A_611 : vector<32x1024xf32>
    %add3A_613 = arith.addf %add3A_608, %mul3A_612 : vector<32x1024xf32>
    %slice3A_614 = vector.extract_strided_slice %dot_general3A_16 {offsets = [2688, 0], sizes = [32, 1024], strides = [1, 1]} : vector<4096x1024xf32> to vector<32x1024xf32>
    %slice3A_615 = vector.extract_strided_slice %slice3A_18 {offsets = [20, 0], sizes = [1, 1024], strides = [1, 1]} : vector<32x1024xf32> to vector<1x1024xf32>
    %mul3A_616 = vector.broadcast %slice3A_615 : vector<1x1024xf32> to vector<32x1024xf32>
    %mul3A_617 = arith.mulf %slice3A_614, %mul3A_616 : vector<32x1024xf32>
    %add3A_618 = arith.addf %add3A_613, %mul3A_617 : vector<32x1024xf32>
    %slice3A_619 = vector.extract_strided_slice %dot_general3A_16 {offsets = [2720, 0], sizes = [32, 1024], strides = [1, 1]} : vector<4096x1024xf32> to vector<32x1024xf32>
    %slice3A_620 = vector.extract_strided_slice %slice3A_18 {offsets = [21, 0], sizes = [1, 1024], strides = [1, 1]} : vector<32x1024xf32> to vector<1x1024xf32>
    %mul3A_621 = vector.broadcast %slice3A_620 : vector<1x1024xf32> to vector<32x1024xf32>
    %mul3A_622 = arith.mulf %slice3A_619, %mul3A_621 : vector<32x1024xf32>
    %add3A_623 = arith.addf %add3A_618, %mul3A_622 : vector<32x1024xf32>
    %slice3A_624 = vector.extract_strided_slice %dot_general3A_16 {offsets = [2752, 0], sizes = [32, 1024], strides = [1, 1]} : vector<4096x1024xf32> to vector<32x1024xf32>
    %slice3A_625 = vector.extract_strided_slice %slice3A_18 {offsets = [22, 0], sizes = [1, 1024], strides = [1, 1]} : vector<32x1024xf32> to vector<1x1024xf32>
    %mul3A_626 = vector.broadcast %slice3A_625 : vector<1x1024xf32> to vector<32x1024xf32>
    %mul3A_627 = arith.mulf %slice3A_624, %mul3A_626 : vector<32x1024xf32>
    %add3A_628 = arith.addf %add3A_623, %mul3A_627 : vector<32x1024xf32>
    %slice3A_629 = vector.extract_strided_slice %dot_general3A_16 {offsets = [2784, 0], sizes = [32, 1024], strides = [1, 1]} : vector<4096x1024xf32> to vector<32x1024xf32>
    %slice3A_630 = vector.extract_strided_slice %slice3A_18 {offsets = [23, 0], sizes = [1, 1024], strides = [1, 1]} : vector<32x1024xf32> to vector<1x1024xf32>
    %mul3A_631 = vector.broadcast %slice3A_630 : vector<1x1024xf32> to vector<32x1024xf32>
    %mul3A_632 = arith.mulf %slice3A_629, %mul3A_631 : vector<32x1024xf32>
    %add3A_633 = arith.addf %add3A_628, %mul3A_632 : vector<32x1024xf32>
    %slice3A_634 = vector.extract_strided_slice %dot_general3A_16 {offsets = [2816, 0], sizes = [32, 1024], strides = [1, 1]} : vector<4096x1024xf32> to vector<32x1024xf32>
    %slice3A_635 = vector.extract_strided_slice %slice3A_18 {offsets = [24, 0], sizes = [1, 1024], strides = [1, 1]} : vector<32x1024xf32> to vector<1x1024xf32>
    %mul3A_636 = vector.broadcast %slice3A_635 : vector<1x1024xf32> to vector<32x1024xf32>
    %mul3A_637 = arith.mulf %slice3A_634, %mul3A_636 : vector<32x1024xf32>
    %add3A_638 = arith.addf %add3A_633, %mul3A_637 : vector<32x1024xf32>
    %slice3A_639 = vector.extract_strided_slice %dot_general3A_16 {offsets = [2848, 0], sizes = [32, 1024], strides = [1, 1]} : vector<4096x1024xf32> to vector<32x1024xf32>
    %slice3A_640 = vector.extract_strided_slice %slice3A_18 {offsets = [25, 0], sizes = [1, 1024], strides = [1, 1]} : vector<32x1024xf32> to vector<1x1024xf32>
    %mul3A_641 = vector.broadcast %slice3A_640 : vector<1x1024xf32> to vector<32x1024xf32>
    %mul3A_642 = arith.mulf %slice3A_639, %mul3A_641 : vector<32x1024xf32>
    %add3A_643 = arith.addf %add3A_638, %mul3A_642 : vector<32x1024xf32>
    %slice3A_644 = vector.extract_strided_slice %dot_general3A_16 {offsets = [2880, 0], sizes = [32, 1024], strides = [1, 1]} : vector<4096x1024xf32> to vector<32x1024xf32>
    %slice3A_645 = vector.extract_strided_slice %slice3A_18 {offsets = [26, 0], sizes = [1, 1024], strides = [1, 1]} : vector<32x1024xf32> to vector<1x1024xf32>
    %mul3A_646 = vector.broadcast %slice3A_645 : vector<1x1024xf32> to vector<32x1024xf32>
    %mul3A_647 = arith.mulf %slice3A_644, %mul3A_646 : vector<32x1024xf32>
    %add3A_648 = arith.addf %add3A_643, %mul3A_647 : vector<32x1024xf32>
    %slice3A_649 = vector.extract_strided_slice %dot_general3A_16 {offsets = [2912, 0], sizes = [32, 1024], strides = [1, 1]} : vector<4096x1024xf32> to vector<32x1024xf32>
    %slice3A_650 = vector.extract_strided_slice %slice3A_18 {offsets = [27, 0], sizes = [1, 1024], strides = [1, 1]} : vector<32x1024xf32> to vector<1x1024xf32>
    %mul3A_651 = vector.broadcast %slice3A_650 : vector<1x1024xf32> to vector<32x1024xf32>
    %mul3A_652 = arith.mulf %slice3A_649, %mul3A_651 : vector<32x1024xf32>
    %add3A_653 = arith.addf %add3A_648, %mul3A_652 : vector<32x1024xf32>
    %slice3A_654 = vector.extract_strided_slice %dot_general3A_16 {offsets = [2944, 0], sizes = [32, 1024], strides = [1, 1]} : vector<4096x1024xf32> to vector<32x1024xf32>
    %slice3A_655 = vector.extract_strided_slice %slice3A_18 {offsets = [28, 0], sizes = [1, 1024], strides = [1, 1]} : vector<32x1024xf32> to vector<1x1024xf32>
    %mul3A_656 = vector.broadcast %slice3A_655 : vector<1x1024xf32> to vector<32x1024xf32>
    %mul3A_657 = arith.mulf %slice3A_654, %mul3A_656 : vector<32x1024xf32>
    %add3A_658 = arith.addf %add3A_653, %mul3A_657 : vector<32x1024xf32>
    %slice3A_659 = vector.extract_strided_slice %dot_general3A_16 {offsets = [2976, 0], sizes = [32, 1024], strides = [1, 1]} : vector<4096x1024xf32> to vector<32x1024xf32>
    %slice3A_660 = vector.extract_strided_slice %slice3A_18 {offsets = [29, 0], sizes = [1, 1024], strides = [1, 1]} : vector<32x1024xf32> to vector<1x1024xf32>
    %mul3A_661 = vector.broadcast %slice3A_660 : vector<1x1024xf32> to vector<32x1024xf32>
    %mul3A_662 = arith.mulf %slice3A_659, %mul3A_661 : vector<32x1024xf32>
    %add3A_663 = arith.addf %add3A_658, %mul3A_662 : vector<32x1024xf32>
    %slice3A_664 = vector.extract_strided_slice %dot_general3A_16 {offsets = [3008, 0], sizes = [32, 1024], strides = [1, 1]} : vector<4096x1024xf32> to vector<32x1024xf32>
    %slice3A_665 = vector.extract_strided_slice %slice3A_18 {offsets = [30, 0], sizes = [1, 1024], strides = [1, 1]} : vector<32x1024xf32> to vector<1x1024xf32>
    %mul3A_666 = vector.broadcast %slice3A_665 : vector<1x1024xf32> to vector<32x1024xf32>
    %mul3A_667 = arith.mulf %slice3A_664, %mul3A_666 : vector<32x1024xf32>
    %add3A_668 = arith.addf %add3A_663, %mul3A_667 : vector<32x1024xf32>
    %slice3A_669 = vector.extract_strided_slice %dot_general3A_16 {offsets = [3040, 0], sizes = [32, 1024], strides = [1, 1]} : vector<4096x1024xf32> to vector<32x1024xf32>
    %slice3A_670 = vector.extract_strided_slice %slice3A_18 {offsets = [31, 0], sizes = [1, 1024], strides = [1, 1]} : vector<32x1024xf32> to vector<1x1024xf32>
    %mul3A_671 = vector.broadcast %slice3A_670 : vector<1x1024xf32> to vector<32x1024xf32>
    %mul3A_672 = arith.mulf %slice3A_669, %mul3A_671 : vector<32x1024xf32>
    %add3A_673 = arith.addf %add3A_668, %mul3A_672 : vector<32x1024xf32>
    %slice3A_674 = vector.extract_strided_slice %dot_general3A_16 {offsets = [2048, 0], sizes = [32, 1024], strides = [1, 1]} : vector<4096x1024xf32> to vector<32x1024xf32>
    %slice3A_675 = vector.extract_strided_slice %slice3A_19 {offsets = [0, 0], sizes = [1, 1024], strides = [1, 1]} : vector<32x1024xf32> to vector<1x1024xf32>
    %mul3A_676 = vector.broadcast %slice3A_675 : vector<1x1024xf32> to vector<32x1024xf32>
    %mul3A_677 = arith.mulf %slice3A_674, %mul3A_676 : vector<32x1024xf32>
    %slice3A_678 = vector.extract_strided_slice %dot_general3A_16 {offsets = [2080, 0], sizes = [32, 1024], strides = [1, 1]} : vector<4096x1024xf32> to vector<32x1024xf32>
    %slice3A_679 = vector.extract_strided_slice %slice3A_19 {offsets = [1, 0], sizes = [1, 1024], strides = [1, 1]} : vector<32x1024xf32> to vector<1x1024xf32>
    %mul3A_680 = vector.broadcast %slice3A_679 : vector<1x1024xf32> to vector<32x1024xf32>
    %mul3A_681 = arith.mulf %slice3A_678, %mul3A_680 : vector<32x1024xf32>
    %add3A_682 = arith.addf %mul3A_677, %mul3A_681 : vector<32x1024xf32>
    %slice3A_683 = vector.extract_strided_slice %dot_general3A_16 {offsets = [2112, 0], sizes = [32, 1024], strides = [1, 1]} : vector<4096x1024xf32> to vector<32x1024xf32>
    %slice3A_684 = vector.extract_strided_slice %slice3A_19 {offsets = [2, 0], sizes = [1, 1024], strides = [1, 1]} : vector<32x1024xf32> to vector<1x1024xf32>
    %mul3A_685 = vector.broadcast %slice3A_684 : vector<1x1024xf32> to vector<32x1024xf32>
    %mul3A_686 = arith.mulf %slice3A_683, %mul3A_685 : vector<32x1024xf32>
    %add3A_687 = arith.addf %add3A_682, %mul3A_686 : vector<32x1024xf32>
    %slice3A_688 = vector.extract_strided_slice %dot_general3A_16 {offsets = [2144, 0], sizes = [32, 1024], strides = [1, 1]} : vector<4096x1024xf32> to vector<32x1024xf32>
    %slice3A_689 = vector.extract_strided_slice %slice3A_19 {offsets = [3, 0], sizes = [1, 1024], strides = [1, 1]} : vector<32x1024xf32> to vector<1x1024xf32>
    %mul3A_690 = vector.broadcast %slice3A_689 : vector<1x1024xf32> to vector<32x1024xf32>
    %mul3A_691 = arith.mulf %slice3A_688, %mul3A_690 : vector<32x1024xf32>
    %add3A_692 = arith.addf %add3A_687, %mul3A_691 : vector<32x1024xf32>
    %slice3A_693 = vector.extract_strided_slice %dot_general3A_16 {offsets = [2176, 0], sizes = [32, 1024], strides = [1, 1]} : vector<4096x1024xf32> to vector<32x1024xf32>
    %slice3A_694 = vector.extract_strided_slice %slice3A_19 {offsets = [4, 0], sizes = [1, 1024], strides = [1, 1]} : vector<32x1024xf32> to vector<1x1024xf32>
    %mul3A_695 = vector.broadcast %slice3A_694 : vector<1x1024xf32> to vector<32x1024xf32>
    %mul3A_696 = arith.mulf %slice3A_693, %mul3A_695 : vector<32x1024xf32>
    %add3A_697 = arith.addf %add3A_692, %mul3A_696 : vector<32x1024xf32>
    %slice3A_698 = vector.extract_strided_slice %dot_general3A_16 {offsets = [2208, 0], sizes = [32, 1024], strides = [1, 1]} : vector<4096x1024xf32> to vector<32x1024xf32>
    %slice3A_699 = vector.extract_strided_slice %slice3A_19 {offsets = [5, 0], sizes = [1, 1024], strides = [1, 1]} : vector<32x1024xf32> to vector<1x1024xf32>
    %mul3A_700 = vector.broadcast %slice3A_699 : vector<1x1024xf32> to vector<32x1024xf32>
    %mul3A_701 = arith.mulf %slice3A_698, %mul3A_700 : vector<32x1024xf32>
    %add3A_702 = arith.addf %add3A_697, %mul3A_701 : vector<32x1024xf32>
    %slice3A_703 = vector.extract_strided_slice %dot_general3A_16 {offsets = [2240, 0], sizes = [32, 1024], strides = [1, 1]} : vector<4096x1024xf32> to vector<32x1024xf32>
    %slice3A_704 = vector.extract_strided_slice %slice3A_19 {offsets = [6, 0], sizes = [1, 1024], strides = [1, 1]} : vector<32x1024xf32> to vector<1x1024xf32>
    %mul3A_705 = vector.broadcast %slice3A_704 : vector<1x1024xf32> to vector<32x1024xf32>
    %mul3A_706 = arith.mulf %slice3A_703, %mul3A_705 : vector<32x1024xf32>
    %add3A_707 = arith.addf %add3A_702, %mul3A_706 : vector<32x1024xf32>
    %slice3A_708 = vector.extract_strided_slice %dot_general3A_16 {offsets = [2272, 0], sizes = [32, 1024], strides = [1, 1]} : vector<4096x1024xf32> to vector<32x1024xf32>
    %slice3A_709 = vector.extract_strided_slice %slice3A_19 {offsets = [7, 0], sizes = [1, 1024], strides = [1, 1]} : vector<32x1024xf32> to vector<1x1024xf32>
    %mul3A_710 = vector.broadcast %slice3A_709 : vector<1x1024xf32> to vector<32x1024xf32>
    %mul3A_711 = arith.mulf %slice3A_708, %mul3A_710 : vector<32x1024xf32>
    %add3A_712 = arith.addf %add3A_707, %mul3A_711 : vector<32x1024xf32>
    %slice3A_713 = vector.extract_strided_slice %dot_general3A_16 {offsets = [2304, 0], sizes = [32, 1024], strides = [1, 1]} : vector<4096x1024xf32> to vector<32x1024xf32>
    %slice3A_714 = vector.extract_strided_slice %slice3A_19 {offsets = [8, 0], sizes = [1, 1024], strides = [1, 1]} : vector<32x1024xf32> to vector<1x1024xf32>
    %mul3A_715 = vector.broadcast %slice3A_714 : vector<1x1024xf32> to vector<32x1024xf32>
    %mul3A_716 = arith.mulf %slice3A_713, %mul3A_715 : vector<32x1024xf32>
    %add3A_717 = arith.addf %add3A_712, %mul3A_716 : vector<32x1024xf32>
    %slice3A_718 = vector.extract_strided_slice %dot_general3A_16 {offsets = [2336, 0], sizes = [32, 1024], strides = [1, 1]} : vector<4096x1024xf32> to vector<32x1024xf32>
    %slice3A_719 = vector.extract_strided_slice %slice3A_19 {offsets = [9, 0], sizes = [1, 1024], strides = [1, 1]} : vector<32x1024xf32> to vector<1x1024xf32>
    %mul3A_720 = vector.broadcast %slice3A_719 : vector<1x1024xf32> to vector<32x1024xf32>
    %mul3A_721 = arith.mulf %slice3A_718, %mul3A_720 : vector<32x1024xf32>
    %add3A_722 = arith.addf %add3A_717, %mul3A_721 : vector<32x1024xf32>
    %slice3A_723 = vector.extract_strided_slice %dot_general3A_16 {offsets = [2368, 0], sizes = [32, 1024], strides = [1, 1]} : vector<4096x1024xf32> to vector<32x1024xf32>
    %slice3A_724 = vector.extract_strided_slice %slice3A_19 {offsets = [10, 0], sizes = [1, 1024], strides = [1, 1]} : vector<32x1024xf32> to vector<1x1024xf32>
    %mul3A_725 = vector.broadcast %slice3A_724 : vector<1x1024xf32> to vector<32x1024xf32>
    %mul3A_726 = arith.mulf %slice3A_723, %mul3A_725 : vector<32x1024xf32>
    %add3A_727 = arith.addf %add3A_722, %mul3A_726 : vector<32x1024xf32>
    %slice3A_728 = vector.extract_strided_slice %dot_general3A_16 {offsets = [2400, 0], sizes = [32, 1024], strides = [1, 1]} : vector<4096x1024xf32> to vector<32x1024xf32>
    %slice3A_729 = vector.extract_strided_slice %slice3A_19 {offsets = [11, 0], sizes = [1, 1024], strides = [1, 1]} : vector<32x1024xf32> to vector<1x1024xf32>
    %mul3A_730 = vector.broadcast %slice3A_729 : vector<1x1024xf32> to vector<32x1024xf32>
    %mul3A_731 = arith.mulf %slice3A_728, %mul3A_730 : vector<32x1024xf32>
    %add3A_732 = arith.addf %add3A_727, %mul3A_731 : vector<32x1024xf32>
    %slice3A_733 = vector.extract_strided_slice %dot_general3A_16 {offsets = [2432, 0], sizes = [32, 1024], strides = [1, 1]} : vector<4096x1024xf32> to vector<32x1024xf32>
    %slice3A_734 = vector.extract_strided_slice %slice3A_19 {offsets = [12, 0], sizes = [1, 1024], strides = [1, 1]} : vector<32x1024xf32> to vector<1x1024xf32>
    %mul3A_735 = vector.broadcast %slice3A_734 : vector<1x1024xf32> to vector<32x1024xf32>
    %mul3A_736 = arith.mulf %slice3A_733, %mul3A_735 : vector<32x1024xf32>
    %add3A_737 = arith.addf %add3A_732, %mul3A_736 : vector<32x1024xf32>
    %slice3A_738 = vector.extract_strided_slice %dot_general3A_16 {offsets = [2464, 0], sizes = [32, 1024], strides = [1, 1]} : vector<4096x1024xf32> to vector<32x1024xf32>
    %slice3A_739 = vector.extract_strided_slice %slice3A_19 {offsets = [13, 0], sizes = [1, 1024], strides = [1, 1]} : vector<32x1024xf32> to vector<1x1024xf32>
    %mul3A_740 = vector.broadcast %slice3A_739 : vector<1x1024xf32> to vector<32x1024xf32>
    %mul3A_741 = arith.mulf %slice3A_738, %mul3A_740 : vector<32x1024xf32>
    %add3A_742 = arith.addf %add3A_737, %mul3A_741 : vector<32x1024xf32>
    %slice3A_743 = vector.extract_strided_slice %dot_general3A_16 {offsets = [2496, 0], sizes = [32, 1024], strides = [1, 1]} : vector<4096x1024xf32> to vector<32x1024xf32>
    %slice3A_744 = vector.extract_strided_slice %slice3A_19 {offsets = [14, 0], sizes = [1, 1024], strides = [1, 1]} : vector<32x1024xf32> to vector<1x1024xf32>
    %mul3A_745 = vector.broadcast %slice3A_744 : vector<1x1024xf32> to vector<32x1024xf32>
    %mul3A_746 = arith.mulf %slice3A_743, %mul3A_745 : vector<32x1024xf32>
    %add3A_747 = arith.addf %add3A_742, %mul3A_746 : vector<32x1024xf32>
    %slice3A_748 = vector.extract_strided_slice %dot_general3A_16 {offsets = [2528, 0], sizes = [32, 1024], strides = [1, 1]} : vector<4096x1024xf32> to vector<32x1024xf32>
    %slice3A_749 = vector.extract_strided_slice %slice3A_19 {offsets = [15, 0], sizes = [1, 1024], strides = [1, 1]} : vector<32x1024xf32> to vector<1x1024xf32>
    %mul3A_750 = vector.broadcast %slice3A_749 : vector<1x1024xf32> to vector<32x1024xf32>
    %mul3A_751 = arith.mulf %slice3A_748, %mul3A_750 : vector<32x1024xf32>
    %add3A_752 = arith.addf %add3A_747, %mul3A_751 : vector<32x1024xf32>
    %slice3A_753 = vector.extract_strided_slice %dot_general3A_16 {offsets = [2560, 0], sizes = [32, 1024], strides = [1, 1]} : vector<4096x1024xf32> to vector<32x1024xf32>
    %slice3A_754 = vector.extract_strided_slice %slice3A_19 {offsets = [16, 0], sizes = [1, 1024], strides = [1, 1]} : vector<32x1024xf32> to vector<1x1024xf32>
    %mul3A_755 = vector.broadcast %slice3A_754 : vector<1x1024xf32> to vector<32x1024xf32>
    %mul3A_756 = arith.mulf %slice3A_753, %mul3A_755 : vector<32x1024xf32>
    %add3A_757 = arith.addf %add3A_752, %mul3A_756 : vector<32x1024xf32>
    %slice3A_758 = vector.extract_strided_slice %dot_general3A_16 {offsets = [2592, 0], sizes = [32, 1024], strides = [1, 1]} : vector<4096x1024xf32> to vector<32x1024xf32>
    %slice3A_759 = vector.extract_strided_slice %slice3A_19 {offsets = [17, 0], sizes = [1, 1024], strides = [1, 1]} : vector<32x1024xf32> to vector<1x1024xf32>
    %mul3A_760 = vector.broadcast %slice3A_759 : vector<1x1024xf32> to vector<32x1024xf32>
    %mul3A_761 = arith.mulf %slice3A_758, %mul3A_760 : vector<32x1024xf32>
    %add3A_762 = arith.addf %add3A_757, %mul3A_761 : vector<32x1024xf32>
    %slice3A_763 = vector.extract_strided_slice %dot_general3A_16 {offsets = [2624, 0], sizes = [32, 1024], strides = [1, 1]} : vector<4096x1024xf32> to vector<32x1024xf32>
    %slice3A_764 = vector.extract_strided_slice %slice3A_19 {offsets = [18, 0], sizes = [1, 1024], strides = [1, 1]} : vector<32x1024xf32> to vector<1x1024xf32>
    %mul3A_765 = vector.broadcast %slice3A_764 : vector<1x1024xf32> to vector<32x1024xf32>
    %mul3A_766 = arith.mulf %slice3A_763, %mul3A_765 : vector<32x1024xf32>
    %add3A_767 = arith.addf %add3A_762, %mul3A_766 : vector<32x1024xf32>
    %slice3A_768 = vector.extract_strided_slice %dot_general3A_16 {offsets = [2656, 0], sizes = [32, 1024], strides = [1, 1]} : vector<4096x1024xf32> to vector<32x1024xf32>
    %slice3A_769 = vector.extract_strided_slice %slice3A_19 {offsets = [19, 0], sizes = [1, 1024], strides = [1, 1]} : vector<32x1024xf32> to vector<1x1024xf32>
    %mul3A_770 = vector.broadcast %slice3A_769 : vector<1x1024xf32> to vector<32x1024xf32>
    %mul3A_771 = arith.mulf %slice3A_768, %mul3A_770 : vector<32x1024xf32>
    %add3A_772 = arith.addf %add3A_767, %mul3A_771 : vector<32x1024xf32>
    %slice3A_773 = vector.extract_strided_slice %dot_general3A_16 {offsets = [2688, 0], sizes = [32, 1024], strides = [1, 1]} : vector<4096x1024xf32> to vector<32x1024xf32>
    %slice3A_774 = vector.extract_strided_slice %slice3A_19 {offsets = [20, 0], sizes = [1, 1024], strides = [1, 1]} : vector<32x1024xf32> to vector<1x1024xf32>
    %mul3A_775 = vector.broadcast %slice3A_774 : vector<1x1024xf32> to vector<32x1024xf32>
    %mul3A_776 = arith.mulf %slice3A_773, %mul3A_775 : vector<32x1024xf32>
    %add3A_777 = arith.addf %add3A_772, %mul3A_776 : vector<32x1024xf32>
    %slice3A_778 = vector.extract_strided_slice %dot_general3A_16 {offsets = [2720, 0], sizes = [32, 1024], strides = [1, 1]} : vector<4096x1024xf32> to vector<32x1024xf32>
    %slice3A_779 = vector.extract_strided_slice %slice3A_19 {offsets = [21, 0], sizes = [1, 1024], strides = [1, 1]} : vector<32x1024xf32> to vector<1x1024xf32>
    %mul3A_780 = vector.broadcast %slice3A_779 : vector<1x1024xf32> to vector<32x1024xf32>
    %mul3A_781 = arith.mulf %slice3A_778, %mul3A_780 : vector<32x1024xf32>
    %add3A_782 = arith.addf %add3A_777, %mul3A_781 : vector<32x1024xf32>
    %slice3A_783 = vector.extract_strided_slice %dot_general3A_16 {offsets = [2752, 0], sizes = [32, 1024], strides = [1, 1]} : vector<4096x1024xf32> to vector<32x1024xf32>
    %slice3A_784 = vector.extract_strided_slice %slice3A_19 {offsets = [22, 0], sizes = [1, 1024], strides = [1, 1]} : vector<32x1024xf32> to vector<1x1024xf32>
    %mul3A_785 = vector.broadcast %slice3A_784 : vector<1x1024xf32> to vector<32x1024xf32>
    %mul3A_786 = arith.mulf %slice3A_783, %mul3A_785 : vector<32x1024xf32>
    %add3A_787 = arith.addf %add3A_782, %mul3A_786 : vector<32x1024xf32>
    %slice3A_788 = vector.extract_strided_slice %dot_general3A_16 {offsets = [2784, 0], sizes = [32, 1024], strides = [1, 1]} : vector<4096x1024xf32> to vector<32x1024xf32>
    %slice3A_789 = vector.extract_strided_slice %slice3A_19 {offsets = [23, 0], sizes = [1, 1024], strides = [1, 1]} : vector<32x1024xf32> to vector<1x1024xf32>
    %mul3A_790 = vector.broadcast %slice3A_789 : vector<1x1024xf32> to vector<32x1024xf32>
    %mul3A_791 = arith.mulf %slice3A_788, %mul3A_790 : vector<32x1024xf32>
    %add3A_792 = arith.addf %add3A_787, %mul3A_791 : vector<32x1024xf32>
    %slice3A_793 = vector.extract_strided_slice %dot_general3A_16 {offsets = [2816, 0], sizes = [32, 1024], strides = [1, 1]} : vector<4096x1024xf32> to vector<32x1024xf32>
    %slice3A_794 = vector.extract_strided_slice %slice3A_19 {offsets = [24, 0], sizes = [1, 1024], strides = [1, 1]} : vector<32x1024xf32> to vector<1x1024xf32>
    %mul3A_795 = vector.broadcast %slice3A_794 : vector<1x1024xf32> to vector<32x1024xf32>
    %mul3A_796 = arith.mulf %slice3A_793, %mul3A_795 : vector<32x1024xf32>
    %add3A_797 = arith.addf %add3A_792, %mul3A_796 : vector<32x1024xf32>
    %slice3A_798 = vector.extract_strided_slice %dot_general3A_16 {offsets = [2848, 0], sizes = [32, 1024], strides = [1, 1]} : vector<4096x1024xf32> to vector<32x1024xf32>
    %slice3A_799 = vector.extract_strided_slice %slice3A_19 {offsets = [25, 0], sizes = [1, 1024], strides = [1, 1]} : vector<32x1024xf32> to vector<1x1024xf32>
    %mul3A_800 = vector.broadcast %slice3A_799 : vector<1x1024xf32> to vector<32x1024xf32>
    %mul3A_801 = arith.mulf %slice3A_798, %mul3A_800 : vector<32x1024xf32>
    %add3A_802 = arith.addf %add3A_797, %mul3A_801 : vector<32x1024xf32>
    %slice3A_803 = vector.extract_strided_slice %dot_general3A_16 {offsets = [2880, 0], sizes = [32, 1024], strides = [1, 1]} : vector<4096x1024xf32> to vector<32x1024xf32>
    %slice3A_804 = vector.extract_strided_slice %slice3A_19 {offsets = [26, 0], sizes = [1, 1024], strides = [1, 1]} : vector<32x1024xf32> to vector<1x1024xf32>
    %mul3A_805 = vector.broadcast %slice3A_804 : vector<1x1024xf32> to vector<32x1024xf32>
    %mul3A_806 = arith.mulf %slice3A_803, %mul3A_805 : vector<32x1024xf32>
    %add3A_807 = arith.addf %add3A_802, %mul3A_806 : vector<32x1024xf32>
    %slice3A_808 = vector.extract_strided_slice %dot_general3A_16 {offsets = [2912, 0], sizes = [32, 1024], strides = [1, 1]} : vector<4096x1024xf32> to vector<32x1024xf32>
    %slice3A_809 = vector.extract_strided_slice %slice3A_19 {offsets = [27, 0], sizes = [1, 1024], strides = [1, 1]} : vector<32x1024xf32> to vector<1x1024xf32>
    %mul3A_810 = vector.broadcast %slice3A_809 : vector<1x1024xf32> to vector<32x1024xf32>
    %mul3A_811 = arith.mulf %slice3A_808, %mul3A_810 : vector<32x1024xf32>
    %add3A_812 = arith.addf %add3A_807, %mul3A_811 : vector<32x1024xf32>
    %slice3A_813 = vector.extract_strided_slice %dot_general3A_16 {offsets = [2944, 0], sizes = [32, 1024], strides = [1, 1]} : vector<4096x1024xf32> to vector<32x1024xf32>
    %slice3A_814 = vector.extract_strided_slice %slice3A_19 {offsets = [28, 0], sizes = [1, 1024], strides = [1, 1]} : vector<32x1024xf32> to vector<1x1024xf32>
    %mul3A_815 = vector.broadcast %slice3A_814 : vector<1x1024xf32> to vector<32x1024xf32>
    %mul3A_816 = arith.mulf %slice3A_813, %mul3A_815 : vector<32x1024xf32>
    %add3A_817 = arith.addf %add3A_812, %mul3A_816 : vector<32x1024xf32>
    %slice3A_818 = vector.extract_strided_slice %dot_general3A_16 {offsets = [2976, 0], sizes = [32, 1024], strides = [1, 1]} : vector<4096x1024xf32> to vector<32x1024xf32>
    %slice3A_819 = vector.extract_strided_slice %slice3A_19 {offsets = [29, 0], sizes = [1, 1024], strides = [1, 1]} : vector<32x1024xf32> to vector<1x1024xf32>
    %mul3A_820 = vector.broadcast %slice3A_819 : vector<1x1024xf32> to vector<32x1024xf32>
    %mul3A_821 = arith.mulf %slice3A_818, %mul3A_820 : vector<32x1024xf32>
    %add3A_822 = arith.addf %add3A_817, %mul3A_821 : vector<32x1024xf32>
    %slice3A_823 = vector.extract_strided_slice %dot_general3A_16 {offsets = [3008, 0], sizes = [32, 1024], strides = [1, 1]} : vector<4096x1024xf32> to vector<32x1024xf32>
    %slice3A_824 = vector.extract_strided_slice %slice3A_19 {offsets = [30, 0], sizes = [1, 1024], strides = [1, 1]} : vector<32x1024xf32> to vector<1x1024xf32>
    %mul3A_825 = vector.broadcast %slice3A_824 : vector<1x1024xf32> to vector<32x1024xf32>
    %mul3A_826 = arith.mulf %slice3A_823, %mul3A_825 : vector<32x1024xf32>
    %add3A_827 = arith.addf %add3A_822, %mul3A_826 : vector<32x1024xf32>
    %slice3A_828 = vector.extract_strided_slice %dot_general3A_16 {offsets = [3040, 0], sizes = [32, 1024], strides = [1, 1]} : vector<4096x1024xf32> to vector<32x1024xf32>
    %slice3A_829 = vector.extract_strided_slice %slice3A_19 {offsets = [31, 0], sizes = [1, 1024], strides = [1, 1]} : vector<32x1024xf32> to vector<1x1024xf32>
    %mul3A_830 = vector.broadcast %slice3A_829 : vector<1x1024xf32> to vector<32x1024xf32>
    %mul3A_831 = arith.mulf %slice3A_828, %mul3A_830 : vector<32x1024xf32>
    %add3A_832 = arith.addf %add3A_827, %mul3A_831 : vector<32x1024xf32>
    %slice3A_833 = vector.extract_strided_slice %dot_general3A_16 {offsets = [3072, 0], sizes = [32, 1024], strides = [1, 1]} : vector<4096x1024xf32> to vector<32x1024xf32>
    %slice3A_834 = vector.extract_strided_slice %add3A_37 {offsets = [0, 0], sizes = [1, 1024], strides = [1, 1]} : vector<32x1024xf32> to vector<1x1024xf32>
    %mul3A_835 = vector.broadcast %slice3A_834 : vector<1x1024xf32> to vector<32x1024xf32>
    %mul3A_836 = arith.mulf %slice3A_833, %mul3A_835 : vector<32x1024xf32>
    %slice3A_837 = vector.extract_strided_slice %dot_general3A_16 {offsets = [3104, 0], sizes = [32, 1024], strides = [1, 1]} : vector<4096x1024xf32> to vector<32x1024xf32>
    %slice3A_838 = vector.extract_strided_slice %add3A_37 {offsets = [1, 0], sizes = [1, 1024], strides = [1, 1]} : vector<32x1024xf32> to vector<1x1024xf32>
    %mul3A_839 = vector.broadcast %slice3A_838 : vector<1x1024xf32> to vector<32x1024xf32>
    %mul3A_840 = arith.mulf %slice3A_837, %mul3A_839 : vector<32x1024xf32>
    %add3A_841 = arith.addf %mul3A_836, %mul3A_840 : vector<32x1024xf32>
    %slice3A_842 = vector.extract_strided_slice %dot_general3A_16 {offsets = [3136, 0], sizes = [32, 1024], strides = [1, 1]} : vector<4096x1024xf32> to vector<32x1024xf32>
    %slice3A_843 = vector.extract_strided_slice %add3A_37 {offsets = [2, 0], sizes = [1, 1024], strides = [1, 1]} : vector<32x1024xf32> to vector<1x1024xf32>
    %mul3A_844 = vector.broadcast %slice3A_843 : vector<1x1024xf32> to vector<32x1024xf32>
    %mul3A_845 = arith.mulf %slice3A_842, %mul3A_844 : vector<32x1024xf32>
    %add3A_846 = arith.addf %add3A_841, %mul3A_845 : vector<32x1024xf32>
    %slice3A_847 = vector.extract_strided_slice %dot_general3A_16 {offsets = [3168, 0], sizes = [32, 1024], strides = [1, 1]} : vector<4096x1024xf32> to vector<32x1024xf32>
    %slice3A_848 = vector.extract_strided_slice %add3A_37 {offsets = [3, 0], sizes = [1, 1024], strides = [1, 1]} : vector<32x1024xf32> to vector<1x1024xf32>
    %mul3A_849 = vector.broadcast %slice3A_848 : vector<1x1024xf32> to vector<32x1024xf32>
    %mul3A_850 = arith.mulf %slice3A_847, %mul3A_849 : vector<32x1024xf32>
    %add3A_851 = arith.addf %add3A_846, %mul3A_850 : vector<32x1024xf32>
    %slice3A_852 = vector.extract_strided_slice %dot_general3A_16 {offsets = [3200, 0], sizes = [32, 1024], strides = [1, 1]} : vector<4096x1024xf32> to vector<32x1024xf32>
    %slice3A_853 = vector.extract_strided_slice %add3A_37 {offsets = [4, 0], sizes = [1, 1024], strides = [1, 1]} : vector<32x1024xf32> to vector<1x1024xf32>
    %mul3A_854 = vector.broadcast %slice3A_853 : vector<1x1024xf32> to vector<32x1024xf32>
    %mul3A_855 = arith.mulf %slice3A_852, %mul3A_854 : vector<32x1024xf32>
    %add3A_856 = arith.addf %add3A_851, %mul3A_855 : vector<32x1024xf32>
    %slice3A_857 = vector.extract_strided_slice %dot_general3A_16 {offsets = [3232, 0], sizes = [32, 1024], strides = [1, 1]} : vector<4096x1024xf32> to vector<32x1024xf32>
    %slice3A_858 = vector.extract_strided_slice %add3A_37 {offsets = [5, 0], sizes = [1, 1024], strides = [1, 1]} : vector<32x1024xf32> to vector<1x1024xf32>
    %mul3A_859 = vector.broadcast %slice3A_858 : vector<1x1024xf32> to vector<32x1024xf32>
    %mul3A_860 = arith.mulf %slice3A_857, %mul3A_859 : vector<32x1024xf32>
    %add3A_861 = arith.addf %add3A_856, %mul3A_860 : vector<32x1024xf32>
    %slice3A_862 = vector.extract_strided_slice %dot_general3A_16 {offsets = [3264, 0], sizes = [32, 1024], strides = [1, 1]} : vector<4096x1024xf32> to vector<32x1024xf32>
    %slice3A_863 = vector.extract_strided_slice %add3A_37 {offsets = [6, 0], sizes = [1, 1024], strides = [1, 1]} : vector<32x1024xf32> to vector<1x1024xf32>
    %mul3A_864 = vector.broadcast %slice3A_863 : vector<1x1024xf32> to vector<32x1024xf32>
    %mul3A_865 = arith.mulf %slice3A_862, %mul3A_864 : vector<32x1024xf32>
    %add3A_866 = arith.addf %add3A_861, %mul3A_865 : vector<32x1024xf32>
    %slice3A_867 = vector.extract_strided_slice %dot_general3A_16 {offsets = [3296, 0], sizes = [32, 1024], strides = [1, 1]} : vector<4096x1024xf32> to vector<32x1024xf32>
    %slice3A_868 = vector.extract_strided_slice %add3A_37 {offsets = [7, 0], sizes = [1, 1024], strides = [1, 1]} : vector<32x1024xf32> to vector<1x1024xf32>
    %mul3A_869 = vector.broadcast %slice3A_868 : vector<1x1024xf32> to vector<32x1024xf32>
    %mul3A_870 = arith.mulf %slice3A_867, %mul3A_869 : vector<32x1024xf32>
    %add3A_871 = arith.addf %add3A_866, %mul3A_870 : vector<32x1024xf32>
    %slice3A_872 = vector.extract_strided_slice %dot_general3A_16 {offsets = [3328, 0], sizes = [32, 1024], strides = [1, 1]} : vector<4096x1024xf32> to vector<32x1024xf32>
    %slice3A_873 = vector.extract_strided_slice %add3A_37 {offsets = [8, 0], sizes = [1, 1024], strides = [1, 1]} : vector<32x1024xf32> to vector<1x1024xf32>
    %mul3A_874 = vector.broadcast %slice3A_873 : vector<1x1024xf32> to vector<32x1024xf32>
    %mul3A_875 = arith.mulf %slice3A_872, %mul3A_874 : vector<32x1024xf32>
    %add3A_876 = arith.addf %add3A_871, %mul3A_875 : vector<32x1024xf32>
    %slice3A_877 = vector.extract_strided_slice %dot_general3A_16 {offsets = [3360, 0], sizes = [32, 1024], strides = [1, 1]} : vector<4096x1024xf32> to vector<32x1024xf32>
    %slice3A_878 = vector.extract_strided_slice %add3A_37 {offsets = [9, 0], sizes = [1, 1024], strides = [1, 1]} : vector<32x1024xf32> to vector<1x1024xf32>
    %mul3A_879 = vector.broadcast %slice3A_878 : vector<1x1024xf32> to vector<32x1024xf32>
    %mul3A_880 = arith.mulf %slice3A_877, %mul3A_879 : vector<32x1024xf32>
    %add3A_881 = arith.addf %add3A_876, %mul3A_880 : vector<32x1024xf32>
    %slice3A_882 = vector.extract_strided_slice %dot_general3A_16 {offsets = [3392, 0], sizes = [32, 1024], strides = [1, 1]} : vector<4096x1024xf32> to vector<32x1024xf32>
    %slice3A_883 = vector.extract_strided_slice %add3A_37 {offsets = [10, 0], sizes = [1, 1024], strides = [1, 1]} : vector<32x1024xf32> to vector<1x1024xf32>
    %mul3A_884 = vector.broadcast %slice3A_883 : vector<1x1024xf32> to vector<32x1024xf32>
    %mul3A_885 = arith.mulf %slice3A_882, %mul3A_884 : vector<32x1024xf32>
    %add3A_886 = arith.addf %add3A_881, %mul3A_885 : vector<32x1024xf32>
    %slice3A_887 = vector.extract_strided_slice %dot_general3A_16 {offsets = [3424, 0], sizes = [32, 1024], strides = [1, 1]} : vector<4096x1024xf32> to vector<32x1024xf32>
    %slice3A_888 = vector.extract_strided_slice %add3A_37 {offsets = [11, 0], sizes = [1, 1024], strides = [1, 1]} : vector<32x1024xf32> to vector<1x1024xf32>
    %mul3A_889 = vector.broadcast %slice3A_888 : vector<1x1024xf32> to vector<32x1024xf32>
    %mul3A_890 = arith.mulf %slice3A_887, %mul3A_889 : vector<32x1024xf32>
    %add3A_891 = arith.addf %add3A_886, %mul3A_890 : vector<32x1024xf32>
    %slice3A_892 = vector.extract_strided_slice %dot_general3A_16 {offsets = [3456, 0], sizes = [32, 1024], strides = [1, 1]} : vector<4096x1024xf32> to vector<32x1024xf32>
    %slice3A_893 = vector.extract_strided_slice %add3A_37 {offsets = [12, 0], sizes = [1, 1024], strides = [1, 1]} : vector<32x1024xf32> to vector<1x1024xf32>
    %mul3A_894 = vector.broadcast %slice3A_893 : vector<1x1024xf32> to vector<32x1024xf32>
    %mul3A_895 = arith.mulf %slice3A_892, %mul3A_894 : vector<32x1024xf32>
    %add3A_896 = arith.addf %add3A_891, %mul3A_895 : vector<32x1024xf32>
    %slice3A_897 = vector.extract_strided_slice %dot_general3A_16 {offsets = [3488, 0], sizes = [32, 1024], strides = [1, 1]} : vector<4096x1024xf32> to vector<32x1024xf32>
    %slice3A_898 = vector.extract_strided_slice %add3A_37 {offsets = [13, 0], sizes = [1, 1024], strides = [1, 1]} : vector<32x1024xf32> to vector<1x1024xf32>
    %mul3A_899 = vector.broadcast %slice3A_898 : vector<1x1024xf32> to vector<32x1024xf32>
    %mul3A_900 = arith.mulf %slice3A_897, %mul3A_899 : vector<32x1024xf32>
    %add3A_901 = arith.addf %add3A_896, %mul3A_900 : vector<32x1024xf32>
    %slice3A_902 = vector.extract_strided_slice %dot_general3A_16 {offsets = [3520, 0], sizes = [32, 1024], strides = [1, 1]} : vector<4096x1024xf32> to vector<32x1024xf32>
    %slice3A_903 = vector.extract_strided_slice %add3A_37 {offsets = [14, 0], sizes = [1, 1024], strides = [1, 1]} : vector<32x1024xf32> to vector<1x1024xf32>
    %mul3A_904 = vector.broadcast %slice3A_903 : vector<1x1024xf32> to vector<32x1024xf32>
    %mul3A_905 = arith.mulf %slice3A_902, %mul3A_904 : vector<32x1024xf32>
    %add3A_906 = arith.addf %add3A_901, %mul3A_905 : vector<32x1024xf32>
    %slice3A_907 = vector.extract_strided_slice %dot_general3A_16 {offsets = [3552, 0], sizes = [32, 1024], strides = [1, 1]} : vector<4096x1024xf32> to vector<32x1024xf32>
    %slice3A_908 = vector.extract_strided_slice %add3A_37 {offsets = [15, 0], sizes = [1, 1024], strides = [1, 1]} : vector<32x1024xf32> to vector<1x1024xf32>
    %mul3A_909 = vector.broadcast %slice3A_908 : vector<1x1024xf32> to vector<32x1024xf32>
    %mul3A_910 = arith.mulf %slice3A_907, %mul3A_909 : vector<32x1024xf32>
    %add3A_911 = arith.addf %add3A_906, %mul3A_910 : vector<32x1024xf32>
    %slice3A_912 = vector.extract_strided_slice %dot_general3A_16 {offsets = [3584, 0], sizes = [32, 1024], strides = [1, 1]} : vector<4096x1024xf32> to vector<32x1024xf32>
    %slice3A_913 = vector.extract_strided_slice %add3A_37 {offsets = [16, 0], sizes = [1, 1024], strides = [1, 1]} : vector<32x1024xf32> to vector<1x1024xf32>
    %mul3A_914 = vector.broadcast %slice3A_913 : vector<1x1024xf32> to vector<32x1024xf32>
    %mul3A_915 = arith.mulf %slice3A_912, %mul3A_914 : vector<32x1024xf32>
    %add3A_916 = arith.addf %add3A_911, %mul3A_915 : vector<32x1024xf32>
    %slice3A_917 = vector.extract_strided_slice %dot_general3A_16 {offsets = [3616, 0], sizes = [32, 1024], strides = [1, 1]} : vector<4096x1024xf32> to vector<32x1024xf32>
    %slice3A_918 = vector.extract_strided_slice %add3A_37 {offsets = [17, 0], sizes = [1, 1024], strides = [1, 1]} : vector<32x1024xf32> to vector<1x1024xf32>
    %mul3A_919 = vector.broadcast %slice3A_918 : vector<1x1024xf32> to vector<32x1024xf32>
    %mul3A_920 = arith.mulf %slice3A_917, %mul3A_919 : vector<32x1024xf32>
    %add3A_921 = arith.addf %add3A_916, %mul3A_920 : vector<32x1024xf32>
    %slice3A_922 = vector.extract_strided_slice %dot_general3A_16 {offsets = [3648, 0], sizes = [32, 1024], strides = [1, 1]} : vector<4096x1024xf32> to vector<32x1024xf32>
    %slice3A_923 = vector.extract_strided_slice %add3A_37 {offsets = [18, 0], sizes = [1, 1024], strides = [1, 1]} : vector<32x1024xf32> to vector<1x1024xf32>
    %mul3A_924 = vector.broadcast %slice3A_923 : vector<1x1024xf32> to vector<32x1024xf32>
    %mul3A_925 = arith.mulf %slice3A_922, %mul3A_924 : vector<32x1024xf32>
    %add3A_926 = arith.addf %add3A_921, %mul3A_925 : vector<32x1024xf32>
    %slice3A_927 = vector.extract_strided_slice %dot_general3A_16 {offsets = [3680, 0], sizes = [32, 1024], strides = [1, 1]} : vector<4096x1024xf32> to vector<32x1024xf32>
    %slice3A_928 = vector.extract_strided_slice %add3A_37 {offsets = [19, 0], sizes = [1, 1024], strides = [1, 1]} : vector<32x1024xf32> to vector<1x1024xf32>
    %mul3A_929 = vector.broadcast %slice3A_928 : vector<1x1024xf32> to vector<32x1024xf32>
    %mul3A_930 = arith.mulf %slice3A_927, %mul3A_929 : vector<32x1024xf32>
    %add3A_931 = arith.addf %add3A_926, %mul3A_930 : vector<32x1024xf32>
    %slice3A_932 = vector.extract_strided_slice %dot_general3A_16 {offsets = [3712, 0], sizes = [32, 1024], strides = [1, 1]} : vector<4096x1024xf32> to vector<32x1024xf32>
    %slice3A_933 = vector.extract_strided_slice %add3A_37 {offsets = [20, 0], sizes = [1, 1024], strides = [1, 1]} : vector<32x1024xf32> to vector<1x1024xf32>
    %mul3A_934 = vector.broadcast %slice3A_933 : vector<1x1024xf32> to vector<32x1024xf32>
    %mul3A_935 = arith.mulf %slice3A_932, %mul3A_934 : vector<32x1024xf32>
    %add3A_936 = arith.addf %add3A_931, %mul3A_935 : vector<32x1024xf32>
    %slice3A_937 = vector.extract_strided_slice %dot_general3A_16 {offsets = [3744, 0], sizes = [32, 1024], strides = [1, 1]} : vector<4096x1024xf32> to vector<32x1024xf32>
    %slice3A_938 = vector.extract_strided_slice %add3A_37 {offsets = [21, 0], sizes = [1, 1024], strides = [1, 1]} : vector<32x1024xf32> to vector<1x1024xf32>
    %mul3A_939 = vector.broadcast %slice3A_938 : vector<1x1024xf32> to vector<32x1024xf32>
    %mul3A_940 = arith.mulf %slice3A_937, %mul3A_939 : vector<32x1024xf32>
    %add3A_941 = arith.addf %add3A_936, %mul3A_940 : vector<32x1024xf32>
    %slice3A_942 = vector.extract_strided_slice %dot_general3A_16 {offsets = [3776, 0], sizes = [32, 1024], strides = [1, 1]} : vector<4096x1024xf32> to vector<32x1024xf32>
    %slice3A_943 = vector.extract_strided_slice %add3A_37 {offsets = [22, 0], sizes = [1, 1024], strides = [1, 1]} : vector<32x1024xf32> to vector<1x1024xf32>
    %mul3A_944 = vector.broadcast %slice3A_943 : vector<1x1024xf32> to vector<32x1024xf32>
    %mul3A_945 = arith.mulf %slice3A_942, %mul3A_944 : vector<32x1024xf32>
    %add3A_946 = arith.addf %add3A_941, %mul3A_945 : vector<32x1024xf32>
    %slice3A_947 = vector.extract_strided_slice %dot_general3A_16 {offsets = [3808, 0], sizes = [32, 1024], strides = [1, 1]} : vector<4096x1024xf32> to vector<32x1024xf32>
    %slice3A_948 = vector.extract_strided_slice %add3A_37 {offsets = [23, 0], sizes = [1, 1024], strides = [1, 1]} : vector<32x1024xf32> to vector<1x1024xf32>
    %mul3A_949 = vector.broadcast %slice3A_948 : vector<1x1024xf32> to vector<32x1024xf32>
    %mul3A_950 = arith.mulf %slice3A_947, %mul3A_949 : vector<32x1024xf32>
    %add3A_951 = arith.addf %add3A_946, %mul3A_950 : vector<32x1024xf32>
    %slice3A_952 = vector.extract_strided_slice %dot_general3A_16 {offsets = [3840, 0], sizes = [32, 1024], strides = [1, 1]} : vector<4096x1024xf32> to vector<32x1024xf32>
    %slice3A_953 = vector.extract_strided_slice %add3A_37 {offsets = [24, 0], sizes = [1, 1024], strides = [1, 1]} : vector<32x1024xf32> to vector<1x1024xf32>
    %mul3A_954 = vector.broadcast %slice3A_953 : vector<1x1024xf32> to vector<32x1024xf32>
    %mul3A_955 = arith.mulf %slice3A_952, %mul3A_954 : vector<32x1024xf32>
    %add3A_956 = arith.addf %add3A_951, %mul3A_955 : vector<32x1024xf32>
    %slice3A_957 = vector.extract_strided_slice %dot_general3A_16 {offsets = [3872, 0], sizes = [32, 1024], strides = [1, 1]} : vector<4096x1024xf32> to vector<32x1024xf32>
    %slice3A_958 = vector.extract_strided_slice %add3A_37 {offsets = [25, 0], sizes = [1, 1024], strides = [1, 1]} : vector<32x1024xf32> to vector<1x1024xf32>
    %mul3A_959 = vector.broadcast %slice3A_958 : vector<1x1024xf32> to vector<32x1024xf32>
    %mul3A_960 = arith.mulf %slice3A_957, %mul3A_959 : vector<32x1024xf32>
    %add3A_961 = arith.addf %add3A_956, %mul3A_960 : vector<32x1024xf32>
    %slice3A_962 = vector.extract_strided_slice %dot_general3A_16 {offsets = [3904, 0], sizes = [32, 1024], strides = [1, 1]} : vector<4096x1024xf32> to vector<32x1024xf32>
    %slice3A_963 = vector.extract_strided_slice %add3A_37 {offsets = [26, 0], sizes = [1, 1024], strides = [1, 1]} : vector<32x1024xf32> to vector<1x1024xf32>
    %mul3A_964 = vector.broadcast %slice3A_963 : vector<1x1024xf32> to vector<32x1024xf32>
    %mul3A_965 = arith.mulf %slice3A_962, %mul3A_964 : vector<32x1024xf32>
    %add3A_966 = arith.addf %add3A_961, %mul3A_965 : vector<32x1024xf32>
    %slice3A_967 = vector.extract_strided_slice %dot_general3A_16 {offsets = [3936, 0], sizes = [32, 1024], strides = [1, 1]} : vector<4096x1024xf32> to vector<32x1024xf32>
    %slice3A_968 = vector.extract_strided_slice %add3A_37 {offsets = [27, 0], sizes = [1, 1024], strides = [1, 1]} : vector<32x1024xf32> to vector<1x1024xf32>
    %mul3A_969 = vector.broadcast %slice3A_968 : vector<1x1024xf32> to vector<32x1024xf32>
    %mul3A_970 = arith.mulf %slice3A_967, %mul3A_969 : vector<32x1024xf32>
    %add3A_971 = arith.addf %add3A_966, %mul3A_970 : vector<32x1024xf32>
    %slice3A_972 = vector.extract_strided_slice %dot_general3A_16 {offsets = [3968, 0], sizes = [32, 1024], strides = [1, 1]} : vector<4096x1024xf32> to vector<32x1024xf32>
    %slice3A_973 = vector.extract_strided_slice %add3A_37 {offsets = [28, 0], sizes = [1, 1024], strides = [1, 1]} : vector<32x1024xf32> to vector<1x1024xf32>
    %mul3A_974 = vector.broadcast %slice3A_973 : vector<1x1024xf32> to vector<32x1024xf32>
    %mul3A_975 = arith.mulf %slice3A_972, %mul3A_974 : vector<32x1024xf32>
    %add3A_976 = arith.addf %add3A_971, %mul3A_975 : vector<32x1024xf32>
    %slice3A_977 = vector.extract_strided_slice %dot_general3A_16 {offsets = [4000, 0], sizes = [32, 1024], strides = [1, 1]} : vector<4096x1024xf32> to vector<32x1024xf32>
    %slice3A_978 = vector.extract_strided_slice %add3A_37 {offsets = [29, 0], sizes = [1, 1024], strides = [1, 1]} : vector<32x1024xf32> to vector<1x1024xf32>
    %mul3A_979 = vector.broadcast %slice3A_978 : vector<1x1024xf32> to vector<32x1024xf32>
    %mul3A_980 = arith.mulf %slice3A_977, %mul3A_979 : vector<32x1024xf32>
    %add3A_981 = arith.addf %add3A_976, %mul3A_980 : vector<32x1024xf32>
    %slice3A_982 = vector.extract_strided_slice %dot_general3A_16 {offsets = [4032, 0], sizes = [32, 1024], strides = [1, 1]} : vector<4096x1024xf32> to vector<32x1024xf32>
    %slice3A_983 = vector.extract_strided_slice %add3A_37 {offsets = [30, 0], sizes = [1, 1024], strides = [1, 1]} : vector<32x1024xf32> to vector<1x1024xf32>
    %mul3A_984 = vector.broadcast %slice3A_983 : vector<1x1024xf32> to vector<32x1024xf32>
    %mul3A_985 = arith.mulf %slice3A_982, %mul3A_984 : vector<32x1024xf32>
    %add3A_986 = arith.addf %add3A_981, %mul3A_985 : vector<32x1024xf32>
    %slice3A_987 = vector.extract_strided_slice %dot_general3A_16 {offsets = [4064, 0], sizes = [32, 1024], strides = [1, 1]} : vector<4096x1024xf32> to vector<32x1024xf32>
    %slice3A_988 = vector.extract_strided_slice %add3A_37 {offsets = [31, 0], sizes = [1, 1024], strides = [1, 1]} : vector<32x1024xf32> to vector<1x1024xf32>
    %mul3A_989 = vector.broadcast %slice3A_988 : vector<1x1024xf32> to vector<32x1024xf32>
    %mul3A_990 = arith.mulf %slice3A_987, %mul3A_989 : vector<32x1024xf32>
    %add3A_991 = arith.addf %add3A_986, %mul3A_990 : vector<32x1024xf32>
    %mul3A_992 = vector.broadcast %get3A_22 : vector<1x1024xf32> to vector<32x1024xf32>
    %mul3A_993 = arith.mulf %add3A_196, %mul3A_992 : vector<32x1024xf32>
    %mul3A_994 = arith.constant 0.577350259 : f32
    %mul3A_995 = vector.broadcast %mul3A_994 : f32 to vector<32x1024xf32>
    %mul3A_996 = arith.mulf %mul3A_995, %add3A_991 : vector<32x1024xf32>
    %add3A_997 = arith.addf %mul3A_993, %mul3A_996 : vector<32x1024xf32>
    %mul3A_998 = arith.constant 1.250000e-01 : f32
    %mul3A_999 = vector.broadcast %mul3A_998 : f32 to vector<32x1024xf32>
    %mul3A_1000 = arith.mulf %mul3A_999, %add3A_997 : vector<32x1024xf32>
    %mul3A_1001 = vector.broadcast %get3A_25 : vector<1x1024xf32> to vector<32x1024xf32>
    %mul3A_1002 = arith.mulf %add3A_355, %mul3A_1001 : vector<32x1024xf32>
    %mul3A_1003 = vector.broadcast %get3A_22 : vector<1x1024xf32> to vector<32x1024xf32>
    %mul3A_1004 = arith.mulf %add3A_514, %mul3A_1003 : vector<32x1024xf32>
    %add3A_1005 = arith.addf %mul3A_1002, %mul3A_1004 : vector<32x1024xf32>
    %mul3A_1006 = arith.constant 1.250000e-01 : f32
    %mul3A_1007 = vector.broadcast %mul3A_1006 : f32 to vector<32x1024xf32>
    %mul3A_1008 = arith.mulf %mul3A_1007, %add3A_1005 : vector<32x1024xf32>
    %mul3A_1009 = vector.broadcast %get3A_28 : vector<1x1024xf32> to vector<32x1024xf32>
    %mul3A_1010 = arith.mulf %add3A_355, %mul3A_1009 : vector<32x1024xf32>
    %mul3A_1011 = vector.broadcast %get3A_22 : vector<1x1024xf32> to vector<32x1024xf32>
    %mul3A_1012 = arith.mulf %add3A_673, %mul3A_1011 : vector<32x1024xf32>
    %add3A_1013 = arith.addf %mul3A_1010, %mul3A_1012 : vector<32x1024xf32>
    %mul3A_1014 = arith.constant 1.250000e-01 : f32
    %mul3A_1015 = vector.broadcast %mul3A_1014 : f32 to vector<32x1024xf32>
    %mul3A_1016 = arith.mulf %mul3A_1015, %add3A_1013 : vector<32x1024xf32>
    %mul3A_1017 = vector.broadcast %get3A_31 : vector<1x1024xf32> to vector<32x1024xf32>
    %mul3A_1018 = arith.mulf %add3A_355, %mul3A_1017 : vector<32x1024xf32>
    %mul3A_1019 = vector.broadcast %get3A_22 : vector<1x1024xf32> to vector<32x1024xf32>
    %mul3A_1020 = arith.mulf %add3A_832, %mul3A_1019 : vector<32x1024xf32>
    %add3A_1021 = arith.addf %mul3A_1018, %mul3A_1020 : vector<32x1024xf32>
    %mul3A_1022 = arith.constant 1.250000e-01 : f32
    %mul3A_1023 = vector.broadcast %mul3A_1022 : f32 to vector<32x1024xf32>
    %mul3A_1024 = arith.mulf %mul3A_1023, %add3A_1021 : vector<32x1024xf32>
    %concatenate3A_1025 = tpu.concatenate %mul3A_1000, %mul3A_1008, %mul3A_1016, %mul3A_1024 in 0 : vector<32x1024xf32>, vector<32x1024xf32>, vector<32x1024xf32>, vector<32x1024xf32> -> vector<128x1024xf32>
    %transpose3A_1026 = tpu.transpose %concatenate3A_1025, [1, 0] : vector<128x1024xf32> -> vector<1024x128xf32>
    %swap3A = arith.constant 0 : index
    %swap3A_1027 = arith.constant 0 : index
    %swap3A_1028 = vector.load %arg6[%swap3A, %swap3A_1027] : memref<1024x128xf32, #tpu.memory_space<vmem>>, vector<1024x128xf32>
    tpu.vector_store %arg6[%swap3A, %swap3A_1027], %transpose3A_1026 {strides = array<i32>} : memref<1024x128xf32, #tpu.memory_space<vmem>>, vector<1024x128xf32>,
    return
  }
  func.func @transform_0(%arg0: i32) -> (i32, i32) {
    %c0_i32 = arith.constant 0 : i32
    %c0_i32_0 = arith.constant 0 : i32
    return %arg0, %c0_i32 : i32, i32
  }
  func.func @transform_1(%arg0: i32) -> (i32, i32) {
    %c0_i32 = arith.constant 0 : i32
    %c0_i32_0 = arith.constant 0 : i32
    return %c0_i32, %arg0 : i32, i32
  }
  func.func @transform_2(%arg0: i32) -> (i32, i32) {
    %c0_i32 = arith.constant 0 : i32
    %c0_i32_0 = arith.constant 0 : i32
    return %c0_i32, %arg0 : i32, i32
  }
  func.func @transform_3(%arg0: i32) -> (i32, i32) {
    %c0_i32 = arith.constant 0 : i32
    %c0_i32_0 = arith.constant 0 : i32
    %c0_i32_1 = arith.constant 0 : i32
    return %c0_i32, %c0_i32_0 : i32, i32
  }
  func.func @transform_4(%arg0: i32) -> (i32, i32) {
    %c0_i32 = arith.constant 0 : i32
    %c0_i32_0 = arith.constant 0 : i32
    %c0_i32_1 = arith.constant 0 : i32
    return %c0_i32, %c0_i32_0 : i32, i32
  }
  func.func @transform_5(%arg0: i32) -> (i32, i32) {
    %c0_i32 = arith.constant 0 : i32
    %c0_i32_0 = arith.constant 0 : i32
    return %arg0, %c0_i32 : i32, i32
  }
}

module attributes {stable_mosaic.version = 14 : i64} {
  func.func @_tc_final_body(%arg0: i32, %arg1: memref<1000x128xf32, #tpu.memory_space<vmem>>, %arg2: memref<1000x128xf32, #tpu.memory_space<vmem>>, %arg3: memref<1000x128xf32, #tpu.memory_space<vmem>>, %arg4: memref<1000x128xf32, #tpu.memory_space<vmem>>, %arg5: memref<1000x128xf32, #tpu.memory_space<vmem>>, %arg6: memref<128x128xf32, #tpu.memory_space<vmem>>, %arg7: memref<1000x128xf32, #tpu.memory_space<vmem>>) attributes {dimension_semantics = [#tpu.dimension_semantics<arbitrary>], iteration_bounds = array<i64: 10>, scalar_prefetch = 0 : i64, scratch_operands = 0 : i64, tpu.core_type = #tpu.core_type<tc>, window_params = [{transform_indices = @transform_0, window_bounds = array<i64: 1000, 128>}, {transform_indices = @transform_1, window_bounds = array<i64: 1000, 128>}, {transform_indices = @transform_2, window_bounds = array<i64: 1000, 128>}, {transform_indices = @transform_3, window_bounds = array<i64: 1000, 128>}, {transform_indices = @transform_4, window_bounds = array<i64: 1000, 128>}, {pipeline_mode = #tpu.pipeline_mode<synchronous>, transform_indices = @transform_5, window_bounds = array<i64: 128, 128>}, {transform_indices = @transform_6, window_bounds = array<i64: 1000, 128>}]} {
    %get3A = arith.constant 0 : index
    %get3A_0 = arith.constant 0 : index
    %get3A_1 = vector.load %arg3[%get3A, %get3A_0] : memref<1000x128xf32, #tpu.memory_space<vmem>>, vector<1000x1xf32>
    %get3A_2 = arith.constant 0 : index
    %get3A_3 = arith.constant 0 : index
    %get3A_4 = vector.load %arg4[%get3A_2, %get3A_3] : memref<1000x128xf32, #tpu.memory_space<vmem>>, vector<1000x1xf32>
    %add3A = arith.addf %get3A_1, %get3A_4 : vector<1000x1xf32>
    %max3A = arith.constant 1.000000e+00 : f32
    %max3A_5 = vector.broadcast %max3A : f32 to vector<1000x1xf32>
    %max3A_6 = arith.maximumf %add3A, %max3A_5 : vector<1000x1xf32>
    %get3A_7 = arith.constant 0 : index
    %get3A_8 = arith.constant 0 : index
    %get3A_9 = vector.load %arg1[%get3A_7, %get3A_8] : memref<1000x128xf32, #tpu.memory_space<vmem>>, vector<1000x128xf32>
    %get3A_10 = arith.constant 0 : index
    %get3A_11 = arith.constant 0 : index
    %get3A_12 = vector.load %arg2[%get3A_10, %get3A_11] : memref<1000x128xf32, #tpu.memory_space<vmem>>, vector<1000x128xf32>
    %add3A_13 = arith.addf %get3A_9, %get3A_12 : vector<1000x128xf32>
    %div3A = vector.broadcast %max3A_6 : vector<1000x1xf32> to vector<1000x128xf32>
    %div3A_14 = arith.divf %add3A_13, %div3A : vector<1000x128xf32>
    %get3A_15 = arith.constant 0 : index
    %get3A_16 = arith.constant 0 : index
    %get3A_17 = vector.load %arg5[%get3A_15, %get3A_16] : memref<1000x128xf32, #tpu.memory_space<vmem>>, vector<1000x128xf32>
    %add3A_18 = arith.addf %div3A_14, %get3A_17 : vector<1000x128xf32>
    %get3A_19 = arith.constant 0 : index
    %get3A_20 = arith.constant 0 : index
    %get3A_21 = vector.load %arg6[%get3A_19, %get3A_20] : memref<128x128xf32, #tpu.memory_space<vmem>>, vector<128x128xf32>
    %dot_general3A = arith.constant dense<0.000000e+00> : vector<1000x128xf32>
    %dot_general3A_22 = tpu.matmul %add3A_18, %get3A_21, %dot_general3A {dimension_numbers = #tpu.dot_dimension_numbers<[1], [0], [0], [1], [0, 0, 1, 1], [], []>, transpose_lhs_hint = false} : vector<1000x128xf32>, vector<128x128xf32>, vector<1000x128xf32> -> vector<1000x128xf32>
    %swap3A = arith.constant 0 : index
    %swap3A_23 = arith.constant 0 : index
    %swap3A_24 = vector.load %arg7[%swap3A, %swap3A_23] : memref<1000x128xf32, #tpu.memory_space<vmem>>, vector<1000x128xf32>
    tpu.vector_store %arg7[%swap3A, %swap3A_23], %dot_general3A_22 {strides = array<i32>} : memref<1000x128xf32, #tpu.memory_space<vmem>>, vector<1000x128xf32>,
    return
  }
  func.func @transform_0(%arg0: i32) -> (i32, i32) {
    %c0_i32 = arith.constant 0 : i32
    %c0_i32_0 = arith.constant 0 : i32
    return %arg0, %c0_i32 : i32, i32
  }
  func.func @transform_1(%arg0: i32) -> (i32, i32) {
    %c0_i32 = arith.constant 0 : i32
    %c0_i32_0 = arith.constant 0 : i32
    return %arg0, %c0_i32 : i32, i32
  }
  func.func @transform_2(%arg0: i32) -> (i32, i32) {
    %c0_i32 = arith.constant 0 : i32
    %c0_i32_0 = arith.constant 0 : i32
    return %arg0, %c0_i32 : i32, i32
  }
  func.func @transform_3(%arg0: i32) -> (i32, i32) {
    %c0_i32 = arith.constant 0 : i32
    %c0_i32_0 = arith.constant 0 : i32
    return %arg0, %c0_i32 : i32, i32
  }
  func.func @transform_4(%arg0: i32) -> (i32, i32) {
    %c0_i32 = arith.constant 0 : i32
    %c0_i32_0 = arith.constant 0 : i32
    return %arg0, %c0_i32 : i32, i32
  }
  func.func @transform_5(%arg0: i32) -> (i32, i32) {
    %c0_i32 = arith.constant 0 : i32
    %c0_i32_0 = arith.constant 0 : i32
    %c0_i32_1 = arith.constant 0 : i32
    return %c0_i32, %c0_i32_0 : i32, i32
  }
  func.func @transform_6(%arg0: i32) -> (i32, i32) {
    %c0_i32 = arith.constant 0 : i32
    %c0_i32_0 = arith.constant 0 : i32
    return %arg0, %c0_i32 : i32, i32
  }
}

</mosaic_0001>

<sc_bundles>
// kernel: kernel.10.cloned.1.call-start
scs
__scs_entry_jumppad:
0x0: {  	(pc) =	sbr.rel $0x88, $3  }
0x1: {  	(tag) =	ssettag $0x0;
	lr =	simm.s32 $0x1  }
0x2: {  	[smem:$0x3F99] =	sst lr;
	_ =	strace $0xD0000000  }
0x3: {  	_ = 	snop  }
0x4: {  	_ = 	snop  }
0x5: {  	_ = 	snop  }
0x6: {  	_ = 	snop  }
0x7: {  	_ = 	snop  }
__scs_overlays_trampoline_lowered:
0x8: {  	[smem:$0x3FA8] =	sst s0  }
0x9: {  	[smem:$0x3FA9] =	sst s1  }
0xa: {  	[smem:$0x3FAA] =	sst s2  }
0xb: {  	[smem:$0x3FAB] =	sst s3  }
0xc: {  	[smem:$0x3FAC] =	sst s4  }
0xd: {  	[smem:$0x3FAD] =	sst s5  }
0xe: {  	[smem:$0x3FAE] =	sst s6  }
0xf: {  	[smem:$0x3FAF] =	sst s7  }
0x10: {  	[smem:$0x3FB0] =	sst s8  }
0x11: {  	[smem:$0x3FB1] =	sst s9;
	s0 =	simm.s32 @!p0 $0x0  }
0x12: {  	s1 =	sld [smem:$0x3F97];
	s0 =	simm.s32 @p0 $0x1  }
0x13: {  	[smem:$0x3FB2] =	sst s0;
	s0 =	simm.s32 @!p1 $0x0  }
0x14: {  	s2 =	sld [smem:$0x3F96];
	s0 =	simm.s32 @p1 $0x1  }
0x15: {  	[smem:$0x3FB3] =	sst s0;
	s0 =	simm.s32 @!p2 $0x0  }
0x16: {  	s3 =	sld [smem:$0x3FDB];
	s0 =	simm.s32 @p2 $0x1  }
0x17: {  	s4 =	simm.s32 $0x1BF5;
	[smem:$0x3FB5] =	sst s0  }
0x18: {  	s0 =	sld [smem:$0x3F98];
	_ =	swait.ge [sflag:s4], $0x0  }
0x19: {  	s7 =	sld [smem:$0x3F99]  }
0x1a: {  	s8 =	sadd.s32 $0xFFFFE003, lr  }
0x1b: {  	s9 =	sadd.s32 $0xFFFFFEF7, lr;
	s5 =	simm.s32 $0xFFFFFFFF;
	p2 =	slt.u32 s8, $0xFFFFF086  }
0x1c: {  	p1 =	slt.u32 s9, $0xF7A;
	s5 =	simm.s32 @!p2 $0x0  }
0x1d: {  	s5 =	simm.s32 @p1 $0x1;
	p0 =	seq.s32 s7, s2  }
0x1e: {  	s7 =	smul.u32 @!p0 $0xF7A, s2;
	p2 =	seq.s32 @!p0 s5, $0x0  }
0x1f: {  	s9 =	smul.u32 $0xF7A, s1;
	s8 =	simm.s32 @!p0 $0x1BF5;
	p2 =	por !p2, p0  }
0x20: {  	[sflag:s8] =	ssyncset.s32 @!p0 $0xFFFFF086;
	s6 =	sadd.s32 @!p0 s3, s7;
	s7 =	simm.s32 @!p0 $0x108  }
0x21: {  	s3 =	sadd.s32 s3, s9;
	s6 =	sadd.s32 @!p0 $0x88, s6;
	s7 =	simm.s32 @p2 $0x1082  }
0x22: {  	[simem:s7], [sflag:s8] =	dma.local @!p0 [hbm:s6], $0xF7A  }
0x23: {  	s9 =	sor.u32 $0xD0000000, s2;
	s6 =	simm.s32 $0x108;
	_ =	swait.ge @!p0 [sflag:s8], $0x0  }
0x24: {  	s3 =	sadd.s32 $0x88, s3;
	s6 =	simm.s32 @!p1 $0x1082;
	[sflag:s4] =	ssyncset.s32 $0xFFFFF086  }
0x25: {  	[simem:s6], [sflag:s4] =	dma.local [hbm:s3], $0xF7A  }
0x26: {  	[smem:$0x3F99] =	sst s1;
	(tag) =	ssettag s2;
	_ =	strace s9  }
0x27: {  	s1 =	sld [smem:$0x3FA9]  }
0x28: {  	s2 =	sld [smem:$0x3FAA]  }
0x29: {  	s4 =	sld [smem:$0x3FAC]  }
0x2a: {  	p0 =	seq.s32 s5, $0x0;
	s5 =	sld [smem:$0x3FAD]  }
0x2b: {  	s6 =	sld [smem:$0x3FAE]  }
0x2c: {  	s7 =	sld [smem:$0x3FAF]  }
0x2d: {  	s3 =	simm.s32 $0x108;
	s8 =	sld [smem:$0x3FB0]  }
0x2e: {  	s3 =	simm.s32 @!p0 $0x1082;
	s9 =	sld [smem:$0x3FB1]  }
0x2f: {  	lr =	sadd.s32 s0, s3;
	s0 =	sld [smem:$0x3FA8]  }
0x30: {  	s3 =	sld [smem:$0x3FAB]  }
0x31: {  	[smem:$0x3FB4] =	sst s10  }
0x32: {  	s10 =	sld [smem:$0x3FB2];
	_ =	sdelay $0x3  }
0x33: {  	p0 =	seq.s32 s10, $0x1;
	s10 =	sld [smem:$0x3FB4];
	_ =	sdelay $0x3  }
0x34: {  	[smem:$0x3FB4] =	sst s10  }
0x35: {  	s10 =	sld [smem:$0x3FB3];
	_ =	sdelay $0x3  }
0x36: {  	p1 =	seq.s32 s10, $0x1;
	s10 =	sld [smem:$0x3FB4];
	_ =	sdelay $0x3  }
0x37: {  	[smem:$0x3FB4] =	sst s10  }
0x38: {  	s10 =	sld [smem:$0x3FB5]  }
0x39: {  	_ = 	snop;
	(pc) =	sbr.ind lr, $3  }
0x3a: {  	_ = 	snop  }
0x3b: {  	_ = 	snop  }
0x3c: {  	p2 =	seq.s32 s10, $0x1;
	s10 =	sld [smem:$0x3FB4]  }
0x3d: {  	_ =	shalt  }
0x3e: {  	_ =	shalt  }
0x3f: {  	_ =	shalt  }
0x40: {  	_ =	shalt  }
0x41: {  	_ =	shalt  }
0x42: {  	_ =	shalt  }
0x43: {  	_ =	shalt  }
0x44: {  	_ =	shalt  }
0x45: {  	_ =	shalt  }
0x46: {  	_ =	shalt  }
0x47: {  	_ =	shalt  }
0x48: {  	_ =	shalt  }
0x49: {  	_ =	shalt  }
0x4a: {  	_ =	shalt  }
0x4b: {  	_ =	shalt  }
0x4c: {  	_ =	shalt  }
0x4d: {  	_ =	shalt  }
0x4e: {  	_ =	shalt  }
0x4f: {  	_ =	shalt  }
0x50: {  	_ =	shalt  }
0x51: {  	_ =	shalt  }
0x52: {  	_ =	shalt  }
0x53: {  	_ =	shalt  }
0x54: {  	_ =	shalt  }
0x55: {  	_ =	shalt  }
0x56: {  	_ =	shalt  }
0x57: {  	_ =	shalt  }
0x58: {  	_ =	shalt  }
0x59: {  	_ =	shalt  }
0x5a: {  	_ =	shalt  }
0x5b: {  	_ =	shalt  }
0x5c: {  	_ =	shalt  }
0x5d: {  	_ =	shalt  }
0x5e: {  	_ =	shalt  }
0x5f: {  	_ =	shalt  }
0x60: {  	_ =	shalt  }
0x61: {  	_ =	shalt  }
0x62: {  	_ =	shalt  }
0x63: {  	_ =	shalt  }
0x64: {  	_ =	shalt  }
0x65: {  	_ =	shalt  }
0x66: {  	_ =	shalt  }
0x67: {  	_ =	shalt  }
0x68: {  	_ =	shalt  }
0x69: {  	_ =	shalt  }
0x6a: {  	_ =	shalt  }
0x6b: {  	_ =	shalt  }
0x6c: {  	_ =	shalt  }
0x6d: {  	_ =	shalt  }
0x6e: {  	_ =	shalt  }
0x6f: {  	_ =	shalt  }
0x70: {  	_ =	shalt  }
0x71: {  	_ =	shalt  }
0x72: {  	_ =	shalt  }
0x73: {  	_ =	shalt  }
0x74: {  	_ =	shalt  }
0x75: {  	_ =	shalt  }
0x76: {  	_ =	shalt  }
0x77: {  	_ =	shalt  }
0x78: {  	_ =	shalt  }
0x79: {  	_ =	shalt  }
0x7a: {  	_ =	shalt  }
0x7b: {  	_ =	shalt  }
0x7c: {  	_ =	shalt  }
0x7d: {  	_ =	shalt  }
0x7e: {  	_ =	shalt  }
0x7f: {  	_ =	shalt  }
0x80: {  	_ =	shalt  }
0x81: {  	_ =	shalt  }
0x82: {  	_ =	shalt  }
0x83: {  	_ =	shalt  }
0x84: {  	_ =	shalt  }
0x85: {  	_ =	shalt  }
0x86: {  	_ =	shalt  }
0x87: {  	_ =	shalt  }
.Lfunc_end0:
.L_simem_size_0:
called_computation.1_lowered:
.L_overlay_start_0:
0x88: {  	s2 =	sld [smem:$0x3FD9]  }
0x89: {  	s3 =	sld [smem:$0x3FFE];
	_ =	sdelay $0x1  }
0x8a: {  	s1 =	srdreg.scid  }
0x8b: {  	s0 =	sand.u32 $0x1, s1  }
0x8c: {  	s16 =	sshll.u32 s0, $0xA;
	s2 =	sadd.s32 s3, s2  }
0x8d: {  	s2 =	sadd.s32 s2, s16  }
0x8e: {  	[smem:$0x3FC0] =	sst s2  }
0x8f: {  	_ = 	snop  }
0x90: {  	(tm) =	ssettm $0x1  }
0x91: {  	s17 =	sld [smem:$0x3FFB];
	_ =	sdelay $0x3  }
0x92: {  	_ =	strace s17  }
0x93: {  	s2 =	sld [smem:$0x3FFC];
	_ =	sdelay $0x3  }
0x94: {  	_ =	strace s2  }
0x95: {  	s2 =	sld [smem:$0x3FFD];
	_ =	sdelay $0x3  }
0x96: {  	_ =	strace s2  }
0x97: {  	_ =	strace $0x8FFFFFFF  }
0x98: {  	s18 =	sld [smem:$0x3FDB];
	_ =	sdelay $0x1  }
0x99: {  	s19 =	simm.s32 $_scs_section_size  }
0x9a: {  	s4 =	simm.s32 $_size__tile_overlayer_lowered;
	s5 =	simm.s32 $_tile_overlayer_lowered  }
0x9b: {  	s22 =	simm.s32 $0x1BFF;
	s21 =	sshll.u32 s5, $0x1;
	s2 =	sadd.s32 s19, s18  }
0x9c: {  	s6 =	simm.s32 $0x0;
	s20 =	sshll.u32 s4, $0x1;
	s4 =	sadd.s32 s21, s2  }
0x9d: {  	[timem:s6], [sflag:s22] =	dma.local [hbm:s4], s20  }
0x9e: {  	_ =	swait.ge [sflag:s22], s20  }
0x9f: {  	s3 =	ssub.s32 $0x0, s20;
	[sflag:s22] =	ssyncset.done $0x0  }
0xa0: {  	[sflag:s22] =	ssyncadd.s32 s3;
	_ =	sdelay $0x1  }
0xa1: {  	s23 =	simm.s32 $0x1B8B  }
0xa2: {  	_ =	swait.ge [sflag:s23], $0x1  }
0xa3: {  	[sflag:s23] =	ssyncset.done $0x0  }
0xa4: {  	s25 =	simm.s32 $0x1B8E;
	s24 =	sld [smem:$0x3FFE];
	[sflag:s23] =	ssyncadd.s32 $0xFFFFFFFF  }
0xa5: {  	s26 =	simm.s32 $execute0_lowered;
	[smem:$0x3FD2] =	sst s25  }
0xa6: {  	s4 =	sshll.u32 s26, $0x1;
	_ =	strace $0x80000046;
	[dreg:$0x1] =	wrdreg $0xFFFFFFFF  }
0xa7: {  	s28 =	simm.s32 $_size_execute0_lowered;
	s2 =	sadd.s32 s2, s4;
	[dreg:$0x0] =	wrdreg $0x0  }
0xa8: {  	s4 =	sshll.u32 s28, $0x1;
	[dreg:$0x2] =	wrdreg s2  }
0xa9: {  	[dreg:$0x3] =	wrdreg s4  }
0xaa: {  	[dreg:$0x4] =	wrdreg $0xC0  }
0xab: {  	_ =	task [dreg:s6], $0x5FFFF  }
0xac: {  	[dreg:$0x1] =	wrdreg $0xFFFFFFFF  }
0xad: {  	[dreg:$0x0] =	wrdreg $0x60  }
0xae: {  	[dreg:$0x2] =	wrdreg s24  }
0xaf: {  	[dreg:$0x3] =	wrdreg $0xA  }
0xb0: {  	_ =	task.clear_ibuf [dreg:s6], $0x4FFFF;
	_ =	strace $0x90000046  }
0xb1: {  	s29 =	simm.s32 $0xA;
	_ =	strace $0x80000048  }
0xb2: {  	_ =	swait.ge [sflag:s29], $0x1  }
0xb3: {  	[sflag:s29] =	ssyncadd.s32 $0xFFFFFFFF  }
0xb4: {  	_ =	strace $0x90000048  }
0xb5: {  	_ =	sfence  }
0xb6: {  	s30 =	sld [smem:$0x0];
	_ =	sdelay $0x2  }
0xb7: {  	s31 =	sshll.u32 s1, $0xD;
	s1 =	sshrl.u32 s1, $0x2  }
0xb8: {  	s3 =	sand.u32 $0x4000, s31;
	s1 =	sadd.s32 s1, s30  }
0xb9: {  	s0 =	sor.u32 s3, s0;
	s1 =	sshll.u32 s1, $0x11  }
0xba: {  	s0 =	sor.u32 s1, s0  }
0xbb: {  	s0 =	sadd.s32 $0x8F2B, s0  }
0xbc: {  	[sflag:s0] =	ssyncadd.remote.s32 $0x1  }
0xbd: {  	_ =	sfence.sel $0xFFFF  }
0xbe: {  	[dreg:$0x0] =	wrdreg $0xFFFFFFFF;
	(pc) =	sbr.abs _section_cstart, $3  }
0xbf: {  	[dreg:$0x1] =	wrdreg $0xFFFFFFFF  }
0xc0: {  	_ =	task.clear_ibuf [dreg:s6], $0x2FFFF;
	_ =	strace $0x9FFFFFFF  }
0xc1: {  	(tm) =	ssettm $0x7FFFFFFF  }
tec
execute0_lowered:
.L_overlay_start_1:
0x0: {  	(tag) =	ssettag $0x1  }
0x1: {  	s1 =	srdreg.scid;
	s0 =	stileid.u32  }
0x2: {  	s4 =	rddreg [dreg:$0x0];
	s2 =	simm.s32 $0x0;
	s10 =	simm.s32 $0x5400  }
0x3: {  	s11 =	simm.s32 $0x9400;
	s12 =	simm.s32 $0xD400;
	s13 =	simm.s32 $0x1  }
0x4: {  	s14 =	simm.s32 $0x2;
	s3 =	sand.u32 $0x1, s1;
	s1 =	rddreg [dreg:$0x1]  }
0x5: {  	s15 =	simm.s32 $0x0;
	s30 =	sshll.u32 s0, $0x1;
	[smem:$0x7FF] =	sst s2  }
0x6: {  	s6 =	smul.u32 $0x28000, s0;
	s5 =	sor.u32 s3, s30;
	_ =	strace $0x80000047  }
0x7: {  	s7 =	ssub.s32 $0x2, s3;
	s8 =	smul.u32 $0x14000, s3;
	s3 =	sadd.s32 $0x2200, s4  }
0x8: {  	s5 =	smul.u32 $0x280, s5;
	s6 =	sadd.s32 s6, s4;
	s9 =	sshrl.u32 s7, $0x1  }
0x9: {  	s31 =	ssub.s32 s7, s9;
	s6 =	sadd.s32 s8, s6;
	s7 =	simm.s32 $0x3  }
0xa: {  	s8 =	simm.s32 $0x80;
	s9 =	simm.s32 $0x1400;
	s4 =	sadd.s32 s5, s4  }
0xb: {  	s5 =	smax.u32 s31, $0x1;
	s6 =	sadd.s32 $0x2FC00, s6;
	s4 =	sadd.s32 $0x29400, s4  }
.LBB2_1:
0xc: {  	[tilespmem:s2], [sflag:$0x3] =	stream.linear.gather [hbm4b:s4+s2], $0x1400, $0x38;
	[tilespmem:$0x11400] =	vst v63  }
0xd: {  	_ =	swait.ge [sflag:s7], $0x1400  }
0xe: {  	[sflag:s7] =	ssyncset.done $0x0  }
0xf: {  	s16 =	simm.s32 $0x0;
	[sflag:s7] =	ssyncadd.s32 $0xFFFFEC00  }
0x10: {  	[tilespmem:s9], [sflag:$0x1] =	stream.indirect.gather [hbm4b:s3+s8], $0x80, s16, s8, $0xb8;
	[tilespmem:$0x11400] =	vst v63  }
0x11: {  	s25 =	simm.s32 $0x80  }
0x12: {  	[tilespmem:s10], [sflag:$0x1] =	stream.indirect.gather [hbm4b:s3+s8], $0x80, s25, s8, $0xb8;
	[tilespmem:$0x11400] =	vst v63  }
0x13: {  	s26 =	simm.s32 $0x100  }
0x14: {  	[tilespmem:s11], [sflag:$0x1] =	stream.indirect.gather [hbm4b:s3+s8], $0x80, s26, s8, $0xb8;
	[tilespmem:$0x11400] =	vst v63  }
0x15: {  	s28 =	simm.s32 $0x180  }
0x16: {  	[tilespmem:s12], [sflag:$0x1] =	stream.indirect.gather [hbm4b:s3+s8], $0x80, s28, s8, $0xb8;
	[tilespmem:$0x11400] =	vst v63  }
0x17: {  	_ =	swait.ge [sflag:s13], $0x4000  }
0x18: {  	[sflag:s13] =	ssyncset.done $0x0  }
0x19: {  	[sflag:s13] =	ssyncadd.s32 $0xFFFFC000  }
0x1a: {  	_ =	swait.ge [sflag:s13], $0x4000  }
0x1b: {  	[sflag:s13] =	ssyncset.done $0x0  }
0x1c: {  	[sflag:s13] =	ssyncadd.s32 $0xFFFFC000  }
0x1d: {  	_ =	swait.ge [sflag:s13], $0x4000  }
0x1e: {  	[sflag:s13] =	ssyncset.done $0x0  }
0x1f: {  	[sflag:s13] =	ssyncadd.s32 $0xFFFFC000  }
0x20: {  	_ =	swait.ge [sflag:s13], $0x4000  }
0x21: {  	[sflag:s13] =	ssyncset.done $0x0  }
0x22: {  	s29 =	sadd.s32 $0xFFFFE800, s6;
	[sflag:s13] =	ssyncadd.s32 $0xFFFFC000  }
0x23: {  	[hbm4b:s29+s2] =	stream.linear.scatter [tilespmem:s9], [sflag:$0x2], $0x4000, $0x38;
	[tilespmem:$0x11400] =	vst v63  }
0x24: {  	s30 =	sadd.s32 $0xFFFFF000, s6  }
0x25: {  	[hbm4b:s30+s2] =	stream.linear.scatter [tilespmem:s10], [sflag:$0x2], $0x4000, $0x38;
	[tilespmem:$0x11400] =	vst v63  }
0x26: {  	s31 =	sadd.s32 $0xFFFFF800, s6  }
0x27: {  	[hbm4b:s31+s2] =	stream.linear.scatter [tilespmem:s11], [sflag:$0x2], $0x4000, $0x38;
	[tilespmem:$0x11400] =	vst v63  }
0x28: {  	_ = 	snop  }
0x29: {  	[hbm4b:s6+s2] =	stream.linear.scatter [tilespmem:s12], [sflag:$0x2], $0x4000, $0x38;
	[tilespmem:$0x11400] =	vst v63  }
0x2a: {  	_ =	swait.ge [sflag:s14], $0x4000  }
0x2b: {  	[sflag:s14] =	ssyncset.done $0x0  }
0x2c: {  	[sflag:s14] =	ssyncadd.s32 $0xFFFFC000  }
0x2d: {  	_ =	swait.ge [sflag:s14], $0x4000  }
0x2e: {  	[sflag:s14] =	ssyncset.done $0x0  }
0x2f: {  	[sflag:s14] =	ssyncadd.s32 $0xFFFFC000  }
0x30: {  	_ =	swait.ge [sflag:s14], $0x4000  }
0x31: {  	[sflag:s14] =	ssyncset.done $0x0  }
0x32: {  	[sflag:s14] =	ssyncadd.s32 $0xFFFFC000  }
0x33: {  	s17 =	simm.s32 $0x800;
	_ =	swait.ge [sflag:s14], $0x4000  }
0x34: {  	s19 =	simm.s32 $0x1000;
	s16 =	sadd.s32 $0x2000, s6;
	[sflag:s14] =	ssyncset.done $0x0  }
.LBB2_2:
0x35: {  	s20 =	sshra.s32 s17, $0x2  }
0x36: {  	[sflag:s14] =	ssyncadd.s32 $0xFFFFC000;
	s17 =	smov.u32 s19;
	s18 =	sadd.s32 $0x800, s19  }
0x37: {  	[tilespmem:s9], [sflag:$0x1] =	stream.indirect.gather [hbm4b:s3+s8], $0x80, s20, s8, $0xb8;
	[tilespmem:$0x11400] =	vst v63  }
0x38: {  	p0 =	sne.s32 s19, $0x4800;
	s19 =	sadd.s32 $0x80, s20  }
0x39: {  	[tilespmem:s10], [sflag:$0x1] =	stream.indirect.gather [hbm4b:s3+s8], $0x80, s19, s8, $0xb8;
	[tilespmem:$0x11400] =	vst v63  }
0x3a: {  	s19 =	sadd.s32 $0x100, s20  }
0x3b: {  	[tilespmem:s11], [sflag:$0x1] =	stream.indirect.gather [hbm4b:s3+s8], $0x80, s19, s8, $0xb8;
	[tilespmem:$0x11400] =	vst v63  }
0x3c: {  	s19 =	sadd.s32 $0x180, s20  }
0x3d: {  	[tilespmem:s12], [sflag:$0x1] =	stream.indirect.gather [hbm4b:s3+s8], $0x80, s19, s8, $0xb8;
	[tilespmem:$0x11400] =	vst v63  }
0x3e: {  	_ =	swait.ge [sflag:s13], $0x4000  }
0x3f: {  	[sflag:s13] =	ssyncset.done $0x0  }
0x40: {  	[sflag:s13] =	ssyncadd.s32 $0xFFFFC000  }
0x41: {  	_ =	swait.ge [sflag:s13], $0x4000  }
0x42: {  	[sflag:s13] =	ssyncset.done $0x0  }
0x43: {  	[sflag:s13] =	ssyncadd.s32 $0xFFFFC000  }
0x44: {  	_ =	swait.ge [sflag:s13], $0x4000  }
0x45: {  	[sflag:s13] =	ssyncset.done $0x0  }
0x46: {  	[sflag:s13] =	ssyncadd.s32 $0xFFFFC000  }
0x47: {  	_ =	swait.ge [sflag:s13], $0x4000  }
0x48: {  	[sflag:s13] =	ssyncset.done $0x0  }
0x49: {  	s19 =	sadd.s32 $0xFFFFE800, s16;
	[sflag:s13] =	ssyncadd.s32 $0xFFFFC000  }
0x4a: {  	[hbm4b:s19+s2] =	stream.linear.scatter [tilespmem:s9], [sflag:$0x2], $0x4000, $0x38;
	[tilespmem:$0x11400] =	vst v63  }
0x4b: {  	s19 =	sadd.s32 $0xFFFFF000, s16  }
0x4c: {  	[hbm4b:s19+s2] =	stream.linear.scatter [tilespmem:s10], [sflag:$0x2], $0x4000, $0x38;
	[tilespmem:$0x11400] =	vst v63  }
0x4d: {  	s19 =	sadd.s32 $0xFFFFF800, s16  }
0x4e: {  	[hbm4b:s19+s2] =	stream.linear.scatter [tilespmem:s11], [sflag:$0x2], $0x4000, $0x38;
	[tilespmem:$0x11400] =	vst v63  }
0x4f: {  	_ = 	snop  }
0x50: {  	[hbm4b:s16+s2] =	stream.linear.scatter [tilespmem:s12], [sflag:$0x2], $0x4000, $0x38;
	[tilespmem:$0x11400] =	vst v63  }
0x51: {  	_ =	swait.ge [sflag:s14], $0x4000  }
0x52: {  	[sflag:s14] =	ssyncset.done $0x0  }
0x53: {  	[sflag:s14] =	ssyncadd.s32 $0xFFFFC000  }
0x54: {  	_ =	swait.ge [sflag:s14], $0x4000  }
0x55: {  	[sflag:s14] =	ssyncset.done $0x0  }
0x56: {  	[sflag:s14] =	ssyncadd.s32 $0xFFFFC000  }
.Ltmp0:
0x57: {  	_ =	swait.ge [sflag:s14], $0x4000;
	(pc) =	sbr.rel @p0 .LBB2_2-.Ltmp0, $4  }
0x58: {  	[sflag:s14] =	ssyncset.done $0x0  }
0x59: {  	[sflag:s14] =	ssyncadd.s32 $0xFFFFC000  }
0x5a: {  	_ =	swait.ge [sflag:s14], $0x4000  }
0x5b: {  	s19 =	smov.u32 s18;
	s16 =	sadd.s32 $0x2000, s16;
	[sflag:s14] =	ssyncset.done $0x0  }
0x5c: {  	s17 =	sshra.s32 s17, $0x2;
	[sflag:s14] =	ssyncadd.s32 $0xFFFFC000  }
0x5d: {  	[tilespmem:s9], [sflag:$0x1] =	stream.indirect.gather [hbm4b:s3+s8], $0x80, s17, s8, $0xb8;
	[tilespmem:$0x11400] =	vst v63  }
0x5e: {  	s18 =	sadd.s32 $0x80, s17  }
0x5f: {  	[tilespmem:s10], [sflag:$0x1] =	stream.indirect.gather [hbm4b:s3+s8], $0x80, s18, s8, $0xb8;
	[tilespmem:$0x11400] =	vst v63  }
0x60: {  	s28 =	sadd.s32 $0x100, s17  }
0x61: {  	[tilespmem:s11], [sflag:$0x1] =	stream.indirect.gather [hbm4b:s3+s8], $0x80, s28, s8, $0xb8;
	[tilespmem:$0x11400] =	vst v63  }
0x62: {  	s17 =	sadd.s32 $0x180, s17  }
0x63: {  	[tilespmem:s12], [sflag:$0x1] =	stream.indirect.gather [hbm4b:s3+s8], $0x80, s17, s8, $0xb8;
	[tilespmem:$0x11400] =	vst v63  }
0x64: {  	_ =	swait.ge [sflag:s13], $0x4000  }
0x65: {  	[sflag:s13] =	ssyncset.done $0x0  }
0x66: {  	[sflag:s13] =	ssyncadd.s32 $0xFFFFC000  }
0x67: {  	_ =	swait.ge [sflag:s13], $0x4000  }
0x68: {  	[sflag:s13] =	ssyncset.done $0x0  }
0x69: {  	[sflag:s13] =	ssyncadd.s32 $0xFFFFC000  }
0x6a: {  	_ =	swait.ge [sflag:s13], $0x4000  }
0x6b: {  	[sflag:s13] =	ssyncset.done $0x0  }
0x6c: {  	[sflag:s13] =	ssyncadd.s32 $0xFFFFC000  }
0x6d: {  	_ =	swait.ge [sflag:s13], $0x4000  }
0x6e: {  	[sflag:s13] =	ssyncset.done $0x0  }
0x6f: {  	s29 =	sadd.s32 $0xFFFFE800, s16;
	[sflag:s13] =	ssyncadd.s32 $0xFFFFC000  }
0x70: {  	[hbm4b:s29+s2] =	stream.linear.scatter [tilespmem:s9], [sflag:$0x2], $0x4000, $0x38;
	[tilespmem:$0x11400] =	vst v63  }
0x71: {  	s30 =	sadd.s32 $0xFFFFF000, s16  }
0x72: {  	[hbm4b:s30+s2] =	stream.linear.scatter [tilespmem:s10], [sflag:$0x2], $0x4000, $0x38;
	[tilespmem:$0x11400] =	vst v63  }
0x73: {  	s31 =	sadd.s32 $0xFFFFF800, s16  }
0x74: {  	[hbm4b:s31+s2] =	stream.linear.scatter [tilespmem:s11], [sflag:$0x2], $0x4000, $0x38;
	[tilespmem:$0x11400] =	vst v63  }
0x75: {  	_ = 	snop  }
0x76: {  	[hbm4b:s16+s2] =	stream.linear.scatter [tilespmem:s12], [sflag:$0x2], $0x4000, $0x38;
	[tilespmem:$0x11400] =	vst v63  }
0x77: {  	_ =	swait.ge [sflag:s14], $0x4000  }
0x78: {  	[sflag:s14] =	ssyncset.done $0x0  }
0x79: {  	[sflag:s14] =	ssyncadd.s32 $0xFFFFC000  }
0x7a: {  	_ =	swait.ge [sflag:s14], $0x4000  }
0x7b: {  	[sflag:s14] =	ssyncset.done $0x0  }
0x7c: {  	s15 =	sadd.s32 $0x1, s15;
	[sflag:s14] =	ssyncadd.s32 $0xFFFFC000  }
0x7d: {  	p0 =	sne.s32 s15, s5;
	_ =	swait.ge [sflag:s14], $0x4000  }
.Ltmp1:
0x7e: {  	[sflag:s14] =	ssyncset.done $0x0;
	(pc) =	sbr.rel @p0 .LBB2_1-.Ltmp1, $4  }
0x7f: {  	[sflag:s14] =	ssyncadd.s32 $0xFFFFC000  }
0x80: {  	_ =	swait.ge [sflag:s14], $0x4000  }
0x81: {  	[sflag:s14] =	ssyncset.done $0x0  }
0x82: {  	[sflag:s14] =	ssyncadd.s32 $0xFFFFC000  }
0x83: {  	_ =	sfence.sel $0x180000  }
0x84: {  	[bflag:$0x0] =	sbarrier.arrive $0xFFFF  }
0x85: {  	p0 =	sne.s32 s0, $0x0;
	_ =	strace $0x90000047  }
0x86: {  	s0 =	sadd.s32 @!p0 $0x100000, s1;
	[bflag:$0x2] =	sbarrier.arrive $0xFFFF  }
0x87: {  	[sflag:s0] =	ssyncadd.tile.s32 @!p0 $0x1;
	_ =	shalt  }
.Lfunc_end2:
_tile_overlayer_lowered:
.L_overlay_start_2:
0x88: {  	(tag) =	ssettag $0x2  }
0x89: {  	s0 =	rddreg [dreg:$0x0];
	s2 =	stileid.u32  }
0x8a: {  	s1 =	rddreg [dreg:$0x1];
	p0 =	sne.s32 s2, $0x0  }
0x8b: {  	s3 =	rddreg [dreg:$0x2];
	[bflag:$0x3] =	sbarrier.arrive $0xFFFF;
	s2 =	simm.s32 @!p0 $0x1C03  }
0x8c: {  	[timem:s3], [sflag:s2] =	dma.local @!p0 [hbm:s0], s1  }
0x8d: {  	s0 =	simm.s32 @!p0 $0x3  }
0x8e: {  	_ =	swait.ge @!p0 [sflag:s0], s1  }
0x8f: {  	s1 =	ssub.s32 @!p0 $0x0, s1;
	[sflag:s0] =	ssyncset.done @!p0 $0x0  }
0x90: {  	[sflag:s0] =	ssyncadd.s32 @!p0 s1  }
0x91: {  	[bflag:$0x3] =	sbarrier.arrive $0xFFFF  }
0x92: {  	_ =	shalt  }

// kernel: kernel.13.cloned.1.call-start
scs
__scs_entry_jumppad:
0x0: {  	(pc) =	sbr.rel $0x88, $3  }
0x1: {  	(tag) =	ssettag $0x0;
	lr =	simm.s32 $0x1  }
0x2: {  	[smem:$0x3F99] =	sst lr;
	_ =	strace $0xD0000000  }
0x3: {  	_ = 	snop  }
0x4: {  	_ = 	snop  }
0x5: {  	_ = 	snop  }
0x6: {  	_ = 	snop  }
0x7: {  	_ = 	snop  }
__scs_overlays_trampoline_lowered:
0x8: {  	[smem:$0x3FA8] =	sst s0  }
0x9: {  	[smem:$0x3FA9] =	sst s1  }
0xa: {  	[smem:$0x3FAA] =	sst s2  }
0xb: {  	[smem:$0x3FAB] =	sst s3  }
0xc: {  	[smem:$0x3FAC] =	sst s4  }
0xd: {  	[smem:$0x3FAD] =	sst s5  }
0xe: {  	[smem:$0x3FAE] =	sst s6  }
0xf: {  	[smem:$0x3FAF] =	sst s7  }
0x10: {  	[smem:$0x3FB0] =	sst s8  }
0x11: {  	[smem:$0x3FB1] =	sst s9;
	s0 =	simm.s32 @!p0 $0x0  }
0x12: {  	s1 =	sld [smem:$0x3F97];
	s0 =	simm.s32 @p0 $0x1  }
0x13: {  	[smem:$0x3FB2] =	sst s0;
	s0 =	simm.s32 @!p1 $0x0  }
0x14: {  	s2 =	sld [smem:$0x3F96];
	s0 =	simm.s32 @p1 $0x1  }
0x15: {  	[smem:$0x3FB3] =	sst s0;
	s0 =	simm.s32 @!p2 $0x0  }
0x16: {  	s3 =	sld [smem:$0x3FDB];
	s0 =	simm.s32 @p2 $0x1  }
0x17: {  	s4 =	simm.s32 $0x1BF5;
	[smem:$0x3FB5] =	sst s0  }
0x18: {  	s0 =	sld [smem:$0x3F98];
	_ =	swait.ge [sflag:s4], $0x0  }
0x19: {  	s7 =	sld [smem:$0x3F99]  }
0x1a: {  	s8 =	sadd.s32 $0xFFFFE003, lr  }
0x1b: {  	s9 =	sadd.s32 $0xFFFFFEF7, lr;
	s5 =	simm.s32 $0xFFFFFFFF;
	p2 =	slt.u32 s8, $0xFFFFF086  }
0x1c: {  	p1 =	slt.u32 s9, $0xF7A;
	s5 =	simm.s32 @!p2 $0x0  }
0x1d: {  	s5 =	simm.s32 @p1 $0x1;
	p0 =	seq.s32 s7, s2  }
0x1e: {  	s7 =	smul.u32 @!p0 $0xF7A, s2;
	p2 =	seq.s32 @!p0 s5, $0x0  }
0x1f: {  	s9 =	smul.u32 $0xF7A, s1;
	s8 =	simm.s32 @!p0 $0x1BF5;
	p2 =	por !p2, p0  }
0x20: {  	[sflag:s8] =	ssyncset.s32 @!p0 $0xFFFFF086;
	s6 =	sadd.s32 @!p0 s3, s7;
	s7 =	simm.s32 @!p0 $0x108  }
0x21: {  	s3 =	sadd.s32 s3, s9;
	s6 =	sadd.s32 @!p0 $0x88, s6;
	s7 =	simm.s32 @p2 $0x1082  }
0x22: {  	[simem:s7], [sflag:s8] =	dma.local @!p0 [hbm:s6], $0xF7A  }
0x23: {  	s9 =	sor.u32 $0xD0000000, s2;
	s6 =	simm.s32 $0x108;
	_ =	swait.ge @!p0 [sflag:s8], $0x0  }
0x24: {  	s3 =	sadd.s32 $0x88, s3;
	s6 =	simm.s32 @!p1 $0x1082;
	[sflag:s4] =	ssyncset.s32 $0xFFFFF086  }
0x25: {  	[simem:s6], [sflag:s4] =	dma.local [hbm:s3], $0xF7A  }
0x26: {  	[smem:$0x3F99] =	sst s1;
	(tag) =	ssettag s2;
	_ =	strace s9  }
0x27: {  	s1 =	sld [smem:$0x3FA9]  }
0x28: {  	s2 =	sld [smem:$0x3FAA]  }
0x29: {  	s4 =	sld [smem:$0x3FAC]  }
0x2a: {  	p0 =	seq.s32 s5, $0x0;
	s5 =	sld [smem:$0x3FAD]  }
0x2b: {  	s6 =	sld [smem:$0x3FAE]  }
0x2c: {  	s7 =	sld [smem:$0x3FAF]  }
0x2d: {  	s3 =	simm.s32 $0x108;
	s8 =	sld [smem:$0x3FB0]  }
0x2e: {  	s3 =	simm.s32 @!p0 $0x1082;
	s9 =	sld [smem:$0x3FB1]  }
0x2f: {  	lr =	sadd.s32 s0, s3;
	s0 =	sld [smem:$0x3FA8]  }
0x30: {  	s3 =	sld [smem:$0x3FAB]  }
0x31: {  	[smem:$0x3FB4] =	sst s10  }
0x32: {  	s10 =	sld [smem:$0x3FB2];
	_ =	sdelay $0x3  }
0x33: {  	p0 =	seq.s32 s10, $0x1;
	s10 =	sld [smem:$0x3FB4];
	_ =	sdelay $0x3  }
0x34: {  	[smem:$0x3FB4] =	sst s10  }
0x35: {  	s10 =	sld [smem:$0x3FB3];
	_ =	sdelay $0x3  }
0x36: {  	p1 =	seq.s32 s10, $0x1;
	s10 =	sld [smem:$0x3FB4];
	_ =	sdelay $0x3  }
0x37: {  	[smem:$0x3FB4] =	sst s10  }
0x38: {  	s10 =	sld [smem:$0x3FB5]  }
0x39: {  	_ = 	snop;
	(pc) =	sbr.ind lr, $3  }
0x3a: {  	_ = 	snop  }
0x3b: {  	_ = 	snop  }
0x3c: {  	p2 =	seq.s32 s10, $0x1;
	s10 =	sld [smem:$0x3FB4]  }
0x3d: {  	_ =	shalt  }
0x3e: {  	_ =	shalt  }
0x3f: {  	_ =	shalt  }
0x40: {  	_ =	shalt  }
0x41: {  	_ =	shalt  }
0x42: {  	_ =	shalt  }
0x43: {  	_ =	shalt  }
0x44: {  	_ =	shalt  }
0x45: {  	_ =	shalt  }
0x46: {  	_ =	shalt  }
0x47: {  	_ =	shalt  }
0x48: {  	_ =	shalt  }
0x49: {  	_ =	shalt  }
0x4a: {  	_ =	shalt  }
0x4b: {  	_ =	shalt  }
0x4c: {  	_ =	shalt  }
0x4d: {  	_ =	shalt  }
0x4e: {  	_ =	shalt  }
0x4f: {  	_ =	shalt  }
0x50: {  	_ =	shalt  }
0x51: {  	_ =	shalt  }
0x52: {  	_ =	shalt  }
0x53: {  	_ =	shalt  }
0x54: {  	_ =	shalt  }
0x55: {  	_ =	shalt  }
0x56: {  	_ =	shalt  }
0x57: {  	_ =	shalt  }
0x58: {  	_ =	shalt  }
0x59: {  	_ =	shalt  }
0x5a: {  	_ =	shalt  }
0x5b: {  	_ =	shalt  }
0x5c: {  	_ =	shalt  }
0x5d: {  	_ =	shalt  }
0x5e: {  	_ =	shalt  }
0x5f: {  	_ =	shalt  }
0x60: {  	_ =	shalt  }
0x61: {  	_ =	shalt  }
0x62: {  	_ =	shalt  }
0x63: {  	_ =	shalt  }
0x64: {  	_ =	shalt  }
0x65: {  	_ =	shalt  }
0x66: {  	_ =	shalt  }
0x67: {  	_ =	shalt  }
0x68: {  	_ =	shalt  }
0x69: {  	_ =	shalt  }
0x6a: {  	_ =	shalt  }
0x6b: {  	_ =	shalt  }
0x6c: {  	_ =	shalt  }
0x6d: {  	_ =	shalt  }
0x6e: {  	_ =	shalt  }
0x6f: {  	_ =	shalt  }
0x70: {  	_ =	shalt  }
0x71: {  	_ =	shalt  }
0x72: {  	_ =	shalt  }
0x73: {  	_ =	shalt  }
0x74: {  	_ =	shalt  }
0x75: {  	_ =	shalt  }
0x76: {  	_ =	shalt  }
0x77: {  	_ =	shalt  }
0x78: {  	_ =	shalt  }
0x79: {  	_ =	shalt  }
0x7a: {  	_ =	shalt  }
0x7b: {  	_ =	shalt  }
0x7c: {  	_ =	shalt  }
0x7d: {  	_ =	shalt  }
0x7e: {  	_ =	shalt  }
0x7f: {  	_ =	shalt  }
0x80: {  	_ =	shalt  }
0x81: {  	_ =	shalt  }
0x82: {  	_ =	shalt  }
0x83: {  	_ =	shalt  }
0x84: {  	_ =	shalt  }
0x85: {  	_ =	shalt  }
0x86: {  	_ =	shalt  }
0x87: {  	_ =	shalt  }
.Lfunc_end0:
.L_simem_size_0:
called_computation.2_lowered:
.L_overlay_start_0:
0x88: {  	s2 =	sld [smem:$0x3FD9]  }
0x89: {  	s3 =	sld [smem:$0x3FFE];
	_ =	sdelay $0x1  }
0x8a: {  	s1 =	srdreg.scid  }
0x8b: {  	s0 =	sand.u32 $0x1, s1  }
0x8c: {  	s17 =	sshll.u32 s0, $0xA;
	s2 =	sadd.s32 s3, s2  }
0x8d: {  	s2 =	sadd.s32 s2, s17  }
0x8e: {  	[smem:$0x3FC0] =	sst s2  }
0x8f: {  	_ = 	snop  }
0x90: {  	s18 =	sld [smem:$0x3FD0];
	(tm) =	ssettm $0x1  }
0x91: {  	s19 =	sld [smem:$0x3FFB];
	_ =	sdelay $0x3  }
0x92: {  	_ =	strace s19  }
0x93: {  	s2 =	sld [smem:$0x3FFC];
	_ =	sdelay $0x3  }
0x94: {  	_ =	strace s2  }
0x95: {  	s2 =	sld [smem:$0x3FFD];
	_ =	sdelay $0x3  }
0x96: {  	_ =	strace s2  }
0x97: {  	_ =	strace $0x8FFFFFFF  }
0x98: {  	s20 =	sld [smem:$0x3FDB];
	_ =	sdelay $0x1  }
0x99: {  	s4 =	simm.s32 $_scs_section_size  }
0x9a: {  	s5 =	simm.s32 $_size__tile_overlayer_lowered;
	s6 =	simm.s32 $_tile_overlayer_lowered  }
0x9b: {  	s7 =	simm.s32 $0x1BFF;
	s21 =	sshll.u32 s6, $0x1;
	s4 =	sadd.s32 s4, s20  }
0x9c: {  	s22 =	simm.s32 $0x0;
	s5 =	sshll.u32 s5, $0x1;
	s6 =	sadd.s32 s21, s4  }
0x9d: {  	[timem:s22], [sflag:s7] =	dma.local [hbm:s6], s5  }
0x9e: {  	_ =	swait.ge [sflag:s7], s5  }
0x9f: {  	s5 =	ssub.s32 $0x0, s5;
	[sflag:s7] =	ssyncset.done $0x0  }
0xa0: {  	[sflag:s7] =	ssyncadd.s32 s5;
	_ =	sdelay $0x1  }
0xa1: {  	s23 =	simm.s32 $0x1B8B  }
0xa2: {  	_ =	swait.ge [sflag:s23], $0x1  }
0xa3: {  	[sflag:s23] =	ssyncset.done $0x0  }
0xa4: {  	[sflag:s23] =	ssyncadd.s32 $0xFFFFFFFF  }
0xa5: {  	s5 =	sld [smem:$0x0]  }
0xa6: {  	s6 =	sand.u32 $0xFFFFFFFE, s1  }
0xa7: {  	p0 =	sne.s32 s1, s6  }
0xa8: {  	s6 =	sshll.u32 @p0 s6, $0xE  }
0xa9: {  	s6 =	sadd.s32 @p0 $0x11B8D, s6;
	s7 =	sshll.u32 @p0 s5, $0x11  }
0xaa: {  	s6 =	sor.u32 @p0 s7, s6  }
0xab: {  	[sflag:s6] =	ssyncadd.remote.s32 @p0 $0x1;
	_ =	sdelay $0x1  }
0xac: {  	s6 =	simm.s32 @p0 $0x1B8D  }
0xad: {  	_ =	swait.eq @p0 [sflag:s6], $0x1  }
0xae: {  	[sflag:s6] =	ssyncadd.s32 @p0 $0xFFFFFFFF  }
0xaf: {  	s7 =	sshll.u32 @!p0 s1, $0xE  }
0xb0: {  	s7 =	sor.u32 @!p0 $0x4000, s7;
	s6 =	simm.s32 @!p0 $0x1B8D  }
0xb1: {  	s5 =	sshll.u32 @!p0 s5, $0x11;
	s7 =	sadd.s32 @!p0 $0x11B8D, s7;
	_ =	swait.eq @!p0 [sflag:s6], $0x1  }
0xb2: {  	s5 =	sor.u32 @!p0 s5, s7;
	[sflag:s6] =	ssyncadd.s32 @!p0 $0xFFFFFFFF  }
0xb3: {  	s25 =	simm.s32 $0x1B8E;
	s24 =	sld [smem:$0x3FFE];
	[sflag:s5] =	ssyncadd.remote.s32 @!p0 $0x1  }
0xb4: {  	s26 =	simm.s32 $execute0_lowered;
	[smem:$0x3FD2] =	sst s25  }
0xb5: {  	s6 =	sshll.u32 s26, $0x1;
	_ =	strace $0x8000004C;
	[dreg:$0x1] =	wrdreg $0xFFFFFFFF  }
0xb6: {  	s28 =	simm.s32 $_size_execute0_lowered;
	s4 =	sadd.s32 s4, s6;
	[dreg:$0x0] =	wrdreg $0x0  }
0xb7: {  	s6 =	sshll.u32 s28, $0x1;
	[dreg:$0x2] =	wrdreg s4  }
0xb8: {  	[dreg:$0x3] =	wrdreg s6  }
0xb9: {  	[dreg:$0x4] =	wrdreg $0xC0  }
0xba: {  	_ =	task [dreg:s22], $0x5FFFF  }
0xbb: {  	[dreg:$0x1] =	wrdreg $0xFFFFFFFF  }
0xbc: {  	[dreg:$0x0] =	wrdreg $0x60  }
0xbd: {  	[dreg:$0x2] =	wrdreg s24  }
0xbe: {  	[dreg:$0x3] =	wrdreg s18  }
0xbf: {  	[dreg:$0x4] =	wrdreg $0x81000  }
0xc0: {  	[dreg:$0x5] =	wrdreg $0xA  }
0xc1: {  	_ =	task.clear_ibuf [dreg:s22], $0x6FFFF;
	_ =	strace $0x9000004C  }
0xc2: {  	s29 =	simm.s32 $0xA;
	_ =	strace $0x8000004E  }
0xc3: {  	_ =	swait.ge [sflag:s29], $0x1  }
0xc4: {  	[sflag:s29] =	ssyncadd.s32 $0xFFFFFFFF  }
0xc5: {  	_ =	strace $0x9000004E  }
0xc6: {  	_ =	sfence  }
0xc7: {  	s30 =	sld [smem:$0x0];
	_ =	sdelay $0x2  }
0xc8: {  	s31 =	sshll.u32 s1, $0xD;
	s1 =	sshrl.u32 s1, $0x2  }
0xc9: {  	s4 =	sand.u32 $0x4000, s31;
	s1 =	sadd.s32 s1, s30  }
0xca: {  	s0 =	sor.u32 s4, s0;
	s1 =	sshll.u32 s1, $0x11  }
0xcb: {  	s0 =	sor.u32 s1, s0  }
0xcc: {  	s0 =	sadd.s32 $0x8F2B, s0  }
0xcd: {  	[sflag:s0] =	ssyncadd.remote.s32 $0x1  }
0xce: {  	_ =	sfence.sel $0xFFFF  }
0xcf: {  	[dreg:$0x0] =	wrdreg $0xFFFFFFFF;
	(pc) =	sbr.abs _section_cstart, $3  }
0xd0: {  	[dreg:$0x1] =	wrdreg $0xFFFFFFFF  }
0xd1: {  	_ =	task.clear_ibuf [dreg:s22], $0x2FFFF;
	_ =	strace $0x9FFFFFFF  }
0xd2: {  	(tm) =	ssettm $0x7FFFFFFF  }
0xd3: {  	_ =	shalt  }
tec
execute0_lowered:
.L_overlay_start_1:
0x0: {  	(tag) =	ssettag $0x1  }
0x1: {  	s5 =	rddreg [dreg:$0x0];
	s0 =	stileid.u32  }
0x2: {  	s2 =	rddreg [dreg:$0x1];
	s6 =	smul.u32 $0x13C00, s0  }
0x3: {  	s1 =	srdreg.scid;
	s8 =	smul.u32 $0x4F000, s0  }
0x4: {  	s3 =	rddreg [dreg:$0x2];
	s12 =	smul.u32 $0x50, s0  }
0x5: {  	s4 =	simm.s32 $0x0;
	s17 =	simm.s32 $0x1;
	s14 =	smul.u32 $0x500, s0  }
0x6: {  	s18 =	simm.s32 $0x2;
	s9 =	sand.u32 $0x1, s1;
	s16 =	smul.u32 $0x28000, s0  }
0x7: {  	s19 =	simm.s32 $0x0;
	s1 =	rddreg [dreg:$0x3];
	s7 =	smul.u32 $0x13C000, s9  }
0x8: {  	[smem:$0x7FF] =	sst s4;
	s11 =	sadd.s32 $0x325400, s5;
	s26 =	smul.u32 $0x28, s9  }
0x9: {  	s28 =	sshll.u32 s0, $0x6;
	s25 =	ssub.s32 $0x2, s9;
	s29 =	smul.u32 $0x280, s9  }
0xa: {  	_ =	strace $0x8000004D;
	s31 =	smul.u32 $0x14000, s9;
	s10 =	sshrl.u32 s25, $0x1  }
0xb: {  	s8 =	sshrl.u32 s8, $0x2;
	s7 =	sadd.s32 s6, s7;
	s6 =	sshrl.u32 s6, $0x3  }
0xc: {  	s10 =	ssub.s32 s25, s10;
	s13 =	sadd.s32 s8, s3;
	s8 =	sadd.s32 s26, s12  }
0xd: {  	s7 =	sshrl.u32 s7, $0x3;
	s6 =	sadd.s32 s6, s5;
	s15 =	sshll.u32 s8, $0xB  }
0xe: {  	s8 =	smax.u32 s10, $0x1;
	s10 =	sadd.s32 s29, s14;
	s12 =	sshrl.u32 s13, $0x3  }
0xf: {  	s13 =	simm.s32 $0x3;
	s14 =	simm.s32 $0x100;
	s7 =	sadd.s32 s7, s5  }
0x10: {  	s5 =	sadd.s32 $0x2AE400, s6;
	s6 =	sor.u32 $0x1C03, s28;
	s30 =	sadd.s32 s15, s11  }
0x11: {  	s11 =	sadd.s32 s16, s11;
	s15 =	simm.s32 $0x80;
	s16 =	simm.s32 $0x4100  }
0x12: {  	s7 =	sadd.s32 $0x29400, s7;
	s9 =	sadd.s32 $0x800, s30;
	s11 =	sadd.s32 s31, s11  }
.LBB2_1:
0x13: {  	[spmem:s12], [sflag:s6] =	dma.local [hbm:s5], $0x2780  }
0x14: {  	_ =	swait.ge [sflag:s13], $0x2780  }
0x15: {  	s20 =	sadd.s32 $0x0, s10;
	s21 =	sand.u32 $0x60, s4;
	[sflag:s13] =	ssyncset.done $0x0  }
0x16: {  	s22 =	sand.u32 $0xFFFFF80, s20;
	s21 =	sadd.s32 s2, s21;
	[sflag:s13] =	ssyncadd.s32 $0xFFFFD880  }
0x17: {  	s20 =	sadd.s32 $0x10, s20;
	s21 =	sadd.s32 s22, s21;
	[bflag:$0x0] =	sbarrier.arrive $0xFFFF  }
0x18: {  	[tilespmem:s4], [sflag:$0x1] =	stream.linear.gather [hbm4b:s21+s4], $0x80, $0x38;
	[tilespmem:$0x1BD00] =	vst v63  }
0x19: {  	s20 =	sand.u32 $0x70, s20;
	s31 =	sadd.s32 s2, s22  }
0x1a: {  	[tilespmem:s14], [sflag:$0x2] =	stream.linear.gather [hbm4b:s11+s4], $0x4000, $0x38;
	[tilespmem:$0x1BD00] =	vst v63  }
0x1b: {  	s20 =	sadd.s32 s20, s31  }
0x1c: {  	[tilespmem:s15], [sflag:$0x1] =	stream.linear.gather [hbm4b:s20+s4], $0x80, $0x38;
	[tilespmem:$0x1BD00] =	vst v63  }
0x1d: {  	_ = 	snop  }
0x1e: {  	[tilespmem:s16], [sflag:$0x2] =	stream.linear.gather [hbm4b:s9+s4], $0x4000, $0x38;
	[tilespmem:$0x1BD00] =	vst v63  }
0x1f: {  	_ =	swait.ge [sflag:s17], $0x80  }
0x20: {  	[sflag:s17] =	ssyncset.done $0x0  }
0x21: {  	[sflag:s17] =	ssyncadd.s32 $0xFFFFFF80  }
0x22: {  	_ =	swait.ge [sflag:s18], $0x4000  }
0x23: {  	[sflag:s18] =	ssyncset.done $0x0  }
0x24: {  	[sflag:s18] =	ssyncadd.s32 $0xFFFFC000  }
0x25: {  	[spmem:s3] =	stream.indirect.scatter.add.f32 [tilespmem:s14], [sflag:$0x3], $0x80, s4, s15, $0xb8;
	[tilespmem:$0x1BD00] =	vst v63  }
0x26: {  	_ =	swait.ge [sflag:s13], $0x4000  }
0x27: {  	[sflag:s13] =	ssyncset.done $0x0  }
0x28: {  	[sflag:s13] =	ssyncadd.s32 $0xFFFFC000  }
0x29: {  	_ =	swait.ge [sflag:s17], $0x80  }
0x2a: {  	[sflag:s17] =	ssyncset.done $0x0  }
0x2b: {  	[sflag:s17] =	ssyncadd.s32 $0xFFFFFF80  }
0x2c: {  	_ =	swait.ge [sflag:s18], $0x4000  }
0x2d: {  	s23 =	simm.s32 $0x20;
	s24 =	sadd.s32 $0x20, s10;
	[sflag:s18] =	ssyncset.done $0x0  }
0x2e: {  	s25 =	sand.u32 $0x60, s23;
	s23 =	sand.u32 $0xFFFFF80, s24;
	[sflag:s18] =	ssyncadd.s32 $0xFFFFC000  }
0x2f: {  	[spmem:s3] =	stream.indirect.scatter.add.f32 [tilespmem:s16], [sflag:$0x3], $0x80, s15, s15, $0xb8;
	[tilespmem:$0x1BD00] =	vst v63  }
0x30: {  	s22 =	simm.s32 $0x40;
	s25 =	sadd.s32 s2, s25;
	_ =	swait.ge [sflag:s13], $0x4000  }
0x31: {  	s21 =	sadd.s32 $0x1000, s11;
	s20 =	sadd.s32 $0x1000, s9;
	[sflag:s13] =	ssyncset.done $0x0  }
.LBB2_2:
0x32: {  	s25 =	sadd.s32 s23, s25  }
0x33: {  	s24 =	sadd.s32 $0x10, s24;
	[sflag:s13] =	ssyncadd.s32 $0xFFFFC000;
	s26 =	smov.u32 s22  }
0x34: {  	[tilespmem:s4], [sflag:$0x1] =	stream.linear.gather [hbm4b:s25+s4], $0x80, $0x38;
	[tilespmem:$0x1BD00] =	vst v63  }
0x35: {  	s28 =	sadd.s32 $0x20, s22;
	s23 =	sadd.s32 s2, s23;
	s24 =	sand.u32 $0x70, s24  }
0x36: {  	[tilespmem:s14], [sflag:$0x2] =	stream.linear.gather [hbm4b:s21+s4], $0x4000, $0x38;
	[tilespmem:$0x1BD00] =	vst v63  }
0x37: {  	p0 =	sne.s32 s22, $0x260;
	s22 =	sadd.s32 s24, s23  }
0x38: {  	[tilespmem:s15], [sflag:$0x1] =	stream.linear.gather [hbm4b:s22+s4], $0x80, $0x38;
	[tilespmem:$0x1BD00] =	vst v63  }
0x39: {  	_ = 	snop  }
0x3a: {  	[tilespmem:s16], [sflag:$0x2] =	stream.linear.gather [hbm4b:s20+s4], $0x4000, $0x38;
	[tilespmem:$0x1BD00] =	vst v63  }
0x3b: {  	_ =	swait.ge [sflag:s17], $0x80  }
0x3c: {  	[sflag:s17] =	ssyncset.done $0x0  }
0x3d: {  	[sflag:s17] =	ssyncadd.s32 $0xFFFFFF80  }
0x3e: {  	_ =	swait.ge [sflag:s18], $0x4000  }
0x3f: {  	[sflag:s18] =	ssyncset.done $0x0  }
0x40: {  	[sflag:s18] =	ssyncadd.s32 $0xFFFFC000  }
0x41: {  	[spmem:s3] =	stream.indirect.scatter.add.f32 [tilespmem:s14], [sflag:$0x3], $0x80, s4, s15, $0xb8;
	[tilespmem:$0x1BD00] =	vst v63  }
0x42: {  	_ =	swait.ge [sflag:s13], $0x4000  }
0x43: {  	[sflag:s13] =	ssyncset.done $0x0  }
0x44: {  	[sflag:s13] =	ssyncadd.s32 $0xFFFFC000  }
0x45: {  	_ =	swait.ge [sflag:s17], $0x80  }
0x46: {  	[sflag:s17] =	ssyncset.done $0x0  }
0x47: {  	[sflag:s17] =	ssyncadd.s32 $0xFFFFFF80  }
0x48: {  	_ =	swait.ge [sflag:s18], $0x4000  }
.Ltmp0:
0x49: {  	s24 =	sadd.s32 s26, s10;
	[sflag:s18] =	ssyncset.done $0x0;
	(pc) =	sbr.rel @p0 .LBB2_2-.Ltmp0, $4  }
0x4a: {  	s21 =	sadd.s32 $0x1000, s21;
	s20 =	sadd.s32 $0x1000, s20;
	[sflag:s18] =	ssyncadd.s32 $0xFFFFC000  }
0x4b: {  	[spmem:s3] =	stream.indirect.scatter.add.f32 [tilespmem:s16], [sflag:$0x3], $0x80, s15, s15, $0xb8;
	[tilespmem:$0x1BD00] =	vst v63  }
0x4c: {  	s23 =	sand.u32 $0xFFFFF80, s24;
	s22 =	sand.u32 $0x60, s26;
	_ =	swait.ge [sflag:s13], $0x4000  }
0x4d: {  	s25 =	sadd.s32 s2, s22;
	s22 =	smov.u32 s28;
	[sflag:s13] =	ssyncset.done $0x0  }
0x4e: {  	s22 =	sadd.s32 s23, s25;
	s24 =	sadd.s32 $0x10, s24;
	[sflag:s13] =	ssyncadd.s32 $0xFFFFC000  }
0x4f: {  	[tilespmem:s4], [sflag:$0x1] =	stream.linear.gather [hbm4b:s22+s4], $0x80, $0x38;
	[tilespmem:$0x1BD00] =	vst v63  }
0x50: {  	s30 =	sadd.s32 s2, s23;
	s29 =	sand.u32 $0x70, s24  }
0x51: {  	[tilespmem:s14], [sflag:$0x2] =	stream.linear.gather [hbm4b:s21+s4], $0x4000, $0x38;
	[tilespmem:$0x1BD00] =	vst v63  }
0x52: {  	s31 =	sadd.s32 s29, s30  }
0x53: {  	[tilespmem:s15], [sflag:$0x1] =	stream.linear.gather [hbm4b:s31+s4], $0x80, $0x38;
	[tilespmem:$0x1BD00] =	vst v63  }
0x54: {  	_ = 	snop  }
0x55: {  	[tilespmem:s16], [sflag:$0x2] =	stream.linear.gather [hbm4b:s20+s4], $0x4000, $0x38;
	[tilespmem:$0x1BD00] =	vst v63  }
0x56: {  	_ =	swait.ge [sflag:s17], $0x80  }
0x57: {  	[sflag:s17] =	ssyncset.done $0x0  }
0x58: {  	[sflag:s17] =	ssyncadd.s32 $0xFFFFFF80  }
0x59: {  	_ =	swait.ge [sflag:s18], $0x4000  }
0x5a: {  	[sflag:s18] =	ssyncset.done $0x0  }
0x5b: {  	[sflag:s18] =	ssyncadd.s32 $0xFFFFC000  }
0x5c: {  	[spmem:s3] =	stream.indirect.scatter.add.f32 [tilespmem:s14], [sflag:$0x3], $0x80, s4, s15, $0xb8;
	[tilespmem:$0x1BD00] =	vst v63  }
0x5d: {  	_ =	swait.ge [sflag:s13], $0x4000  }
0x5e: {  	[sflag:s13] =	ssyncset.done $0x0  }
0x5f: {  	[sflag:s13] =	ssyncadd.s32 $0xFFFFC000  }
0x60: {  	_ =	swait.ge [sflag:s17], $0x80  }
0x61: {  	[sflag:s17] =	ssyncset.done $0x0  }
0x62: {  	[sflag:s17] =	ssyncadd.s32 $0xFFFFFF80  }
0x63: {  	_ =	swait.ge [sflag:s18], $0x4000  }
0x64: {  	[sflag:s18] =	ssyncset.done $0x0  }
0x65: {  	[sflag:s18] =	ssyncadd.s32 $0xFFFFC000  }
0x66: {  	[spmem:s3] =	stream.indirect.scatter.add.f32 [tilespmem:s16], [sflag:$0x3], $0x80, s15, s15, $0xb8;
	[tilespmem:$0x1BD00] =	vst v63  }
0x67: {  	_ =	swait.ge [sflag:s13], $0x4000  }
0x68: {  	s19 =	sadd.s32 $0x1, s19;
	[sflag:s13] =	ssyncset.done $0x0  }
0x69: {  	p0 =	sne.s32 s19, s8;
	[sflag:s13] =	ssyncadd.s32 $0xFFFFC000  }
.Ltmp1:
0x6a: {  	[bflag:$0x0] =	sbarrier.arrive $0xFFFF;
	(pc) =	sbr.rel @p0 .LBB2_1-.Ltmp1, $4  }
0x6b: {  	[hbm:s7], [sflag:s6] =	dma.local [spmem:s12], $0x2780  }
0x6c: {  	_ =	swait.ge [sflag:s13], $0x2780  }
0x6d: {  	[sflag:s13] =	ssyncset.done $0x0  }
0x6e: {  	[sflag:s13] =	ssyncadd.s32 $0xFFFFD880  }
0x6f: {  	_ =	sfence.sel $0x180000  }
0x70: {  	[bflag:$0x0] =	sbarrier.arrive $0xFFFF  }
0x71: {  	p0 =	sne.s32 s0, $0x0;
	_ =	strace $0x9000004D  }
0x72: {  	s0 =	sadd.s32 @!p0 $0x100000, s1;
	[bflag:$0x2] =	sbarrier.arrive $0xFFFF  }
0x73: {  	[sflag:s0] =	ssyncadd.tile.s32 @!p0 $0x1;
	_ =	shalt  }
.Lfunc_end2:
_tile_overlayer_lowered:
.L_overlay_start_2:
0x74: {  	(tag) =	ssettag $0x2  }
0x75: {  	s0 =	rddreg [dreg:$0x0];
	s2 =	stileid.u32  }
0x76: {  	s1 =	rddreg [dreg:$0x1];
	p0 =	sne.s32 s2, $0x0  }
0x77: {  	s3 =	rddreg [dreg:$0x2];
	[bflag:$0x3] =	sbarrier.arrive $0xFFFF;
	s2 =	simm.s32 @!p0 $0x1C03  }
0x78: {  	[timem:s3], [sflag:s2] =	dma.local @!p0 [hbm:s0], s1  }
0x79: {  	s0 =	simm.s32 @!p0 $0x3  }
0x7a: {  	_ =	swait.ge @!p0 [sflag:s0], s1  }
0x7b: {  	s1 =	ssub.s32 @!p0 $0x0, s1;
	[sflag:s0] =	ssyncset.done @!p0 $0x0  }
0x7c: {  	[sflag:s0] =	ssyncadd.s32 @!p0 s1  }
0x7d: {  	[bflag:$0x3] =	sbarrier.arrive $0xFFFF  }
0x7e: {  	_ =	shalt  }

// kernel: kernel.7.cloned.1.call-start
scs
__scs_entry_jumppad:
0x0: {  	(pc) =	sbr.rel $0x88, $3  }
0x1: {  	(tag) =	ssettag $0x0;
	lr =	simm.s32 $0x1  }
0x2: {  	[smem:$0x3F99] =	sst lr;
	_ =	strace $0xD0000000  }
0x3: {  	_ = 	snop  }
0x4: {  	_ = 	snop  }
0x5: {  	_ = 	snop  }
0x6: {  	_ = 	snop  }
0x7: {  	_ = 	snop  }
__scs_overlays_trampoline_lowered:
0x8: {  	[smem:$0x3FA8] =	sst s0  }
0x9: {  	[smem:$0x3FA9] =	sst s1  }
0xa: {  	[smem:$0x3FAA] =	sst s2  }
0xb: {  	[smem:$0x3FAB] =	sst s3  }
0xc: {  	[smem:$0x3FAC] =	sst s4  }
0xd: {  	[smem:$0x3FAD] =	sst s5  }
0xe: {  	[smem:$0x3FAE] =	sst s6  }
0xf: {  	[smem:$0x3FAF] =	sst s7  }
0x10: {  	[smem:$0x3FB0] =	sst s8  }
0x11: {  	[smem:$0x3FB1] =	sst s9;
	s0 =	simm.s32 @!p0 $0x0  }
0x12: {  	s1 =	sld [smem:$0x3F97];
	s0 =	simm.s32 @p0 $0x1  }
0x13: {  	[smem:$0x3FB2] =	sst s0;
	s0 =	simm.s32 @!p1 $0x0  }
0x14: {  	s2 =	sld [smem:$0x3F96];
	s0 =	simm.s32 @p1 $0x1  }
0x15: {  	[smem:$0x3FB3] =	sst s0;
	s0 =	simm.s32 @!p2 $0x0  }
0x16: {  	s3 =	sld [smem:$0x3FDB];
	s0 =	simm.s32 @p2 $0x1  }
0x17: {  	s4 =	simm.s32 $0x1BF5;
	[smem:$0x3FB5] =	sst s0  }
0x18: {  	s0 =	sld [smem:$0x3F98];
	_ =	swait.ge [sflag:s4], $0x0  }
0x19: {  	s7 =	sld [smem:$0x3F99]  }
0x1a: {  	s8 =	sadd.s32 $0xFFFFE003, lr  }
0x1b: {  	s9 =	sadd.s32 $0xFFFFFEF7, lr;
	s5 =	simm.s32 $0xFFFFFFFF;
	p2 =	slt.u32 s8, $0xFFFFF086  }
0x1c: {  	p1 =	slt.u32 s9, $0xF7A;
	s5 =	simm.s32 @!p2 $0x0  }
0x1d: {  	s5 =	simm.s32 @p1 $0x1;
	p0 =	seq.s32 s7, s2  }
0x1e: {  	s7 =	smul.u32 @!p0 $0xF7A, s2;
	p2 =	seq.s32 @!p0 s5, $0x0  }
0x1f: {  	s9 =	smul.u32 $0xF7A, s1;
	s8 =	simm.s32 @!p0 $0x1BF5;
	p2 =	por !p2, p0  }
0x20: {  	[sflag:s8] =	ssyncset.s32 @!p0 $0xFFFFF086;
	s6 =	sadd.s32 @!p0 s3, s7;
	s7 =	simm.s32 @!p0 $0x108  }
0x21: {  	s3 =	sadd.s32 s3, s9;
	s6 =	sadd.s32 @!p0 $0x88, s6;
	s7 =	simm.s32 @p2 $0x1082  }
0x22: {  	[simem:s7], [sflag:s8] =	dma.local @!p0 [hbm:s6], $0xF7A  }
0x23: {  	s9 =	sor.u32 $0xD0000000, s2;
	s6 =	simm.s32 $0x108;
	_ =	swait.ge @!p0 [sflag:s8], $0x0  }
0x24: {  	s3 =	sadd.s32 $0x88, s3;
	s6 =	simm.s32 @!p1 $0x1082;
	[sflag:s4] =	ssyncset.s32 $0xFFFFF086  }
0x25: {  	[simem:s6], [sflag:s4] =	dma.local [hbm:s3], $0xF7A  }
0x26: {  	[smem:$0x3F99] =	sst s1;
	(tag) =	ssettag s2;
	_ =	strace s9  }
0x27: {  	s1 =	sld [smem:$0x3FA9]  }
0x28: {  	s2 =	sld [smem:$0x3FAA]  }
0x29: {  	s4 =	sld [smem:$0x3FAC]  }
0x2a: {  	p0 =	seq.s32 s5, $0x0;
	s5 =	sld [smem:$0x3FAD]  }
0x2b: {  	s6 =	sld [smem:$0x3FAE]  }
0x2c: {  	s7 =	sld [smem:$0x3FAF]  }
0x2d: {  	s3 =	simm.s32 $0x108;
	s8 =	sld [smem:$0x3FB0]  }
0x2e: {  	s3 =	simm.s32 @!p0 $0x1082;
	s9 =	sld [smem:$0x3FB1]  }
0x2f: {  	lr =	sadd.s32 s0, s3;
	s0 =	sld [smem:$0x3FA8]  }
0x30: {  	s3 =	sld [smem:$0x3FAB]  }
0x31: {  	[smem:$0x3FB4] =	sst s10  }
0x32: {  	s10 =	sld [smem:$0x3FB2];
	_ =	sdelay $0x3  }
0x33: {  	p0 =	seq.s32 s10, $0x1;
	s10 =	sld [smem:$0x3FB4];
	_ =	sdelay $0x3  }
0x34: {  	[smem:$0x3FB4] =	sst s10  }
0x35: {  	s10 =	sld [smem:$0x3FB3];
	_ =	sdelay $0x3  }
0x36: {  	p1 =	seq.s32 s10, $0x1;
	s10 =	sld [smem:$0x3FB4];
	_ =	sdelay $0x3  }
0x37: {  	[smem:$0x3FB4] =	sst s10  }
0x38: {  	s10 =	sld [smem:$0x3FB5]  }
0x39: {  	_ = 	snop;
	(pc) =	sbr.ind lr, $3  }
0x3a: {  	_ = 	snop  }
0x3b: {  	_ = 	snop  }
0x3c: {  	p2 =	seq.s32 s10, $0x1;
	s10 =	sld [smem:$0x3FB4]  }
0x3d: {  	_ =	shalt  }
0x3e: {  	_ =	shalt  }
0x3f: {  	_ =	shalt  }
0x40: {  	_ =	shalt  }
0x41: {  	_ =	shalt  }
0x42: {  	_ =	shalt  }
0x43: {  	_ =	shalt  }
0x44: {  	_ =	shalt  }
0x45: {  	_ =	shalt  }
0x46: {  	_ =	shalt  }
0x47: {  	_ =	shalt  }
0x48: {  	_ =	shalt  }
0x49: {  	_ =	shalt  }
0x4a: {  	_ =	shalt  }
0x4b: {  	_ =	shalt  }
0x4c: {  	_ =	shalt  }
0x4d: {  	_ =	shalt  }
0x4e: {  	_ =	shalt  }
0x4f: {  	_ =	shalt  }
0x50: {  	_ =	shalt  }
0x51: {  	_ =	shalt  }
0x52: {  	_ =	shalt  }
0x53: {  	_ =	shalt  }
0x54: {  	_ =	shalt  }
0x55: {  	_ =	shalt  }
0x56: {  	_ =	shalt  }
0x57: {  	_ =	shalt  }
0x58: {  	_ =	shalt  }
0x59: {  	_ =	shalt  }
0x5a: {  	_ =	shalt  }
0x5b: {  	_ =	shalt  }
0x5c: {  	_ =	shalt  }
0x5d: {  	_ =	shalt  }
0x5e: {  	_ =	shalt  }
0x5f: {  	_ =	shalt  }
0x60: {  	_ =	shalt  }
0x61: {  	_ =	shalt  }
0x62: {  	_ =	shalt  }
0x63: {  	_ =	shalt  }
0x64: {  	_ =	shalt  }
0x65: {  	_ =	shalt  }
0x66: {  	_ =	shalt  }
0x67: {  	_ =	shalt  }
0x68: {  	_ =	shalt  }
0x69: {  	_ =	shalt  }
0x6a: {  	_ =	shalt  }
0x6b: {  	_ =	shalt  }
0x6c: {  	_ =	shalt  }
0x6d: {  	_ =	shalt  }
0x6e: {  	_ =	shalt  }
0x6f: {  	_ =	shalt  }
0x70: {  	_ =	shalt  }
0x71: {  	_ =	shalt  }
0x72: {  	_ =	shalt  }
0x73: {  	_ =	shalt  }
0x74: {  	_ =	shalt  }
0x75: {  	_ =	shalt  }
0x76: {  	_ =	shalt  }
0x77: {  	_ =	shalt  }
0x78: {  	_ =	shalt  }
0x79: {  	_ =	shalt  }
0x7a: {  	_ =	shalt  }
0x7b: {  	_ =	shalt  }
0x7c: {  	_ =	shalt  }
0x7d: {  	_ =	shalt  }
0x7e: {  	_ =	shalt  }
0x7f: {  	_ =	shalt  }
0x80: {  	_ =	shalt  }
0x81: {  	_ =	shalt  }
0x82: {  	_ =	shalt  }
0x83: {  	_ =	shalt  }
0x84: {  	_ =	shalt  }
0x85: {  	_ =	shalt  }
0x86: {  	_ =	shalt  }
0x87: {  	_ =	shalt  }
.Lfunc_end0:
.L_simem_size_0:
called_computation_lowered:
.L_overlay_start_0:
0x88: {  	s2 =	sld [smem:$0x3FD9]  }
0x89: {  	s3 =	sld [smem:$0x3FFE];
	_ =	sdelay $0x1  }
0x8a: {  	s1 =	srdreg.scid  }
0x8b: {  	s0 =	sand.u32 $0x1, s1  }
0x8c: {  	s17 =	sshll.u32 s0, $0xA;
	s2 =	sadd.s32 s3, s2  }
0x8d: {  	s2 =	sadd.s32 s2, s17  }
0x8e: {  	[smem:$0x3FC0] =	sst s2  }
0x8f: {  	_ = 	snop  }
0x90: {  	s18 =	sld [smem:$0x3FD0];
	(tm) =	ssettm $0x1  }
0x91: {  	s19 =	sld [smem:$0x3FFB];
	_ =	sdelay $0x3  }
0x92: {  	_ =	strace s19  }
0x93: {  	s2 =	sld [smem:$0x3FFC];
	_ =	sdelay $0x3  }
0x94: {  	_ =	strace s2  }
0x95: {  	s2 =	sld [smem:$0x3FFD];
	_ =	sdelay $0x3  }
0x96: {  	_ =	strace s2  }
0x97: {  	_ =	strace $0x8FFFFFFF  }
0x98: {  	s20 =	sld [smem:$0x3FDB];
	_ =	sdelay $0x1  }
0x99: {  	s4 =	simm.s32 $_scs_section_size  }
0x9a: {  	s5 =	simm.s32 $_size__tile_overlayer_lowered;
	s6 =	simm.s32 $_tile_overlayer_lowered  }
0x9b: {  	s7 =	simm.s32 $0x1BFF;
	s21 =	sshll.u32 s6, $0x1;
	s4 =	sadd.s32 s4, s20  }
0x9c: {  	s22 =	simm.s32 $0x0;
	s5 =	sshll.u32 s5, $0x1;
	s6 =	sadd.s32 s21, s4  }
0x9d: {  	[timem:s22], [sflag:s7] =	dma.local [hbm:s6], s5  }
0x9e: {  	_ =	swait.ge [sflag:s7], s5  }
0x9f: {  	s5 =	ssub.s32 $0x0, s5;
	[sflag:s7] =	ssyncset.done $0x0  }
0xa0: {  	[sflag:s7] =	ssyncadd.s32 s5;
	_ =	sdelay $0x1  }
0xa1: {  	s23 =	simm.s32 $0x1B8B  }
0xa2: {  	_ =	swait.ge [sflag:s23], $0x1  }
0xa3: {  	[sflag:s23] =	ssyncset.done $0x0  }
0xa4: {  	[sflag:s23] =	ssyncadd.s32 $0xFFFFFFFF  }
0xa5: {  	s5 =	sld [smem:$0x0]  }
0xa6: {  	s6 =	sand.u32 $0xFFFFFFFE, s1  }
0xa7: {  	p0 =	sne.s32 s1, s6  }
0xa8: {  	s6 =	sshll.u32 @p0 s6, $0xE  }
0xa9: {  	s6 =	sadd.s32 @p0 $0x11B8D, s6;
	s7 =	sshll.u32 @p0 s5, $0x11  }
0xaa: {  	s6 =	sor.u32 @p0 s7, s6  }
0xab: {  	[sflag:s6] =	ssyncadd.remote.s32 @p0 $0x1;
	_ =	sdelay $0x1  }
0xac: {  	s6 =	simm.s32 @p0 $0x1B8D  }
0xad: {  	_ =	swait.eq @p0 [sflag:s6], $0x1  }
0xae: {  	[sflag:s6] =	ssyncadd.s32 @p0 $0xFFFFFFFF  }
0xaf: {  	s7 =	sshll.u32 @!p0 s1, $0xE  }
0xb0: {  	s7 =	sor.u32 @!p0 $0x4000, s7;
	s6 =	simm.s32 @!p0 $0x1B8D  }
0xb1: {  	s5 =	sshll.u32 @!p0 s5, $0x11;
	s7 =	sadd.s32 @!p0 $0x11B8D, s7;
	_ =	swait.eq @!p0 [sflag:s6], $0x1  }
0xb2: {  	s5 =	sor.u32 @!p0 s5, s7;
	[sflag:s6] =	ssyncadd.s32 @!p0 $0xFFFFFFFF  }
0xb3: {  	s25 =	simm.s32 $0x1B8E;
	s24 =	sld [smem:$0x3FFE];
	[sflag:s5] =	ssyncadd.remote.s32 @!p0 $0x1  }
0xb4: {  	s26 =	simm.s32 $execute0_lowered;
	[smem:$0x3FD2] =	sst s25  }
0xb5: {  	s6 =	sshll.u32 s26, $0x1;
	_ =	strace $0x80000049;
	[dreg:$0x1] =	wrdreg $0xFFFFFFFF  }
0xb6: {  	s28 =	simm.s32 $_size_execute0_lowered;
	s4 =	sadd.s32 s4, s6;
	[dreg:$0x0] =	wrdreg $0x0  }
0xb7: {  	s6 =	sshll.u32 s28, $0x1;
	[dreg:$0x2] =	wrdreg s4  }
0xb8: {  	[dreg:$0x3] =	wrdreg s6  }
0xb9: {  	[dreg:$0x4] =	wrdreg $0xC0  }
0xba: {  	_ =	task [dreg:s22], $0x5FFFF  }
0xbb: {  	[dreg:$0x1] =	wrdreg $0xFFFFFFFF  }
0xbc: {  	[dreg:$0x0] =	wrdreg $0x60  }
0xbd: {  	[dreg:$0x2] =	wrdreg s18  }
0xbe: {  	[dreg:$0x3] =	wrdreg s24  }
0xbf: {  	[dreg:$0x4] =	wrdreg $0x40800  }
0xc0: {  	[dreg:$0x5] =	wrdreg $0x9  }
0xc1: {  	_ =	task.clear_ibuf [dreg:s22], $0x6FFFF;
	_ =	strace $0x90000049  }
0xc2: {  	s29 =	simm.s32 $0x9;
	_ =	strace $0x8000004B  }
0xc3: {  	_ =	swait.ge [sflag:s29], $0x1  }
0xc4: {  	[sflag:s29] =	ssyncadd.s32 $0xFFFFFFFF  }
0xc5: {  	_ =	strace $0x9000004B  }
0xc6: {  	_ =	sfence  }
0xc7: {  	s30 =	sld [smem:$0x0];
	_ =	sdelay $0x2  }
0xc8: {  	s31 =	sshll.u32 s1, $0xD;
	s1 =	sshrl.u32 s1, $0x2  }
0xc9: {  	s4 =	sand.u32 $0x4000, s31;
	s1 =	sadd.s32 s1, s30  }
0xca: {  	s0 =	sor.u32 s4, s0;
	s1 =	sshll.u32 s1, $0x11  }
0xcb: {  	s0 =	sor.u32 s1, s0  }
0xcc: {  	s0 =	sadd.s32 $0x8F2B, s0  }
0xcd: {  	[sflag:s0] =	ssyncadd.remote.s32 $0x1  }
0xce: {  	_ =	sfence.sel $0xFFFF  }
0xcf: {  	[dreg:$0x0] =	wrdreg $0xFFFFFFFF;
	(pc) =	sbr.abs _section_cstart, $3  }
0xd0: {  	[dreg:$0x1] =	wrdreg $0xFFFFFFFF  }
0xd1: {  	_ =	task.clear_ibuf [dreg:s22], $0x2FFFF;
	_ =	strace $0x9FFFFFFF  }
0xd2: {  	(tm) =	ssettm $0x7FFFFFFF  }
0xd3: {  	_ =	shalt  }
tec
execute0_lowered:
.L_overlay_start_1:
0x0: {  	(tag) =	ssettag $0x1  }
0x1: {  	s1 =	rddreg [dreg:$0x0]  }
0x2: {  	s6 =	rddreg [dreg:$0x1]  }
0x3: {  	s0 =	stileid.u32;
	s2 =	srdreg.scid  }
0x4: {  	s3 =	rddreg [dreg:$0x2];
	s4 =	simm.s32 $0x0;
	s5 =	smul.u32 $0x13C00, s0  }
0x5: {  	s7 =	sand.u32 $0x1, s2;
	s2 =	rddreg [dreg:$0x3];
	s10 =	smul.u32 $0x4F000, s0  }
0x6: {  	[smem:$0x7FF] =	sst s4;
	s11 =	smul.u32 $0x500, s0  }
0x7: {  	s31 =	sshll.u32 s0, $0x6;
	s8 =	smul.u32 $0x13C000, s7;
	_ =	strace $0x8000004A  }
0x8: {  	s30 =	ssub.s32 $0x2, s7;
	s13 =	smul.u32 $0x280, s7;
	s9 =	sshrl.u32 s5, $0x3  }
0x9: {  	s12 =	sshrl.u32 s30, $0x1;
	s10 =	sshrl.u32 s10, $0x2;
	s9 =	sadd.s32 s9, s6  }
0xa: {  	s8 =	sadd.s32 s5, s8;
	s5 =	sadd.s32 $0x2D5C00, s6;
	s12 =	ssub.s32 s30, s12  }
0xb: {  	s14 =	sadd.s32 s10, s3;
	s10 =	simm.s32 $0x80;
	s8 =	sshrl.u32 s8, $0x3  }
0xc: {  	s8 =	sadd.s32 s8, s6;
	s6 =	sadd.s32 $0x2AE400, s9;
	s9 =	sadd.s32 s13, s11  }
0xd: {  	s11 =	simm.s32 $0x1;
	s13 =	sshrl.u32 s14, $0x3;
	s14 =	simm.s32 $0x0  }
0xe: {  	s7 =	sadd.s32 $0x2D6400, s8;
	s8 =	smax.u32 s12, $0x1;
	s12 =	sor.u32 $0x1C01, s31  }
.LBB2_1:
0xf: {  	[tilespmem:s10], [sflag:$0x1] =	stream.linear.gather [hbm4b:s5+s4], $0x4000, $0x38;
	[tilespmem:$0x17C80] =	vst v63  }
0x10: {  	_ =	swait.ge [sflag:s11], $0x4000  }
0x11: {  	[sflag:s11] =	ssyncset.done $0x0  }
0x12: {  	[sflag:s11] =	ssyncadd.s32 $0xFFFFC000  }
0x13: {  	[spmem:s13], [sflag:s12] =	dma.local [hbm:s6], $0x2780  }
0x14: {  	_ =	swait.ge [sflag:s11], $0x2780  }
0x15: {  	s15 =	sadd.s32 $0x0, s9;
	s16 =	sand.u32 $0x70, s4;
	[sflag:s11] =	ssyncset.done $0x0  }
0x16: {  	s15 =	sand.u32 $0xFFFFF80, s15;
	s16 =	sadd.s32 s1, s16;
	[sflag:s11] =	ssyncadd.s32 $0xFFFFD880  }
0x17: {  	s15 =	sadd.s32 s15, s16;
	[bflag:$0x0] =	sbarrier.arrive $0xFFFF  }
0x18: {  	[tilespmem:s4], [sflag:$0x1] =	stream.linear.gather [hbm4b:s15+s4], $0x80, $0x38;
	[tilespmem:$0x17C80] =	vst v63  }
0x19: {  	_ =	swait.ge [sflag:s11], $0x80  }
0x1a: {  	[sflag:s11] =	ssyncset.done $0x0  }
0x1b: {  	s31 =	simm.s32 $0x10;
	s17 =	sadd.s32 $0x10, s9;
	[sflag:s11] =	ssyncadd.s32 $0xFFFFFF80  }
0x1c: {  	[spmem:s3] =	stream.indirect.scatter.add.f32 [tilespmem:s10], [sflag:$0x1], $0x80, s4, s10, $0xb8;
	[tilespmem:$0x17C80] =	vst v63  }
0x1d: {  	s18 =	sand.u32 $0x70, s31;
	s16 =	sand.u32 $0xFFFFF80, s17;
	_ =	swait.ge [sflag:s11], $0x4000  }
0x1e: {  	s17 =	sadd.s32 s1, s18;
	s15 =	simm.s32 $0x20;
	[sflag:s11] =	ssyncset.done $0x0  }
.LBB2_2:
0x1f: {  	s16 =	sadd.s32 s16, s17  }
0x20: {  	[sflag:s11] =	ssyncadd.s32 $0xFFFFC000;
	s17 =	smov.u32 s15;
	s18 =	sadd.s32 $0x10, s15  }
0x21: {  	[tilespmem:s4], [sflag:$0x1] =	stream.linear.gather [hbm4b:s16+s4], $0x80, $0x38;
	[tilespmem:$0x17C80] =	vst v63  }
0x22: {  	p0 =	sne.s32 s15, $0x270;
	_ =	swait.ge [sflag:s11], $0x80  }
.Ltmp0:
0x23: {  	[sflag:s11] =	ssyncset.done $0x0;
	(pc) =	sbr.rel @p0 .LBB2_2-.Ltmp0, $4  }
0x24: {  	s15 =	sadd.s32 s17, s9;
	[sflag:s11] =	ssyncadd.s32 $0xFFFFFF80  }
0x25: {  	[spmem:s3] =	stream.indirect.scatter.add.f32 [tilespmem:s10], [sflag:$0x1], $0x80, s4, s10, $0xb8;
	[tilespmem:$0x17C80] =	vst v63  }
0x26: {  	s17 =	sand.u32 $0x70, s17;
	s16 =	sand.u32 $0xFFFFF80, s15;
	_ =	swait.ge [sflag:s11], $0x4000  }
0x27: {  	s17 =	sadd.s32 s1, s17;
	s15 =	smov.u32 s18;
	[sflag:s11] =	ssyncset.done $0x0  }
0x28: {  	s15 =	sadd.s32 s16, s17;
	[sflag:s11] =	ssyncadd.s32 $0xFFFFC000  }
0x29: {  	[tilespmem:s4], [sflag:$0x1] =	stream.linear.gather [hbm4b:s15+s4], $0x80, $0x38;
	[tilespmem:$0x17C80] =	vst v63  }
0x2a: {  	_ =	swait.ge [sflag:s11], $0x80  }
0x2b: {  	[sflag:s11] =	ssyncset.done $0x0  }
0x2c: {  	[sflag:s11] =	ssyncadd.s32 $0xFFFFFF80  }
0x2d: {  	[spmem:s3] =	stream.indirect.scatter.add.f32 [tilespmem:s10], [sflag:$0x1], $0x80, s4, s10, $0xb8;
	[tilespmem:$0x17C80] =	vst v63  }
0x2e: {  	_ =	swait.ge [sflag:s11], $0x4000  }
0x2f: {  	s14 =	sadd.s32 $0x1, s14;
	[sflag:s11] =	ssyncset.done $0x0  }
0x30: {  	p0 =	sne.s32 s14, s8;
	[sflag:s11] =	ssyncadd.s32 $0xFFFFC000  }
.Ltmp1:
0x31: {  	[bflag:$0x0] =	sbarrier.arrive $0xFFFF;
	(pc) =	sbr.rel @p0 .LBB2_1-.Ltmp1, $4  }
0x32: {  	[hbm:s7], [sflag:s12] =	dma.local [spmem:s13], $0x2780  }
0x33: {  	_ =	swait.ge [sflag:s11], $0x2780  }
0x34: {  	[sflag:s11] =	ssyncset.done $0x0  }
0x35: {  	[sflag:s11] =	ssyncadd.s32 $0xFFFFD880  }
0x36: {  	_ =	sfence.sel $0x180000  }
0x37: {  	[bflag:$0x0] =	sbarrier.arrive $0xFFFF  }
0x38: {  	p0 =	sne.s32 s0, $0x0;
	_ =	strace $0x9000004A  }
0x39: {  	s0 =	sadd.s32 @!p0 $0x100000, s2;
	[bflag:$0x2] =	sbarrier.arrive $0xFFFF  }
0x3a: {  	[sflag:s0] =	ssyncadd.tile.s32 @!p0 $0x1;
	_ =	shalt  }
.Lfunc_end2:
_tile_overlayer_lowered:
.L_overlay_start_2:
0x3b: {  	(tag) =	ssettag $0x2  }
0x3c: {  	s0 =	rddreg [dreg:$0x0];
	s2 =	stileid.u32  }
0x3d: {  	s1 =	rddreg [dreg:$0x1];
	p0 =	sne.s32 s2, $0x0  }
0x3e: {  	s3 =	rddreg [dreg:$0x2];
	[bflag:$0x3] =	sbarrier.arrive $0xFFFF;
	s2 =	simm.s32 @!p0 $0x1C01  }
0x3f: {  	[timem:s3], [sflag:s2] =	dma.local @!p0 [hbm:s0], s1  }
0x40: {  	s0 =	simm.s32 @!p0 $0x1  }
0x41: {  	_ =	swait.ge @!p0 [sflag:s0], s1  }
0x42: {  	s1 =	ssub.s32 @!p0 $0x0, s1;
	[sflag:s0] =	ssyncset.done @!p0 $0x0  }
0x43: {  	[sflag:s0] =	ssyncadd.s32 @!p0 s1  }
0x44: {  	[bflag:$0x3] =	sbarrier.arrive $0xFFFF  }
0x45: {  	_ =	shalt  }

</sc_bundles>
